<compile_context>
chip_gen: v7x
topology: tpu7x:2x2x1
jax: 0.10.2.dev20260603
libtpu: 0.0.44.dev20260713+nightly
codegen_flags: <defaults>
</compile_context>

<pallas_src>
import functools

import jax
import jax.numpy as jnp
from jax import lax
from jax.experimental import pallas as pl
from jax.experimental.pallas import tpu as pltpu
from jax.experimental.pallas import tpu_sc as plsc

VOCAB = 1000000
DIM = 32
SEQ = 50
BATCH = 4096
NC = 2
NS = 16
LANES = 16
CPT = 2 * SEQ
MAIN = 999424
PADW = 1000448
KCH = 4096
NCHK = MAIN // KCH


def _det_body(tT_hbm, tail_hbm, outf_hbm, stg_v, ssem0, ssem1, wsem):
    cid = lax.axis_index("c")
    sid = lax.axis_index("s")
    ssems = (ssem0, ssem1)
    nmine = (NCHK - 1 - sid) // NS + 1

    def my_t(m):
        return m * NS + sid

    def run_group(g):
        def stage(m, b):
            c0 = my_t(m) * KCH
            return pltpu.make_async_copy(
                tT_hbm.at[pl.ds(8 * g, 8), pl.ds(c0, KCH)],
                stg_v.at[b, pl.ds(0, 8), pl.ds(0, KCH)],
                ssems[b],
            )

        def wr(m, b, k):
            c0 = my_t(m) * KCH
            dl = k // (KCH // 1024)
            j = k % (KCH // 1024)
            return pltpu.make_async_copy(
                stg_v.at[b, dl, pl.ds(j * 1024, 1024)],
                outf_hbm.at[pl.ds((8 * g + dl) * PADW + c0 + j * 1024, 1024)],
                wsem,
            )

        nw = 8 * (KCH // 1024)

        stage(0, 0).start()

        def task_pair(mp, c):
            for b in range(2):
                m = mp * 2 + b

                @pl.when(m < nmine)
                def _(m=m, b=b):
                    stage(m, b).wait()

                    @pl.when(m + 1 < nmine)
                    def _():
                        stage(m + 1, 1 - b).start()

                    def wfire(k, c2):
                        wr(m, b, k).start()
                        return c2

                    def wdrain(k, c2):
                        wr(m, b, k).wait()
                        return c2

                    lax.fori_loop(0, nw, wfire, 0)
                    lax.fori_loop(0, nw, wdrain, 0)

            return c

        lax.fori_loop(0, (nmine + 1) // 2, task_pair, 0)

        @pl.when(sid == NS - 1)
        def _():
            def tstage():
                return pltpu.make_async_copy(
                    tail_hbm.at[pl.ds(8 * g, 8), pl.ds(0, 1024)],
                    stg_v.at[0, pl.ds(0, 8), pl.ds(0, 1024)],
                    ssem0,
                )

            tstage().start()
            tstage().wait()

            def twr(k):
                return pltpu.make_async_copy(
                    stg_v.at[0, k, pl.ds(0, 1024)],
                    outf_hbm.at[pl.ds((8 * g + k) * PADW + MAIN, 1024)],
                    wsem,
                )

            def twfire(k, c):
                twr(k).start()
                return c

            def twdrain(k, c):
                twr(k).wait()
                return c

            lax.fori_loop(0, 8, twfire, 0)
            lax.fori_loop(0, 8, twdrain, 0)

    for gg in range(2):
        run_group(cid * 2 + gg)


@jax.jit
def _detile(tT, tail):
    mesh = plsc.VectorSubcoreMesh(core_axis_name="c", subcore_axis_name="s")
    k = functools.partial(
        pl.kernel,
        mesh=mesh,
        out_type=jax.ShapeDtypeStruct((DIM * PADW,), jnp.float32),
        compiler_params=pltpu.CompilerParams(
            needs_layout_passes=False, use_tc_tiling_on_sc=True
        ),
        scratch_types=[
            pltpu.VMEM((2, 8, KCH), jnp.float32),
            pltpu.SemaphoreType.DMA,
            pltpu.SemaphoreType.DMA,
            pltpu.SemaphoreType.DMA,
        ],
    )(_det_body)
    return k(tT, tail)


def _plane_body(qT_hbm, tpad_hbm, out_hbm, qblk_v, vals_v, zv_v, shared, qsem, gsem, osem):
    cid = lax.axis_index("c")
    sid = lax.axis_index("s")

    def chunk_sb(i):
        return i // 2, sid * 256 + (i % 2) * 128

    def q_copy(i):
        s, b = chunk_sb(i)
        return pltpu.make_async_copy(
            qT_hbm.at[s, pl.ds(b, 128)], qblk_v.at[pl.ds(i * 128, 128)], qsem
        )

    def qfire(i, c):
        q_copy(i).start()
        return c

    def qdrain(i, c):
        q_copy(i).wait()
        return c

    lax.fori_loop(0, CPT, qfire, 0)
    lax.fori_loop(0, CPT, qdrain, 0)

    zv_v[pl.ds(0, LANES)] = jnp.zeros((LANES,), jnp.float32)

    def remap(g, c):
        v = qblk_v[pl.ds(g * LANES, LANES)]
        qblk_v[pl.ds(g * LANES, LANES)] = jnp.where(v == 0, 0, v + 8)
        return c

    lax.fori_loop(0, CPT * 128 // LANES, remap, 0)

    @pl.when(sid == 0)
    def _():
        pltpu.sync_copy(zv_v.at[pl.ds(0, 8)], shared.at[pl.ds(0, 8)])

    def gather(i):
        return pltpu.make_async_copy(
            shared.at[qblk_v.at[pl.ds(i * 128, 128)]],
            vals_v.at[pl.ds(i * 128, 128)],
            gsem,
        )

    def stage(p):
        pltpu.sync_copy(
            tpad_hbm.at[cid * NS + p, pl.ds(0, VOCAB)], shared.at[pl.ds(8, VOCAB)]
        )

    @pl.when(sid == 0)
    def _():
        stage(0)

    def plane_body(p, carry):
        d = cid * NS + p
        plsc.subcore_barrier()

        def store(i):
            s, b = chunk_sb(i)
            return pltpu.make_async_copy(
                vals_v.at[pl.ds(i * 128, 128)],
                out_hbm.at[s, d // 8, b // 128, d % 8],
                osem,
            )

        def gfire(i, c):
            gather(i).start()
            return c

        def gdrain(i, c):
            gather(i).wait()
            return c

        def sfire(i, c):
            store(i).start()
            return c

        def sdrain(i, c):
            store(i).wait()
            return c

        for i in range(CPT):
            gather(i).start()
        lax.fori_loop(0, CPT, gdrain, 0)
        plsc.subcore_barrier()

        @pl.when((sid == 0) & (p + 1 < NS))
        def _():
            stage(p + 1)

        for i in range(CPT):
            store(i).start()
        lax.fori_loop(0, CPT, sdrain, 0)
        return carry

    lax.fori_loop(0, NS, plane_body, 0)


@jax.jit
def _plane_gather(tpad, qT):
    mesh = plsc.VectorSubcoreMesh(core_axis_name="c", subcore_axis_name="s")
    k = functools.partial(
        pl.kernel,
        mesh=mesh,
        out_type=jax.ShapeDtypeStruct((SEQ, DIM // 8, BATCH // 128, 8, 128), jnp.float32),
        compiler_params=pltpu.CompilerParams(
            needs_layout_passes=False, use_tc_tiling_on_sc=False
        ),
        scratch_types=[
            pltpu.VMEM((CPT * 128,), jnp.int32),
            pltpu.VMEM((CPT * 128,), jnp.float32),
            pltpu.VMEM((LANES,), jnp.float32),
            pltpu.VMEM_SHARED((VOCAB + 8,), jnp.float32),
            pltpu.SemaphoreType.DMA,
            pltpu.SemaphoreType.DMA,
            pltpu.SemaphoreType.DMA,
        ],
    )(_plane_body)
    return k(qT, tpad)


def kernel(q, q_len, table):
    tT = table.T
    tail = jnp.pad(tT[:, MAIN:], ((0, 0), (0, PADW - VOCAB)))
    tpad = _detile(tT, tail).reshape(DIM, PADW)
    out5 = _plane_gather(tpad, q.T)
    return out5.transpose(2, 4, 0, 1, 3).reshape(BATCH, SEQ, DIM)

# --- scband reference (transcript-rebuilt; emitter-appended) ---
"""Pipeline reference for scband-text-processor-57741540327984 (READ-ONLY COPY).

The authoritative reference and input builder live on the scoring server;
editing this copy changes nothing except your own understanding.
"""

import jax, jax.numpy as jnp
import numpy as np

VOCAB = 1000000
DIM = 32
BATCH = 4096
SEQ = 50


def setup_inputs(seed: int = 0) -> dict:
    key = jax.random.key(seed)
    k1, k2, k3 = jax.random.split(key, 3)
    q = jax.random.randint(k1, (BATCH, SEQ), 0, VOCAB, dtype=jnp.int64 if jax.config.jax_enable_x64 else jnp.int32).astype(jnp.int32)
    q_len = jax.random.randint(k2, (BATCH,), 0, SEQ, dtype=jnp.int32)
    # xavier_uniform init for the embedding table (fan_in=VOCAB, fan_out=DIM)
    bound = float(np.sqrt(6.0 / (VOCAB + DIM)))
    table = jax.random.uniform(k3, (VOCAB, DIM), minval=-bound, maxval=bound, dtype=jnp.float32)
    return {"q": q, "q_len": q_len, "table": table}


def reference(q, q_len, table):
    # nn.Embedding with padding_idx=0: row 0 is treated as the padding vector (zeros)
    emb_table = table.at[0].set(0.0)
    embedded = jnp.take(emb_table, q, axis=0)
    return embedded

if __name__ == "__main__":
    import jax
    _d = setup_inputs()
    print(jax.jit(kernel)(*tuple(_d.values())))

</pallas_src>

<mosaic_0001>
#map = affine_map<(d0, d1) -> (0, 0)>
#map1 = affine_map<(d0, d1) -> (0)>
module attributes {stable_mosaic.version = 14 : i64} {
  func.func @_det_body(%arg0: i32, %arg1: i32, %arg2: memref<32x1000000xf32, #tpu.memory_space<hbm>>, %arg3: memref<32x1024xf32, #tpu.memory_space<hbm>>, %arg4: memref<32014336xf32, #tpu.memory_space<hbm>>, %arg5: memref<2x8x4096xf32, #tpu.memory_space<vmem>>, %arg6: memref<!tpu.dma_semaphore, #tpu.memory_space<semaphore_mem>>, %arg7: memref<!tpu.dma_semaphore, #tpu.memory_space<semaphore_mem>>, %arg8: memref<!tpu.dma_semaphore, #tpu.memory_space<semaphore_mem>>) attributes {dimension_semantics = [#tpu.dimension_semantics<core_parallel>, #tpu.dimension_semantics<subcore_parallel>], iteration_bounds = array<i64: 2, 16>, scalar_prefetch = 0 : i64, scratch_operands = 4 : i64, tpu.core_type = #tpu.core_type<sc_vector_subcore>, window_params = [{transform_indices = #map}, {transform_indices = #map}, {transform_indices = #map1}]} {
    %sub3A = arith.constant 243 : i32
    %sub3A_0 = arith.subi %sub3A, %arg1 : i32
    %jit3A = arith.constant 16 : i32
    %div3A = arith.divsi %sub3A_0, %jit3A : i32
    %sign3A = arith.constant 0 : i32
    %sign3A_1 = arith.cmpi sgt, %sub3A_0, %sign3A : i32
    %sign3A_2 = arith.extui %sign3A_1 : i1 to i32
    %sign3A_3 = arith.constant 0 : i32
    %sign3A_4 = arith.cmpi slt, %sub3A_0, %sign3A_3 : i32
    %sign3A_5 = arith.extui %sign3A_4 : i1 to i32
    %sign3A_6 = arith.subi %sign3A_2, %sign3A_5 : i32
    %sign3A_7 = arith.constant 0 : i32
    %sign3A_8 = arith.cmpi sgt, %jit3A, %sign3A_7 : i32
    %sign3A_9 = arith.extui %sign3A_8 : i1 to i32
    %sign3A_10 = arith.constant 0 : i32
    %sign3A_11 = arith.cmpi slt, %jit3A, %sign3A_10 : i32
    %sign3A_12 = arith.extui %sign3A_11 : i1 to i32
    %sign3A_13 = arith.subi %sign3A_9, %sign3A_12 : i32
    %ne3A = arith.cmpi ne, %sign3A_6, %sign3A_13 : i32
    %rem3A = arith.remsi %sub3A_0, %jit3A : i32
    %ne3A_14 = arith.constant 0 : i32
    %ne3A_15 = arith.cmpi ne, %rem3A, %ne3A_14 : i32
    %and3A = arith.andi %ne3A, %ne3A_15 : i1
    %sub3A_16 = arith.constant 1 : i32
    %sub3A_17 = arith.subi %div3A, %sub3A_16 : i32
    %select_n3A = arith.select %and3A, %sub3A_17, %div3A : i32
    %add3A = arith.constant 1 : i32
    %add3A_18 = arith.addi %select_n3A, %add3A : i32
    %mul3A = arith.constant 2 : i32
    %mul3A_19 = arith.muli %arg0, %mul3A : i32
    %add3A_20 = arith.constant 0 : i32
    %add3A_21 = arith.addi %mul3A_19, %add3A_20 : i32
    %add3A_22 = arith.constant 0 : i32
    %add3A_23 = arith.addi %add3A_22, %arg1 : i32
    %mul3A_24 = arith.constant 4096 : i32
    %mul3A_25 = arith.muli %add3A_23, %mul3A_24 : i32
    %mul3A_26 = arith.constant 8 : i32
    %mul3A_27 = arith.muli %mul3A_26, %add3A_21 : i32
    %dma_start3A = arith.constant 0 : i32
    %dma_start3A_28 = arith.constant 0 : i32
    %dma_start3A_29 = arith.constant 0 : i32
    %dma_start3A_30 = tpu.memref_slice %arg5[%dma_start3A, %dma_start3A_28, %dma_start3A_29] : memref<2x8x4096xf32, #tpu.memory_space<vmem>> -> memref<1x8x4096xf32, #tpu.memory_space<vmem>>
    %dma_start3A_31 = tpu.memref_squeeze %dma_start3A_30 : memref<1x8x4096xf32, #tpu.memory_space<vmem>> -> memref<8x4096xf32, #tpu.memory_space<vmem>>
    %dma_start3A_32 = tpu.memref_slice %arg2[%mul3A_27, %mul3A_25] : memref<32x1000000xf32, #tpu.memory_space<hbm>> -> memref<8x4096xf32, #tpu.memory_space<hbm>>
    %dma_start3A_33 = arith.constant 0 : i32
    %dma_start3A_34 = arith.constant 0 : i32
    %dma_start3A_35 = tpu.memref_slice %arg5[%dma_start3A, %dma_start3A_33, %dma_start3A_34] : memref<2x8x4096xf32, #tpu.memory_space<vmem>> -> memref<1x8x4096xf32, #tpu.memory_space<vmem>>
    %dma_start3A_36 = tpu.memref_squeeze %dma_start3A_35 : memref<1x8x4096xf32, #tpu.memory_space<vmem>> -> memref<8x4096xf32, #tpu.memory_space<vmem>>
    %dma_start3A_37 = tpu.memref_slice %arg2[%mul3A_27, %mul3A_25] : memref<32x1000000xf32, #tpu.memory_space<hbm>> -> memref<8x4096xf32, #tpu.memory_space<hbm>>
    tpu.enqueue_dma source(%dma_start3A_37 : memref<8x4096xf32, #tpu.memory_space<hbm>>) target(%dma_start3A_36 : memref<8x4096xf32, #tpu.memory_space<vmem>>) target_semaphore(%arg6 : memref<!tpu.dma_semaphore, #tpu.memory_space<semaphore_mem>>)
    %add3A_38 = arith.constant 1 : i32
    %add3A_39 = arith.addi %add3A_18, %add3A_38 : i32
    %jit3A_40 = arith.constant 2 : i32
    %div3A_41 = arith.divsi %add3A_39, %jit3A_40 : i32
    %sign3A_42 = arith.constant 0 : i32
    %sign3A_43 = arith.cmpi sgt, %add3A_39, %sign3A_42 : i32
    %sign3A_44 = arith.extui %sign3A_43 : i1 to i32
    %sign3A_45 = arith.constant 0 : i32
    %sign3A_46 = arith.cmpi slt, %add3A_39, %sign3A_45 : i32
    %sign3A_47 = arith.extui %sign3A_46 : i1 to i32
    %sign3A_48 = arith.subi %sign3A_44, %sign3A_47 : i32
    %sign3A_49 = arith.constant 0 : i32
    %sign3A_50 = arith.cmpi sgt, %jit3A_40, %sign3A_49 : i32
    %sign3A_51 = arith.extui %sign3A_50 : i1 to i32
    %sign3A_52 = arith.constant 0 : i32
    %sign3A_53 = arith.cmpi slt, %jit3A_40, %sign3A_52 : i32
    %sign3A_54 = arith.extui %sign3A_53 : i1 to i32
    %sign3A_55 = arith.subi %sign3A_51, %sign3A_54 : i32
    %ne3A_56 = arith.cmpi ne, %sign3A_48, %sign3A_55 : i32
    %rem3A_57 = arith.remsi %add3A_39, %jit3A_40 : i32
    %ne3A_58 = arith.constant 0 : i32
    %ne3A_59 = arith.cmpi ne, %rem3A_57, %ne3A_58 : i32
    %and3A_60 = arith.andi %ne3A_56, %ne3A_59 : i1
    %sub3A_61 = arith.constant 1 : i32
    %sub3A_62 = arith.subi %div3A_41, %sub3A_61 : i32
    %select_n3A_63 = arith.select %and3A_60, %sub3A_62, %div3A_41 : i32
    %while3A = arith.constant 0 : i32
    %while3A_64 = arith.constant 0 : i32
    %while3A_65 = arith.subi %select_n3A_63, %while3A_64 : i32
    %while3A_66 = arith.addi %while3A_64, %while3A_65 : i32
    %while3A_67 = arith.constant 1 : i32
    %while3A_68 = arith.divsi %while3A_65, %while3A_67 : i32
    %while3A_69 = arith.muli %while3A_68, %while3A_67 : i32
    %while3A_70 = arith.addi %while3A_64, %while3A_69 : i32
    %while3A_71 = arith.constant 1 : i32
    scf.for %while3A_137 = %while3A_64 to %while3A_70 step %while3A_71  : i32 {
      %mul3A_138 = arith.constant 2 : i32
      %mul3A_139 = arith.muli %while3A_137, %mul3A_138 : i32
      %add3A_140 = arith.constant 0 : i32
      %add3A_141 = arith.addi %mul3A_139, %add3A_140 : i32
      %lt3A = arith.cmpi slt, %add3A_141, %add3A_18 : i32
      %convert_element_type3A_142 = arith.extui %lt3A : i1 to i32
      %cond3A_143 = arith.constant 0 : i32
      %cond3A_144 = arith.cmpi ne, %convert_element_type3A_142, %cond3A_143 : i32
      scf.if %cond3A_144 {
        %mul3A_153 = arith.constant 16 : i32
        %mul3A_154 = arith.muli %add3A_141, %mul3A_153 : i32
        %add3A_155 = arith.addi %mul3A_154, %arg1 : i32
        %mul3A_156 = arith.constant 4096 : i32
        %mul3A_157 = arith.muli %add3A_155, %mul3A_156 : i32
        %mul3A_158 = arith.constant 8 : i32
        %mul3A_159 = arith.muli %mul3A_158, %add3A_21 : i32
        %dma_wait3A = arith.constant 0 : i32
        %dma_wait3A_160 = arith.constant 0 : i32
        %dma_wait3A_161 = arith.constant 0 : i32
        %dma_wait3A_162 = tpu.memref_slice %arg5[%dma_wait3A, %dma_wait3A_160, %dma_wait3A_161] : memref<2x8x4096xf32, #tpu.memory_space<vmem>> -> memref<1x8x4096xf32, #tpu.memory_space<vmem>>
        %dma_wait3A_163 = tpu.memref_squeeze %dma_wait3A_162 : memref<1x8x4096xf32, #tpu.memory_space<vmem>> -> memref<8x4096xf32, #tpu.memory_space<vmem>>
        %dma_wait3A_164 = tpu.memref_slice %arg2[%mul3A_159, %mul3A_157] : memref<32x1000000xf32, #tpu.memory_space<hbm>> -> memref<8x4096xf32, #tpu.memory_space<hbm>>
        %dma_wait3A_165 = arith.constant 0 : i32
        %dma_wait3A_166 = arith.constant 0 : i32
        %dma_wait3A_167 = tpu.memref_slice %arg5[%dma_wait3A, %dma_wait3A_165, %dma_wait3A_166] : memref<2x8x4096xf32, #tpu.memory_space<vmem>> -> memref<1x8x4096xf32, #tpu.memory_space<vmem>>
        %dma_wait3A_168 = tpu.memref_squeeze %dma_wait3A_167 : memref<1x8x4096xf32, #tpu.memory_space<vmem>> -> memref<8x4096xf32, #tpu.memory_space<vmem>>
        %dma_wait3A_169 = tpu.memref_slice %arg2[%mul3A_159, %mul3A_157] : memref<32x1000000xf32, #tpu.memory_space<hbm>> -> memref<8x4096xf32, #tpu.memory_space<hbm>>
        tpu.wait_dma2 semaphore(%arg6 : memref<!tpu.dma_semaphore, #tpu.memory_space<semaphore_mem>>) src(%dma_wait3A_169 : memref<8x4096xf32, #tpu.memory_space<hbm>>) dst(%dma_wait3A_168 : memref<8x4096xf32, #tpu.memory_space<vmem>>)
        %add3A_170 = arith.constant 1 : i32
        %add3A_171 = arith.addi %add3A_141, %add3A_170 : i32
        %lt3A_172 = arith.cmpi slt, %add3A_171, %add3A_18 : i32
        %convert_element_type3A_173 = arith.extui %lt3A_172 : i1 to i32
        %cond3A_174 = arith.constant 0 : i32
        %cond3A_175 = arith.cmpi ne, %convert_element_type3A_173, %cond3A_174 : i32
        scf.if %cond3A_175 {
          %add3A_187 = arith.constant 1 : i32
          %add3A_188 = arith.addi %add3A_141, %add3A_187 : i32
          %mul3A_189 = arith.constant 16 : i32
          %mul3A_190 = arith.muli %add3A_188, %mul3A_189 : i32
          %add3A_191 = arith.addi %mul3A_190, %arg1 : i32
          %mul3A_192 = arith.constant 4096 : i32
          %mul3A_193 = arith.muli %add3A_191, %mul3A_192 : i32
          %mul3A_194 = arith.constant 8 : i32
          %mul3A_195 = arith.muli %mul3A_194, %add3A_21 : i32
          %dma_start3A_196 = arith.constant 1 : i32
          %dma_start3A_197 = arith.constant 0 : i32
          %dma_start3A_198 = arith.constant 0 : i32
          %dma_start3A_199 = tpu.memref_slice %arg5[%dma_start3A_196, %dma_start3A_197, %dma_start3A_198] : memref<2x8x4096xf32, #tpu.memory_space<vmem>> -> memref<1x8x4096xf32, #tpu.memory_space<vmem>>
          %dma_start3A_200 = tpu.memref_squeeze %dma_start3A_199 : memref<1x8x4096xf32, #tpu.memory_space<vmem>> -> memref<8x4096xf32, #tpu.memory_space<vmem>>
          %dma_start3A_201 = tpu.memref_slice %arg2[%mul3A_195, %mul3A_193] : memref<32x1000000xf32, #tpu.memory_space<hbm>> -> memref<8x4096xf32, #tpu.memory_space<hbm>>
          %dma_start3A_202 = arith.constant 0 : i32
          %dma_start3A_203 = arith.constant 0 : i32
          %dma_start3A_204 = tpu.memref_slice %arg5[%dma_start3A_196, %dma_start3A_202, %dma_start3A_203] : memref<2x8x4096xf32, #tpu.memory_space<vmem>> -> memref<1x8x4096xf32, #tpu.memory_space<vmem>>
          %dma_start3A_205 = tpu.memref_squeeze %dma_start3A_204 : memref<1x8x4096xf32, #tpu.memory_space<vmem>> -> memref<8x4096xf32, #tpu.memory_space<vmem>>
          %dma_start3A_206 = tpu.memref_slice %arg2[%mul3A_195, %mul3A_193] : memref<32x1000000xf32, #tpu.memory_space<hbm>> -> memref<8x4096xf32, #tpu.memory_space<hbm>>
          tpu.enqueue_dma source(%dma_start3A_206 : memref<8x4096xf32, #tpu.memory_space<hbm>>) target(%dma_start3A_205 : memref<8x4096xf32, #tpu.memory_space<vmem>>) target_semaphore(%arg7 : memref<!tpu.dma_semaphore, #tpu.memory_space<semaphore_mem>>)
        } else {
        }
        %scan3A = arith.constant 0 : i32
        %scan3A_176 = arith.constant 0 : i32
        %scan3A_177 = arith.constant 32 : i32
        %scan3A_178 = arith.addi %scan3A_176, %scan3A_177 : i32
        %scan3A_179 = arith.constant 1 : i32
        scf.for %scan3A_187 = %scan3A_176 to %scan3A_178 step %scan3A_179  : i32 {
          %mul3A_188 = arith.constant 16 : i32
          %mul3A_189 = arith.muli %add3A_141, %mul3A_188 : i32
          %add3A_190 = arith.addi %mul3A_189, %arg1 : i32
          %mul3A_191 = arith.constant 4096 : i32
          %mul3A_192 = arith.muli %add3A_190, %mul3A_191 : i32
          %jit3A_193 = arith.constant 4 : i32
          %div3A_194 = arith.divsi %scan3A_187, %jit3A_193 : i32
          %sign3A_195 = arith.constant 0 : i32
          %sign3A_196 = arith.cmpi sgt, %scan3A_187, %sign3A_195 : i32
          %sign3A_197 = arith.extui %sign3A_196 : i1 to i32
          %sign3A_198 = arith.constant 0 : i32
          %sign3A_199 = arith.cmpi slt, %scan3A_187, %sign3A_198 : i32
          %sign3A_200 = arith.extui %sign3A_199 : i1 to i32
          %sign3A_201 = arith.subi %sign3A_197, %sign3A_200 : i32
          %sign3A_202 = arith.constant 0 : i32
          %sign3A_203 = arith.cmpi sgt, %jit3A_193, %sign3A_202 : i32
          %sign3A_204 = arith.extui %sign3A_203 : i1 to i32
          %sign3A_205 = arith.constant 0 : i32
          %sign3A_206 = arith.cmpi slt, %jit3A_193, %sign3A_205 : i32
          %sign3A_207 = arith.extui %sign3A_206 : i1 to i32
          %sign3A_208 = arith.subi %sign3A_204, %sign3A_207 : i32
          %ne3A_209 = arith.cmpi ne, %sign3A_201, %sign3A_208 : i32
          %rem3A_210 = arith.remsi %scan3A_187, %jit3A_193 : i32
          %ne3A_211 = arith.constant 0 : i32
          %ne3A_212 = arith.cmpi ne, %rem3A_210, %ne3A_211 : i32
          %and3A_213 = arith.andi %ne3A_209, %ne3A_212 : i1
          %sub3A_214 = arith.constant 1 : i32
          %sub3A_215 = arith.subi %div3A_194, %sub3A_214 : i32
          %select_n3A_216 = arith.select %and3A_213, %sub3A_215, %div3A_194 : i32
          %jit3A_217 = arith.constant 4 : i32
          %eq3A_218 = arith.constant 0 : i32
          %eq3A_219 = arith.cmpi eq, %jit3A_217, %eq3A_218 : i32
          %jit3A_220 = arith.constant 1 : i32
          %select_n3A_221 = arith.select %eq3A_219, %jit3A_220, %jit3A_217 : i32
          %rem3A_222 = arith.remsi %scan3A_187, %select_n3A_221 : i32
          %ne3A_223 = arith.constant 0 : i32
          %ne3A_224 = arith.cmpi ne, %rem3A_222, %ne3A_223 : i32
          %lt3A_225 = arith.constant 0 : i32
          %lt3A_226 = arith.cmpi slt, %rem3A_222, %lt3A_225 : i32
          %lt3A_227 = arith.constant 0 : i32
          %lt3A_228 = arith.cmpi slt, %select_n3A_221, %lt3A_227 : i32
          %ne3A_229 = arith.xori %lt3A_226, %lt3A_228 : i1
          %and3A_230 = arith.andi %ne3A_229, %ne3A_224 : i1
          %add3A_231 = arith.addi %rem3A_222, %select_n3A_221 : i32
          %select_n3A_232 = arith.select %and3A_230, %add3A_231, %rem3A_222 : i32
          %mul3A_233 = arith.constant 1024 : i32
          %mul3A_234 = arith.muli %select_n3A_232, %mul3A_233 : i32
          %mul3A_235 = arith.constant 8 : i32
          %mul3A_236 = arith.muli %mul3A_235, %add3A_21 : i32
          %add3A_237 = arith.addi %mul3A_236, %select_n3A_216 : i32
          %mul3A_238 = arith.constant 1000448 : i32
          %mul3A_239 = arith.muli %add3A_237, %mul3A_238 : i32
          %add3A_240 = arith.addi %mul3A_239, %mul3A_192 : i32
          %mul3A_241 = arith.constant 1024 : i32
          %mul3A_242 = arith.muli %select_n3A_232, %mul3A_241 : i32
          %add3A_243 = arith.addi %add3A_240, %mul3A_242 : i32
          %dma_start3A_244 = arith.constant 0 : i32
          %dma_start3A_245 = tpu.memref_slice %arg5[%dma_start3A_244, %select_n3A_216, %mul3A_234] : memref<2x8x4096xf32, #tpu.memory_space<vmem>> -> memref<1x1x1024xf32, #tpu.memory_space<vmem>>
          %dma_start3A_246 = tpu.memref_squeeze %dma_start3A_245 : memref<1x1x1024xf32, #tpu.memory_space<vmem>> -> memref<1024xf32, #tpu.memory_space<vmem>>
          %dma_start3A_247 = tpu.memref_slice %arg4[%add3A_243] : memref<32014336xf32, #tpu.memory_space<hbm>> -> memref<1024xf32, #tpu.memory_space<hbm>>
          %dma_start3A_248 = tpu.memref_slice %arg4[%add3A_243] : memref<32014336xf32, #tpu.memory_space<hbm>> -> memref<1024xf32, #tpu.memory_space<hbm>>
          %dma_start3A_249 = tpu.memref_slice %arg5[%dma_start3A_244, %select_n3A_216, %mul3A_234] : memref<2x8x4096xf32, #tpu.memory_space<vmem>> -> memref<1x1x1024xf32, #tpu.memory_space<vmem>>
          %dma_start3A_250 = tpu.memref_squeeze %dma_start3A_249 : memref<1x1x1024xf32, #tpu.memory_space<vmem>> -> memref<1024xf32, #tpu.memory_space<vmem>>
          tpu.enqueue_dma source(%dma_start3A_250 : memref<1024xf32, #tpu.memory_space<vmem>>) target(%dma_start3A_248 : memref<1024xf32, #tpu.memory_space<hbm>>) target_semaphore(%arg8 : memref<!tpu.dma_semaphore, #tpu.memory_space<semaphore_mem>>)
        }
        %scan3A_180 = arith.constant 32 : i32
        %scan3A_181 = arith.constant 0 : i32
        %scan3A_182 = arith.constant 0 : i32
        %scan3A_183 = arith.constant 32 : i32
        %scan3A_184 = arith.addi %scan3A_182, %scan3A_183 : i32
        %scan3A_185 = arith.constant 1 : i32
        scf.for %scan3A_187 = %scan3A_182 to %scan3A_184 step %scan3A_185  : i32 {
          %mul3A_188 = arith.constant 16 : i32
          %mul3A_189 = arith.muli %add3A_141, %mul3A_188 : i32
          %add3A_190 = arith.addi %mul3A_189, %arg1 : i32
          %mul3A_191 = arith.constant 4096 : i32
          %mul3A_192 = arith.muli %add3A_190, %mul3A_191 : i32
          %jit3A_193 = arith.constant 4 : i32
          %div3A_194 = arith.divsi %scan3A_187, %jit3A_193 : i32
          %sign3A_195 = arith.constant 0 : i32
          %sign3A_196 = arith.cmpi sgt, %scan3A_187, %sign3A_195 : i32
          %sign3A_197 = arith.extui %sign3A_196 : i1 to i32
          %sign3A_198 = arith.constant 0 : i32
          %sign3A_199 = arith.cmpi slt, %scan3A_187, %sign3A_198 : i32
          %sign3A_200 = arith.extui %sign3A_199 : i1 to i32
          %sign3A_201 = arith.subi %sign3A_197, %sign3A_200 : i32
          %sign3A_202 = arith.constant 0 : i32
          %sign3A_203 = arith.cmpi sgt, %jit3A_193, %sign3A_202 : i32
          %sign3A_204 = arith.extui %sign3A_203 : i1 to i32
          %sign3A_205 = arith.constant 0 : i32
          %sign3A_206 = arith.cmpi slt, %jit3A_193, %sign3A_205 : i32
          %sign3A_207 = arith.extui %sign3A_206 : i1 to i32
          %sign3A_208 = arith.subi %sign3A_204, %sign3A_207 : i32
          %ne3A_209 = arith.cmpi ne, %sign3A_201, %sign3A_208 : i32
          %rem3A_210 = arith.remsi %scan3A_187, %jit3A_193 : i32
          %ne3A_211 = arith.constant 0 : i32
          %ne3A_212 = arith.cmpi ne, %rem3A_210, %ne3A_211 : i32
          %and3A_213 = arith.andi %ne3A_209, %ne3A_212 : i1
          %sub3A_214 = arith.constant 1 : i32
          %sub3A_215 = arith.subi %div3A_194, %sub3A_214 : i32
          %select_n3A_216 = arith.select %and3A_213, %sub3A_215, %div3A_194 : i32
          %jit3A_217 = arith.constant 4 : i32
          %eq3A_218 = arith.constant 0 : i32
          %eq3A_219 = arith.cmpi eq, %jit3A_217, %eq3A_218 : i32
          %jit3A_220 = arith.constant 1 : i32
          %select_n3A_221 = arith.select %eq3A_219, %jit3A_220, %jit3A_217 : i32
          %rem3A_222 = arith.remsi %scan3A_187, %select_n3A_221 : i32
          %ne3A_223 = arith.constant 0 : i32
          %ne3A_224 = arith.cmpi ne, %rem3A_222, %ne3A_223 : i32
          %lt3A_225 = arith.constant 0 : i32
          %lt3A_226 = arith.cmpi slt, %rem3A_222, %lt3A_225 : i32
          %lt3A_227 = arith.constant 0 : i32
          %lt3A_228 = arith.cmpi slt, %select_n3A_221, %lt3A_227 : i32
          %ne3A_229 = arith.xori %lt3A_226, %lt3A_228 : i1
          %and3A_230 = arith.andi %ne3A_229, %ne3A_224 : i1
          %add3A_231 = arith.addi %rem3A_222, %select_n3A_221 : i32
          %select_n3A_232 = arith.select %and3A_230, %add3A_231, %rem3A_222 : i32
          %mul3A_233 = arith.constant 1024 : i32
          %mul3A_234 = arith.muli %select_n3A_232, %mul3A_233 : i32
          %mul3A_235 = arith.constant 8 : i32
          %mul3A_236 = arith.muli %mul3A_235, %add3A_21 : i32
          %add3A_237 = arith.addi %mul3A_236, %select_n3A_216 : i32
          %mul3A_238 = arith.constant 1000448 : i32
          %mul3A_239 = arith.muli %add3A_237, %mul3A_238 : i32
          %add3A_240 = arith.addi %mul3A_239, %mul3A_192 : i32
          %mul3A_241 = arith.constant 1024 : i32
          %mul3A_242 = arith.muli %select_n3A_232, %mul3A_241 : i32
          %add3A_243 = arith.addi %add3A_240, %mul3A_242 : i32
          %dma_wait3A_244 = arith.constant 0 : i32
          %dma_wait3A_245 = tpu.memref_slice %arg5[%dma_wait3A_244, %select_n3A_216, %mul3A_234] : memref<2x8x4096xf32, #tpu.memory_space<vmem>> -> memref<1x1x1024xf32, #tpu.memory_space<vmem>>
          %dma_wait3A_246 = tpu.memref_squeeze %dma_wait3A_245 : memref<1x1x1024xf32, #tpu.memory_space<vmem>> -> memref<1024xf32, #tpu.memory_space<vmem>>
          %dma_wait3A_247 = tpu.memref_slice %arg4[%add3A_243] : memref<32014336xf32, #tpu.memory_space<hbm>> -> memref<1024xf32, #tpu.memory_space<hbm>>
          %dma_wait3A_248 = tpu.memref_slice %arg4[%add3A_243] : memref<32014336xf32, #tpu.memory_space<hbm>> -> memref<1024xf32, #tpu.memory_space<hbm>>
          %dma_wait3A_249 = tpu.memref_slice %arg5[%dma_wait3A_244, %select_n3A_216, %mul3A_234] : memref<2x8x4096xf32, #tpu.memory_space<vmem>> -> memref<1x1x1024xf32, #tpu.memory_space<vmem>>
          %dma_wait3A_250 = tpu.memref_squeeze %dma_wait3A_249 : memref<1x1x1024xf32, #tpu.memory_space<vmem>> -> memref<1024xf32, #tpu.memory_space<vmem>>
          tpu.wait_dma2 semaphore(%arg8 : memref<!tpu.dma_semaphore, #tpu.memory_space<semaphore_mem>>) src(%dma_wait3A_250 : memref<1024xf32, #tpu.memory_space<vmem>>) dst(%dma_wait3A_248 : memref<1024xf32, #tpu.memory_space<hbm>>)
        }
        %scan3A_186 = arith.constant 32 : i32
      } else {
      }
      %mul3A_145 = arith.constant 2 : i32
      %mul3A_146 = arith.muli %while3A_137, %mul3A_145 : i32
      %add3A_147 = arith.constant 1 : i32
      %add3A_148 = arith.addi %mul3A_146, %add3A_147 : i32
      %lt3A_149 = arith.cmpi slt, %add3A_148, %add3A_18 : i32
      %convert_element_type3A_150 = arith.extui %lt3A_149 : i1 to i32
      %cond3A_151 = arith.constant 0 : i32
      %cond3A_152 = arith.cmpi ne, %convert_element_type3A_150, %cond3A_151 : i32
      scf.if %cond3A_152 {
        %mul3A_153 = arith.constant 16 : i32
        %mul3A_154 = arith.muli %add3A_148, %mul3A_153 : i32
        %add3A_155 = arith.addi %mul3A_154, %arg1 : i32
        %mul3A_156 = arith.constant 4096 : i32
        %mul3A_157 = arith.muli %add3A_155, %mul3A_156 : i32
        %mul3A_158 = arith.constant 8 : i32
        %mul3A_159 = arith.muli %mul3A_158, %add3A_21 : i32
        %dma_wait3A = arith.constant 1 : i32
        %dma_wait3A_160 = arith.constant 0 : i32
        %dma_wait3A_161 = arith.constant 0 : i32
        %dma_wait3A_162 = tpu.memref_slice %arg5[%dma_wait3A, %dma_wait3A_160, %dma_wait3A_161] : memref<2x8x4096xf32, #tpu.memory_space<vmem>> -> memref<1x8x4096xf32, #tpu.memory_space<vmem>>
        %dma_wait3A_163 = tpu.memref_squeeze %dma_wait3A_162 : memref<1x8x4096xf32, #tpu.memory_space<vmem>> -> memref<8x4096xf32, #tpu.memory_space<vmem>>
        %dma_wait3A_164 = tpu.memref_slice %arg2[%mul3A_159, %mul3A_157] : memref<32x1000000xf32, #tpu.memory_space<hbm>> -> memref<8x4096xf32, #tpu.memory_space<hbm>>
        %dma_wait3A_165 = arith.constant 0 : i32
        %dma_wait3A_166 = arith.constant 0 : i32
        %dma_wait3A_167 = tpu.memref_slice %arg5[%dma_wait3A, %dma_wait3A_165, %dma_wait3A_166] : memref<2x8x4096xf32, #tpu.memory_space<vmem>> -> memref<1x8x4096xf32, #tpu.memory_space<vmem>>
        %dma_wait3A_168 = tpu.memref_squeeze %dma_wait3A_167 : memref<1x8x4096xf32, #tpu.memory_space<vmem>> -> memref<8x4096xf32, #tpu.memory_space<vmem>>
        %dma_wait3A_169 = tpu.memref_slice %arg2[%mul3A_159, %mul3A_157] : memref<32x1000000xf32, #tpu.memory_space<hbm>> -> memref<8x4096xf32, #tpu.memory_space<hbm>>
        tpu.wait_dma2 semaphore(%arg7 : memref<!tpu.dma_semaphore, #tpu.memory_space<semaphore_mem>>) src(%dma_wait3A_169 : memref<8x4096xf32, #tpu.memory_space<hbm>>) dst(%dma_wait3A_168 : memref<8x4096xf32, #tpu.memory_space<vmem>>)
        %add3A_170 = arith.constant 1 : i32
        %add3A_171 = arith.addi %add3A_148, %add3A_170 : i32
        %lt3A_172 = arith.cmpi slt, %add3A_171, %add3A_18 : i32
        %convert_element_type3A_173 = arith.extui %lt3A_172 : i1 to i32
        %cond3A_174 = arith.constant 0 : i32
        %cond3A_175 = arith.cmpi ne, %convert_element_type3A_173, %cond3A_174 : i32
        scf.if %cond3A_175 {
          %add3A_187 = arith.constant 1 : i32
          %add3A_188 = arith.addi %add3A_148, %add3A_187 : i32
          %mul3A_189 = arith.constant 16 : i32
          %mul3A_190 = arith.muli %add3A_188, %mul3A_189 : i32
          %add3A_191 = arith.addi %mul3A_190, %arg1 : i32
          %mul3A_192 = arith.constant 4096 : i32
          %mul3A_193 = arith.muli %add3A_191, %mul3A_192 : i32
          %mul3A_194 = arith.constant 8 : i32
          %mul3A_195 = arith.muli %mul3A_194, %add3A_21 : i32
          %dma_start3A_196 = arith.constant 0 : i32
          %dma_start3A_197 = arith.constant 0 : i32
          %dma_start3A_198 = arith.constant 0 : i32
          %dma_start3A_199 = tpu.memref_slice %arg5[%dma_start3A_196, %dma_start3A_197, %dma_start3A_198] : memref<2x8x4096xf32, #tpu.memory_space<vmem>> -> memref<1x8x4096xf32, #tpu.memory_space<vmem>>
          %dma_start3A_200 = tpu.memref_squeeze %dma_start3A_199 : memref<1x8x4096xf32, #tpu.memory_space<vmem>> -> memref<8x4096xf32, #tpu.memory_space<vmem>>
          %dma_start3A_201 = tpu.memref_slice %arg2[%mul3A_195, %mul3A_193] : memref<32x1000000xf32, #tpu.memory_space<hbm>> -> memref<8x4096xf32, #tpu.memory_space<hbm>>
          %dma_start3A_202 = arith.constant 0 : i32
          %dma_start3A_203 = arith.constant 0 : i32
          %dma_start3A_204 = tpu.memref_slice %arg5[%dma_start3A_196, %dma_start3A_202, %dma_start3A_203] : memref<2x8x4096xf32, #tpu.memory_space<vmem>> -> memref<1x8x4096xf32, #tpu.memory_space<vmem>>
          %dma_start3A_205 = tpu.memref_squeeze %dma_start3A_204 : memref<1x8x4096xf32, #tpu.memory_space<vmem>> -> memref<8x4096xf32, #tpu.memory_space<vmem>>
          %dma_start3A_206 = tpu.memref_slice %arg2[%mul3A_195, %mul3A_193] : memref<32x1000000xf32, #tpu.memory_space<hbm>> -> memref<8x4096xf32, #tpu.memory_space<hbm>>
          tpu.enqueue_dma source(%dma_start3A_206 : memref<8x4096xf32, #tpu.memory_space<hbm>>) target(%dma_start3A_205 : memref<8x4096xf32, #tpu.memory_space<vmem>>) target_semaphore(%arg6 : memref<!tpu.dma_semaphore, #tpu.memory_space<semaphore_mem>>)
        } else {
        }
        %scan3A = arith.constant 0 : i32
        %scan3A_176 = arith.constant 0 : i32
        %scan3A_177 = arith.constant 32 : i32
        %scan3A_178 = arith.addi %scan3A_176, %scan3A_177 : i32
        %scan3A_179 = arith.constant 1 : i32
        scf.for %scan3A_187 = %scan3A_176 to %scan3A_178 step %scan3A_179  : i32 {
          %mul3A_188 = arith.constant 16 : i32
          %mul3A_189 = arith.muli %add3A_148, %mul3A_188 : i32
          %add3A_190 = arith.addi %mul3A_189, %arg1 : i32
          %mul3A_191 = arith.constant 4096 : i32
          %mul3A_192 = arith.muli %add3A_190, %mul3A_191 : i32
          %jit3A_193 = arith.constant 4 : i32
          %div3A_194 = arith.divsi %scan3A_187, %jit3A_193 : i32
          %sign3A_195 = arith.constant 0 : i32
          %sign3A_196 = arith.cmpi sgt, %scan3A_187, %sign3A_195 : i32
          %sign3A_197 = arith.extui %sign3A_196 : i1 to i32
          %sign3A_198 = arith.constant 0 : i32
          %sign3A_199 = arith.cmpi slt, %scan3A_187, %sign3A_198 : i32
          %sign3A_200 = arith.extui %sign3A_199 : i1 to i32
          %sign3A_201 = arith.subi %sign3A_197, %sign3A_200 : i32
          %sign3A_202 = arith.constant 0 : i32
          %sign3A_203 = arith.cmpi sgt, %jit3A_193, %sign3A_202 : i32
          %sign3A_204 = arith.extui %sign3A_203 : i1 to i32
          %sign3A_205 = arith.constant 0 : i32
          %sign3A_206 = arith.cmpi slt, %jit3A_193, %sign3A_205 : i32
          %sign3A_207 = arith.extui %sign3A_206 : i1 to i32
          %sign3A_208 = arith.subi %sign3A_204, %sign3A_207 : i32
          %ne3A_209 = arith.cmpi ne, %sign3A_201, %sign3A_208 : i32
          %rem3A_210 = arith.remsi %scan3A_187, %jit3A_193 : i32
          %ne3A_211 = arith.constant 0 : i32
          %ne3A_212 = arith.cmpi ne, %rem3A_210, %ne3A_211 : i32
          %and3A_213 = arith.andi %ne3A_209, %ne3A_212 : i1
          %sub3A_214 = arith.constant 1 : i32
          %sub3A_215 = arith.subi %div3A_194, %sub3A_214 : i32
          %select_n3A_216 = arith.select %and3A_213, %sub3A_215, %div3A_194 : i32
          %jit3A_217 = arith.constant 4 : i32
          %eq3A_218 = arith.constant 0 : i32
          %eq3A_219 = arith.cmpi eq, %jit3A_217, %eq3A_218 : i32
          %jit3A_220 = arith.constant 1 : i32
          %select_n3A_221 = arith.select %eq3A_219, %jit3A_220, %jit3A_217 : i32
          %rem3A_222 = arith.remsi %scan3A_187, %select_n3A_221 : i32
          %ne3A_223 = arith.constant 0 : i32
          %ne3A_224 = arith.cmpi ne, %rem3A_222, %ne3A_223 : i32
          %lt3A_225 = arith.constant 0 : i32
          %lt3A_226 = arith.cmpi slt, %rem3A_222, %lt3A_225 : i32
          %lt3A_227 = arith.constant 0 : i32
          %lt3A_228 = arith.cmpi slt, %select_n3A_221, %lt3A_227 : i32
          %ne3A_229 = arith.xori %lt3A_226, %lt3A_228 : i1
          %and3A_230 = arith.andi %ne3A_229, %ne3A_224 : i1
          %add3A_231 = arith.addi %rem3A_222, %select_n3A_221 : i32
          %select_n3A_232 = arith.select %and3A_230, %add3A_231, %rem3A_222 : i32
          %mul3A_233 = arith.constant 1024 : i32
          %mul3A_234 = arith.muli %select_n3A_232, %mul3A_233 : i32
          %mul3A_235 = arith.constant 8 : i32
          %mul3A_236 = arith.muli %mul3A_235, %add3A_21 : i32
          %add3A_237 = arith.addi %mul3A_236, %select_n3A_216 : i32
          %mul3A_238 = arith.constant 1000448 : i32
          %mul3A_239 = arith.muli %add3A_237, %mul3A_238 : i32
          %add3A_240 = arith.addi %mul3A_239, %mul3A_192 : i32
          %mul3A_241 = arith.constant 1024 : i32
          %mul3A_242 = arith.muli %select_n3A_232, %mul3A_241 : i32
          %add3A_243 = arith.addi %add3A_240, %mul3A_242 : i32
          %dma_start3A_244 = arith.constant 1 : i32
          %dma_start3A_245 = tpu.memref_slice %arg5[%dma_start3A_244, %select_n3A_216, %mul3A_234] : memref<2x8x4096xf32, #tpu.memory_space<vmem>> -> memref<1x1x1024xf32, #tpu.memory_space<vmem>>
          %dma_start3A_246 = tpu.memref_squeeze %dma_start3A_245 : memref<1x1x1024xf32, #tpu.memory_space<vmem>> -> memref<1024xf32, #tpu.memory_space<vmem>>
          %dma_start3A_247 = tpu.memref_slice %arg4[%add3A_243] : memref<32014336xf32, #tpu.memory_space<hbm>> -> memref<1024xf32, #tpu.memory_space<hbm>>
          %dma_start3A_248 = tpu.memref_slice %arg4[%add3A_243] : memref<32014336xf32, #tpu.memory_space<hbm>> -> memref<1024xf32, #tpu.memory_space<hbm>>
          %dma_start3A_249 = tpu.memref_slice %arg5[%dma_start3A_244, %select_n3A_216, %mul3A_234] : memref<2x8x4096xf32, #tpu.memory_space<vmem>> -> memref<1x1x1024xf32, #tpu.memory_space<vmem>>
          %dma_start3A_250 = tpu.memref_squeeze %dma_start3A_249 : memref<1x1x1024xf32, #tpu.memory_space<vmem>> -> memref<1024xf32, #tpu.memory_space<vmem>>
          tpu.enqueue_dma source(%dma_start3A_250 : memref<1024xf32, #tpu.memory_space<vmem>>) target(%dma_start3A_248 : memref<1024xf32, #tpu.memory_space<hbm>>) target_semaphore(%arg8 : memref<!tpu.dma_semaphore, #tpu.memory_space<semaphore_mem>>)
        }
        %scan3A_180 = arith.constant 32 : i32
        %scan3A_181 = arith.constant 0 : i32
        %scan3A_182 = arith.constant 0 : i32
        %scan3A_183 = arith.constant 32 : i32
        %scan3A_184 = arith.addi %scan3A_182, %scan3A_183 : i32
        %scan3A_185 = arith.constant 1 : i32
        scf.for %scan3A_187 = %scan3A_182 to %scan3A_184 step %scan3A_185  : i32 {
          %mul3A_188 = arith.constant 16 : i32
          %mul3A_189 = arith.muli %add3A_148, %mul3A_188 : i32
          %add3A_190 = arith.addi %mul3A_189, %arg1 : i32
          %mul3A_191 = arith.constant 4096 : i32
          %mul3A_192 = arith.muli %add3A_190, %mul3A_191 : i32
          %jit3A_193 = arith.constant 4 : i32
          %div3A_194 = arith.divsi %scan3A_187, %jit3A_193 : i32
          %sign3A_195 = arith.constant 0 : i32
          %sign3A_196 = arith.cmpi sgt, %scan3A_187, %sign3A_195 : i32
          %sign3A_197 = arith.extui %sign3A_196 : i1 to i32
          %sign3A_198 = arith.constant 0 : i32
          %sign3A_199 = arith.cmpi slt, %scan3A_187, %sign3A_198 : i32
          %sign3A_200 = arith.extui %sign3A_199 : i1 to i32
          %sign3A_201 = arith.subi %sign3A_197, %sign3A_200 : i32
          %sign3A_202 = arith.constant 0 : i32
          %sign3A_203 = arith.cmpi sgt, %jit3A_193, %sign3A_202 : i32
          %sign3A_204 = arith.extui %sign3A_203 : i1 to i32
          %sign3A_205 = arith.constant 0 : i32
          %sign3A_206 = arith.cmpi slt, %jit3A_193, %sign3A_205 : i32
          %sign3A_207 = arith.extui %sign3A_206 : i1 to i32
          %sign3A_208 = arith.subi %sign3A_204, %sign3A_207 : i32
          %ne3A_209 = arith.cmpi ne, %sign3A_201, %sign3A_208 : i32
          %rem3A_210 = arith.remsi %scan3A_187, %jit3A_193 : i32
          %ne3A_211 = arith.constant 0 : i32
          %ne3A_212 = arith.cmpi ne, %rem3A_210, %ne3A_211 : i32
          %and3A_213 = arith.andi %ne3A_209, %ne3A_212 : i1
          %sub3A_214 = arith.constant 1 : i32
          %sub3A_215 = arith.subi %div3A_194, %sub3A_214 : i32
          %select_n3A_216 = arith.select %and3A_213, %sub3A_215, %div3A_194 : i32
          %jit3A_217 = arith.constant 4 : i32
          %eq3A_218 = arith.constant 0 : i32
          %eq3A_219 = arith.cmpi eq, %jit3A_217, %eq3A_218 : i32
          %jit3A_220 = arith.constant 1 : i32
          %select_n3A_221 = arith.select %eq3A_219, %jit3A_220, %jit3A_217 : i32
          %rem3A_222 = arith.remsi %scan3A_187, %select_n3A_221 : i32
          %ne3A_223 = arith.constant 0 : i32
          %ne3A_224 = arith.cmpi ne, %rem3A_222, %ne3A_223 : i32
          %lt3A_225 = arith.constant 0 : i32
          %lt3A_226 = arith.cmpi slt, %rem3A_222, %lt3A_225 : i32
          %lt3A_227 = arith.constant 0 : i32
          %lt3A_228 = arith.cmpi slt, %select_n3A_221, %lt3A_227 : i32
          %ne3A_229 = arith.xori %lt3A_226, %lt3A_228 : i1
          %and3A_230 = arith.andi %ne3A_229, %ne3A_224 : i1
          %add3A_231 = arith.addi %rem3A_222, %select_n3A_221 : i32
          %select_n3A_232 = arith.select %and3A_230, %add3A_231, %rem3A_222 : i32
          %mul3A_233 = arith.constant 1024 : i32
          %mul3A_234 = arith.muli %select_n3A_232, %mul3A_233 : i32
          %mul3A_235 = arith.constant 8 : i32
          %mul3A_236 = arith.muli %mul3A_235, %add3A_21 : i32
          %add3A_237 = arith.addi %mul3A_236, %select_n3A_216 : i32
          %mul3A_238 = arith.constant 1000448 : i32
          %mul3A_239 = arith.muli %add3A_237, %mul3A_238 : i32
          %add3A_240 = arith.addi %mul3A_239, %mul3A_192 : i32
          %mul3A_241 = arith.constant 1024 : i32
          %mul3A_242 = arith.muli %select_n3A_232, %mul3A_241 : i32
          %add3A_243 = arith.addi %add3A_240, %mul3A_242 : i32
          %dma_wait3A_244 = arith.constant 1 : i32
          %dma_wait3A_245 = tpu.memref_slice %arg5[%dma_wait3A_244, %select_n3A_216, %mul3A_234] : memref<2x8x4096xf32, #tpu.memory_space<vmem>> -> memref<1x1x1024xf32, #tpu.memory_space<vmem>>
          %dma_wait3A_246 = tpu.memref_squeeze %dma_wait3A_245 : memref<1x1x1024xf32, #tpu.memory_space<vmem>> -> memref<1024xf32, #tpu.memory_space<vmem>>
          %dma_wait3A_247 = tpu.memref_slice %arg4[%add3A_243] : memref<32014336xf32, #tpu.memory_space<hbm>> -> memref<1024xf32, #tpu.memory_space<hbm>>
          %dma_wait3A_248 = tpu.memref_slice %arg4[%add3A_243] : memref<32014336xf32, #tpu.memory_space<hbm>> -> memref<1024xf32, #tpu.memory_space<hbm>>
          %dma_wait3A_249 = tpu.memref_slice %arg5[%dma_wait3A_244, %select_n3A_216, %mul3A_234] : memref<2x8x4096xf32, #tpu.memory_space<vmem>> -> memref<1x1x1024xf32, #tpu.memory_space<vmem>>
          %dma_wait3A_250 = tpu.memref_squeeze %dma_wait3A_249 : memref<1x1x1024xf32, #tpu.memory_space<vmem>> -> memref<1024xf32, #tpu.memory_space<vmem>>
          tpu.wait_dma2 semaphore(%arg8 : memref<!tpu.dma_semaphore, #tpu.memory_space<semaphore_mem>>) src(%dma_wait3A_250 : memref<1024xf32, #tpu.memory_space<vmem>>) dst(%dma_wait3A_248 : memref<1024xf32, #tpu.memory_space<hbm>>)
        }
        %scan3A_186 = arith.constant 32 : i32
      } else {
      }
    }
    %while3A_72 = arith.constant 1 : i32
    scf.for %while3A_137 = %while3A_70 to %while3A_66 step %while3A_72  : i32 {
      %mul3A_138 = arith.constant 2 : i32
      %mul3A_139 = arith.muli %while3A_137, %mul3A_138 : i32
      %add3A_140 = arith.constant 0 : i32
      %add3A_141 = arith.addi %mul3A_139, %add3A_140 : i32
      %lt3A = arith.cmpi slt, %add3A_141, %add3A_18 : i32
      %convert_element_type3A_142 = arith.extui %lt3A : i1 to i32
      %cond3A_143 = arith.constant 0 : i32
      %cond3A_144 = arith.cmpi ne, %convert_element_type3A_142, %cond3A_143 : i32
      scf.if %cond3A_144 {
        %mul3A_153 = arith.constant 16 : i32
        %mul3A_154 = arith.muli %add3A_141, %mul3A_153 : i32
        %add3A_155 = arith.addi %mul3A_154, %arg1 : i32
        %mul3A_156 = arith.constant 4096 : i32
        %mul3A_157 = arith.muli %add3A_155, %mul3A_156 : i32
        %mul3A_158 = arith.constant 8 : i32
        %mul3A_159 = arith.muli %mul3A_158, %add3A_21 : i32
        %dma_wait3A = arith.constant 0 : i32
        %dma_wait3A_160 = arith.constant 0 : i32
        %dma_wait3A_161 = arith.constant 0 : i32
        %dma_wait3A_162 = tpu.memref_slice %arg5[%dma_wait3A, %dma_wait3A_160, %dma_wait3A_161] : memref<2x8x4096xf32, #tpu.memory_space<vmem>> -> memref<1x8x4096xf32, #tpu.memory_space<vmem>>
        %dma_wait3A_163 = tpu.memref_squeeze %dma_wait3A_162 : memref<1x8x4096xf32, #tpu.memory_space<vmem>> -> memref<8x4096xf32, #tpu.memory_space<vmem>>
        %dma_wait3A_164 = tpu.memref_slice %arg2[%mul3A_159, %mul3A_157] : memref<32x1000000xf32, #tpu.memory_space<hbm>> -> memref<8x4096xf32, #tpu.memory_space<hbm>>
        %dma_wait3A_165 = arith.constant 0 : i32
        %dma_wait3A_166 = arith.constant 0 : i32
        %dma_wait3A_167 = tpu.memref_slice %arg5[%dma_wait3A, %dma_wait3A_165, %dma_wait3A_166] : memref<2x8x4096xf32, #tpu.memory_space<vmem>> -> memref<1x8x4096xf32, #tpu.memory_space<vmem>>
        %dma_wait3A_168 = tpu.memref_squeeze %dma_wait3A_167 : memref<1x8x4096xf32, #tpu.memory_space<vmem>> -> memref<8x4096xf32, #tpu.memory_space<vmem>>
        %dma_wait3A_169 = tpu.memref_slice %arg2[%mul3A_159, %mul3A_157] : memref<32x1000000xf32, #tpu.memory_space<hbm>> -> memref<8x4096xf32, #tpu.memory_space<hbm>>
        tpu.wait_dma2 semaphore(%arg6 : memref<!tpu.dma_semaphore, #tpu.memory_space<semaphore_mem>>) src(%dma_wait3A_169 : memref<8x4096xf32, #tpu.memory_space<hbm>>) dst(%dma_wait3A_168 : memref<8x4096xf32, #tpu.memory_space<vmem>>)
        %add3A_170 = arith.constant 1 : i32
        %add3A_171 = arith.addi %add3A_141, %add3A_170 : i32
        %lt3A_172 = arith.cmpi slt, %add3A_171, %add3A_18 : i32
        %convert_element_type3A_173 = arith.extui %lt3A_172 : i1 to i32
        %cond3A_174 = arith.constant 0 : i32
        %cond3A_175 = arith.cmpi ne, %convert_element_type3A_173, %cond3A_174 : i32
        scf.if %cond3A_175 {
          %add3A_187 = arith.constant 1 : i32
          %add3A_188 = arith.addi %add3A_141, %add3A_187 : i32
          %mul3A_189 = arith.constant 16 : i32
          %mul3A_190 = arith.muli %add3A_188, %mul3A_189 : i32
          %add3A_191 = arith.addi %mul3A_190, %arg1 : i32
          %mul3A_192 = arith.constant 4096 : i32
          %mul3A_193 = arith.muli %add3A_191, %mul3A_192 : i32
          %mul3A_194 = arith.constant 8 : i32
          %mul3A_195 = arith.muli %mul3A_194, %add3A_21 : i32
          %dma_start3A_196 = arith.constant 1 : i32
          %dma_start3A_197 = arith.constant 0 : i32
          %dma_start3A_198 = arith.constant 0 : i32
          %dma_start3A_199 = tpu.memref_slice %arg5[%dma_start3A_196, %dma_start3A_197, %dma_start3A_198] : memref<2x8x4096xf32, #tpu.memory_space<vmem>> -> memref<1x8x4096xf32, #tpu.memory_space<vmem>>
          %dma_start3A_200 = tpu.memref_squeeze %dma_start3A_199 : memref<1x8x4096xf32, #tpu.memory_space<vmem>> -> memref<8x4096xf32, #tpu.memory_space<vmem>>
          %dma_start3A_201 = tpu.memref_slice %arg2[%mul3A_195, %mul3A_193] : memref<32x1000000xf32, #tpu.memory_space<hbm>> -> memref<8x4096xf32, #tpu.memory_space<hbm>>
          %dma_start3A_202 = arith.constant 0 : i32
          %dma_start3A_203 = arith.constant 0 : i32
          %dma_start3A_204 = tpu.memref_slice %arg5[%dma_start3A_196, %dma_start3A_202, %dma_start3A_203] : memref<2x8x4096xf32, #tpu.memory_space<vmem>> -> memref<1x8x4096xf32, #tpu.memory_space<vmem>>
          %dma_start3A_205 = tpu.memref_squeeze %dma_start3A_204 : memref<1x8x4096xf32, #tpu.memory_space<vmem>> -> memref<8x4096xf32, #tpu.memory_space<vmem>>
          %dma_start3A_206 = tpu.memref_slice %arg2[%mul3A_195, %mul3A_193] : memref<32x1000000xf32, #tpu.memory_space<hbm>> -> memref<8x4096xf32, #tpu.memory_space<hbm>>
          tpu.enqueue_dma source(%dma_start3A_206 : memref<8x4096xf32, #tpu.memory_space<hbm>>) target(%dma_start3A_205 : memref<8x4096xf32, #tpu.memory_space<vmem>>) target_semaphore(%arg7 : memref<!tpu.dma_semaphore, #tpu.memory_space<semaphore_mem>>)
        } else {
        }
        %scan3A = arith.constant 0 : i32
        %scan3A_176 = arith.constant 0 : i32
        %scan3A_177 = arith.constant 32 : i32
        %scan3A_178 = arith.addi %scan3A_176, %scan3A_177 : i32
        %scan3A_179 = arith.constant 1 : i32
        scf.for %scan3A_187 = %scan3A_176 to %scan3A_178 step %scan3A_179  : i32 {
          %mul3A_188 = arith.constant 16 : i32
          %mul3A_189 = arith.muli %add3A_141, %mul3A_188 : i32
          %add3A_190 = arith.addi %mul3A_189, %arg1 : i32
          %mul3A_191 = arith.constant 4096 : i32
          %mul3A_192 = arith.muli %add3A_190, %mul3A_191 : i32
          %jit3A_193 = arith.constant 4 : i32
          %div3A_194 = arith.divsi %scan3A_187, %jit3A_193 : i32
          %sign3A_195 = arith.constant 0 : i32
          %sign3A_196 = arith.cmpi sgt, %scan3A_187, %sign3A_195 : i32
          %sign3A_197 = arith.extui %sign3A_196 : i1 to i32
          %sign3A_198 = arith.constant 0 : i32
          %sign3A_199 = arith.cmpi slt, %scan3A_187, %sign3A_198 : i32
          %sign3A_200 = arith.extui %sign3A_199 : i1 to i32
          %sign3A_201 = arith.subi %sign3A_197, %sign3A_200 : i32
          %sign3A_202 = arith.constant 0 : i32
          %sign3A_203 = arith.cmpi sgt, %jit3A_193, %sign3A_202 : i32
          %sign3A_204 = arith.extui %sign3A_203 : i1 to i32
          %sign3A_205 = arith.constant 0 : i32
          %sign3A_206 = arith.cmpi slt, %jit3A_193, %sign3A_205 : i32
          %sign3A_207 = arith.extui %sign3A_206 : i1 to i32
          %sign3A_208 = arith.subi %sign3A_204, %sign3A_207 : i32
          %ne3A_209 = arith.cmpi ne, %sign3A_201, %sign3A_208 : i32
          %rem3A_210 = arith.remsi %scan3A_187, %jit3A_193 : i32
          %ne3A_211 = arith.constant 0 : i32
          %ne3A_212 = arith.cmpi ne, %rem3A_210, %ne3A_211 : i32
          %and3A_213 = arith.andi %ne3A_209, %ne3A_212 : i1
          %sub3A_214 = arith.constant 1 : i32
          %sub3A_215 = arith.subi %div3A_194, %sub3A_214 : i32
          %select_n3A_216 = arith.select %and3A_213, %sub3A_215, %div3A_194 : i32
          %jit3A_217 = arith.constant 4 : i32
          %eq3A_218 = arith.constant 0 : i32
          %eq3A_219 = arith.cmpi eq, %jit3A_217, %eq3A_218 : i32
          %jit3A_220 = arith.constant 1 : i32
          %select_n3A_221 = arith.select %eq3A_219, %jit3A_220, %jit3A_217 : i32
          %rem3A_222 = arith.remsi %scan3A_187, %select_n3A_221 : i32
          %ne3A_223 = arith.constant 0 : i32
          %ne3A_224 = arith.cmpi ne, %rem3A_222, %ne3A_223 : i32
          %lt3A_225 = arith.constant 0 : i32
          %lt3A_226 = arith.cmpi slt, %rem3A_222, %lt3A_225 : i32
          %lt3A_227 = arith.constant 0 : i32
          %lt3A_228 = arith.cmpi slt, %select_n3A_221, %lt3A_227 : i32
          %ne3A_229 = arith.xori %lt3A_226, %lt3A_228 : i1
          %and3A_230 = arith.andi %ne3A_229, %ne3A_224 : i1
          %add3A_231 = arith.addi %rem3A_222, %select_n3A_221 : i32
          %select_n3A_232 = arith.select %and3A_230, %add3A_231, %rem3A_222 : i32
          %mul3A_233 = arith.constant 1024 : i32
          %mul3A_234 = arith.muli %select_n3A_232, %mul3A_233 : i32
          %mul3A_235 = arith.constant 8 : i32
          %mul3A_236 = arith.muli %mul3A_235, %add3A_21 : i32
          %add3A_237 = arith.addi %mul3A_236, %select_n3A_216 : i32
          %mul3A_238 = arith.constant 1000448 : i32
          %mul3A_239 = arith.muli %add3A_237, %mul3A_238 : i32
          %add3A_240 = arith.addi %mul3A_239, %mul3A_192 : i32
          %mul3A_241 = arith.constant 1024 : i32
          %mul3A_242 = arith.muli %select_n3A_232, %mul3A_241 : i32
          %add3A_243 = arith.addi %add3A_240, %mul3A_242 : i32
          %dma_start3A_244 = arith.constant 0 : i32
          %dma_start3A_245 = tpu.memref_slice %arg5[%dma_start3A_244, %select_n3A_216, %mul3A_234] : memref<2x8x4096xf32, #tpu.memory_space<vmem>> -> memref<1x1x1024xf32, #tpu.memory_space<vmem>>
          %dma_start3A_246 = tpu.memref_squeeze %dma_start3A_245 : memref<1x1x1024xf32, #tpu.memory_space<vmem>> -> memref<1024xf32, #tpu.memory_space<vmem>>
          %dma_start3A_247 = tpu.memref_slice %arg4[%add3A_243] : memref<32014336xf32, #tpu.memory_space<hbm>> -> memref<1024xf32, #tpu.memory_space<hbm>>
          %dma_start3A_248 = tpu.memref_slice %arg4[%add3A_243] : memref<32014336xf32, #tpu.memory_space<hbm>> -> memref<1024xf32, #tpu.memory_space<hbm>>
          %dma_start3A_249 = tpu.memref_slice %arg5[%dma_start3A_244, %select_n3A_216, %mul3A_234] : memref<2x8x4096xf32, #tpu.memory_space<vmem>> -> memref<1x1x1024xf32, #tpu.memory_space<vmem>>
          %dma_start3A_250 = tpu.memref_squeeze %dma_start3A_249 : memref<1x1x1024xf32, #tpu.memory_space<vmem>> -> memref<1024xf32, #tpu.memory_space<vmem>>
          tpu.enqueue_dma source(%dma_start3A_250 : memref<1024xf32, #tpu.memory_space<vmem>>) target(%dma_start3A_248 : memref<1024xf32, #tpu.memory_space<hbm>>) target_semaphore(%arg8 : memref<!tpu.dma_semaphore, #tpu.memory_space<semaphore_mem>>)
        }
        %scan3A_180 = arith.constant 32 : i32
        %scan3A_181 = arith.constant 0 : i32
        %scan3A_182 = arith.constant 0 : i32
        %scan3A_183 = arith.constant 32 : i32
        %scan3A_184 = arith.addi %scan3A_182, %scan3A_183 : i32
        %scan3A_185 = arith.constant 1 : i32
        scf.for %scan3A_187 = %scan3A_182 to %scan3A_184 step %scan3A_185  : i32 {
          %mul3A_188 = arith.constant 16 : i32
          %mul3A_189 = arith.muli %add3A_141, %mul3A_188 : i32
          %add3A_190 = arith.addi %mul3A_189, %arg1 : i32
          %mul3A_191 = arith.constant 4096 : i32
          %mul3A_192 = arith.muli %add3A_190, %mul3A_191 : i32
          %jit3A_193 = arith.constant 4 : i32
          %div3A_194 = arith.divsi %scan3A_187, %jit3A_193 : i32
          %sign3A_195 = arith.constant 0 : i32
          %sign3A_196 = arith.cmpi sgt, %scan3A_187, %sign3A_195 : i32
          %sign3A_197 = arith.extui %sign3A_196 : i1 to i32
          %sign3A_198 = arith.constant 0 : i32
          %sign3A_199 = arith.cmpi slt, %scan3A_187, %sign3A_198 : i32
          %sign3A_200 = arith.extui %sign3A_199 : i1 to i32
          %sign3A_201 = arith.subi %sign3A_197, %sign3A_200 : i32
          %sign3A_202 = arith.constant 0 : i32
          %sign3A_203 = arith.cmpi sgt, %jit3A_193, %sign3A_202 : i32
          %sign3A_204 = arith.extui %sign3A_203 : i1 to i32
          %sign3A_205 = arith.constant 0 : i32
          %sign3A_206 = arith.cmpi slt, %jit3A_193, %sign3A_205 : i32
          %sign3A_207 = arith.extui %sign3A_206 : i1 to i32
          %sign3A_208 = arith.subi %sign3A_204, %sign3A_207 : i32
          %ne3A_209 = arith.cmpi ne, %sign3A_201, %sign3A_208 : i32
          %rem3A_210 = arith.remsi %scan3A_187, %jit3A_193 : i32
          %ne3A_211 = arith.constant 0 : i32
          %ne3A_212 = arith.cmpi ne, %rem3A_210, %ne3A_211 : i32
          %and3A_213 = arith.andi %ne3A_209, %ne3A_212 : i1
          %sub3A_214 = arith.constant 1 : i32
          %sub3A_215 = arith.subi %div3A_194, %sub3A_214 : i32
          %select_n3A_216 = arith.select %and3A_213, %sub3A_215, %div3A_194 : i32
          %jit3A_217 = arith.constant 4 : i32
          %eq3A_218 = arith.constant 0 : i32
          %eq3A_219 = arith.cmpi eq, %jit3A_217, %eq3A_218 : i32
          %jit3A_220 = arith.constant 1 : i32
          %select_n3A_221 = arith.select %eq3A_219, %jit3A_220, %jit3A_217 : i32
          %rem3A_222 = arith.remsi %scan3A_187, %select_n3A_221 : i32
          %ne3A_223 = arith.constant 0 : i32
          %ne3A_224 = arith.cmpi ne, %rem3A_222, %ne3A_223 : i32
          %lt3A_225 = arith.constant 0 : i32
          %lt3A_226 = arith.cmpi slt, %rem3A_222, %lt3A_225 : i32
          %lt3A_227 = arith.constant 0 : i32
          %lt3A_228 = arith.cmpi slt, %select_n3A_221, %lt3A_227 : i32
          %ne3A_229 = arith.xori %lt3A_226, %lt3A_228 : i1
          %and3A_230 = arith.andi %ne3A_229, %ne3A_224 : i1
          %add3A_231 = arith.addi %rem3A_222, %select_n3A_221 : i32
          %select_n3A_232 = arith.select %and3A_230, %add3A_231, %rem3A_222 : i32
          %mul3A_233 = arith.constant 1024 : i32
          %mul3A_234 = arith.muli %select_n3A_232, %mul3A_233 : i32
          %mul3A_235 = arith.constant 8 : i32
          %mul3A_236 = arith.muli %mul3A_235, %add3A_21 : i32
          %add3A_237 = arith.addi %mul3A_236, %select_n3A_216 : i32
          %mul3A_238 = arith.constant 1000448 : i32
          %mul3A_239 = arith.muli %add3A_237, %mul3A_238 : i32
          %add3A_240 = arith.addi %mul3A_239, %mul3A_192 : i32
          %mul3A_241 = arith.constant 1024 : i32
          %mul3A_242 = arith.muli %select_n3A_232, %mul3A_241 : i32
          %add3A_243 = arith.addi %add3A_240, %mul3A_242 : i32
          %dma_wait3A_244 = arith.constant 0 : i32
          %dma_wait3A_245 = tpu.memref_slice %arg5[%dma_wait3A_244, %select_n3A_216, %mul3A_234] : memref<2x8x4096xf32, #tpu.memory_space<vmem>> -> memref<1x1x1024xf32, #tpu.memory_space<vmem>>
          %dma_wait3A_246 = tpu.memref_squeeze %dma_wait3A_245 : memref<1x1x1024xf32, #tpu.memory_space<vmem>> -> memref<1024xf32, #tpu.memory_space<vmem>>
          %dma_wait3A_247 = tpu.memref_slice %arg4[%add3A_243] : memref<32014336xf32, #tpu.memory_space<hbm>> -> memref<1024xf32, #tpu.memory_space<hbm>>
          %dma_wait3A_248 = tpu.memref_slice %arg4[%add3A_243] : memref<32014336xf32, #tpu.memory_space<hbm>> -> memref<1024xf32, #tpu.memory_space<hbm>>
          %dma_wait3A_249 = tpu.memref_slice %arg5[%dma_wait3A_244, %select_n3A_216, %mul3A_234] : memref<2x8x4096xf32, #tpu.memory_space<vmem>> -> memref<1x1x1024xf32, #tpu.memory_space<vmem>>
          %dma_wait3A_250 = tpu.memref_squeeze %dma_wait3A_249 : memref<1x1x1024xf32, #tpu.memory_space<vmem>> -> memref<1024xf32, #tpu.memory_space<vmem>>
          tpu.wait_dma2 semaphore(%arg8 : memref<!tpu.dma_semaphore, #tpu.memory_space<semaphore_mem>>) src(%dma_wait3A_250 : memref<1024xf32, #tpu.memory_space<vmem>>) dst(%dma_wait3A_248 : memref<1024xf32, #tpu.memory_space<hbm>>)
        }
        %scan3A_186 = arith.constant 32 : i32
      } else {
      }
      %mul3A_145 = arith.constant 2 : i32
      %mul3A_146 = arith.muli %while3A_137, %mul3A_145 : i32
      %add3A_147 = arith.constant 1 : i32
      %add3A_148 = arith.addi %mul3A_146, %add3A_147 : i32
      %lt3A_149 = arith.cmpi slt, %add3A_148, %add3A_18 : i32
      %convert_element_type3A_150 = arith.extui %lt3A_149 : i1 to i32
      %cond3A_151 = arith.constant 0 : i32
      %cond3A_152 = arith.cmpi ne, %convert_element_type3A_150, %cond3A_151 : i32
      scf.if %cond3A_152 {
        %mul3A_153 = arith.constant 16 : i32
        %mul3A_154 = arith.muli %add3A_148, %mul3A_153 : i32
        %add3A_155 = arith.addi %mul3A_154, %arg1 : i32
        %mul3A_156 = arith.constant 4096 : i32
        %mul3A_157 = arith.muli %add3A_155, %mul3A_156 : i32
        %mul3A_158 = arith.constant 8 : i32
        %mul3A_159 = arith.muli %mul3A_158, %add3A_21 : i32
        %dma_wait3A = arith.constant 1 : i32
        %dma_wait3A_160 = arith.constant 0 : i32
        %dma_wait3A_161 = arith.constant 0 : i32
        %dma_wait3A_162 = tpu.memref_slice %arg5[%dma_wait3A, %dma_wait3A_160, %dma_wait3A_161] : memref<2x8x4096xf32, #tpu.memory_space<vmem>> -> memref<1x8x4096xf32, #tpu.memory_space<vmem>>
        %dma_wait3A_163 = tpu.memref_squeeze %dma_wait3A_162 : memref<1x8x4096xf32, #tpu.memory_space<vmem>> -> memref<8x4096xf32, #tpu.memory_space<vmem>>
        %dma_wait3A_164 = tpu.memref_slice %arg2[%mul3A_159, %mul3A_157] : memref<32x1000000xf32, #tpu.memory_space<hbm>> -> memref<8x4096xf32, #tpu.memory_space<hbm>>
        %dma_wait3A_165 = arith.constant 0 : i32
        %dma_wait3A_166 = arith.constant 0 : i32
        %dma_wait3A_167 = tpu.memref_slice %arg5[%dma_wait3A, %dma_wait3A_165, %dma_wait3A_166] : memref<2x8x4096xf32, #tpu.memory_space<vmem>> -> memref<1x8x4096xf32, #tpu.memory_space<vmem>>
        %dma_wait3A_168 = tpu.memref_squeeze %dma_wait3A_167 : memref<1x8x4096xf32, #tpu.memory_space<vmem>> -> memref<8x4096xf32, #tpu.memory_space<vmem>>
        %dma_wait3A_169 = tpu.memref_slice %arg2[%mul3A_159, %mul3A_157] : memref<32x1000000xf32, #tpu.memory_space<hbm>> -> memref<8x4096xf32, #tpu.memory_space<hbm>>
        tpu.wait_dma2 semaphore(%arg7 : memref<!tpu.dma_semaphore, #tpu.memory_space<semaphore_mem>>) src(%dma_wait3A_169 : memref<8x4096xf32, #tpu.memory_space<hbm>>) dst(%dma_wait3A_168 : memref<8x4096xf32, #tpu.memory_space<vmem>>)
        %add3A_170 = arith.constant 1 : i32
        %add3A_171 = arith.addi %add3A_148, %add3A_170 : i32
        %lt3A_172 = arith.cmpi slt, %add3A_171, %add3A_18 : i32
        %convert_element_type3A_173 = arith.extui %lt3A_172 : i1 to i32
        %cond3A_174 = arith.constant 0 : i32
        %cond3A_175 = arith.cmpi ne, %convert_element_type3A_173, %cond3A_174 : i32
        scf.if %cond3A_175 {
          %add3A_187 = arith.constant 1 : i32
          %add3A_188 = arith.addi %add3A_148, %add3A_187 : i32
          %mul3A_189 = arith.constant 16 : i32
          %mul3A_190 = arith.muli %add3A_188, %mul3A_189 : i32
          %add3A_191 = arith.addi %mul3A_190, %arg1 : i32
          %mul3A_192 = arith.constant 4096 : i32
          %mul3A_193 = arith.muli %add3A_191, %mul3A_192 : i32
          %mul3A_194 = arith.constant 8 : i32
          %mul3A_195 = arith.muli %mul3A_194, %add3A_21 : i32
          %dma_start3A_196 = arith.constant 0 : i32
          %dma_start3A_197 = arith.constant 0 : i32
          %dma_start3A_198 = arith.constant 0 : i32
          %dma_start3A_199 = tpu.memref_slice %arg5[%dma_start3A_196, %dma_start3A_197, %dma_start3A_198] : memref<2x8x4096xf32, #tpu.memory_space<vmem>> -> memref<1x8x4096xf32, #tpu.memory_space<vmem>>
          %dma_start3A_200 = tpu.memref_squeeze %dma_start3A_199 : memref<1x8x4096xf32, #tpu.memory_space<vmem>> -> memref<8x4096xf32, #tpu.memory_space<vmem>>
          %dma_start3A_201 = tpu.memref_slice %arg2[%mul3A_195, %mul3A_193] : memref<32x1000000xf32, #tpu.memory_space<hbm>> -> memref<8x4096xf32, #tpu.memory_space<hbm>>
          %dma_start3A_202 = arith.constant 0 : i32
          %dma_start3A_203 = arith.constant 0 : i32
          %dma_start3A_204 = tpu.memref_slice %arg5[%dma_start3A_196, %dma_start3A_202, %dma_start3A_203] : memref<2x8x4096xf32, #tpu.memory_space<vmem>> -> memref<1x8x4096xf32, #tpu.memory_space<vmem>>
          %dma_start3A_205 = tpu.memref_squeeze %dma_start3A_204 : memref<1x8x4096xf32, #tpu.memory_space<vmem>> -> memref<8x4096xf32, #tpu.memory_space<vmem>>
          %dma_start3A_206 = tpu.memref_slice %arg2[%mul3A_195, %mul3A_193] : memref<32x1000000xf32, #tpu.memory_space<hbm>> -> memref<8x4096xf32, #tpu.memory_space<hbm>>
          tpu.enqueue_dma source(%dma_start3A_206 : memref<8x4096xf32, #tpu.memory_space<hbm>>) target(%dma_start3A_205 : memref<8x4096xf32, #tpu.memory_space<vmem>>) target_semaphore(%arg6 : memref<!tpu.dma_semaphore, #tpu.memory_space<semaphore_mem>>)
        } else {
        }
        %scan3A = arith.constant 0 : i32
        %scan3A_176 = arith.constant 0 : i32
        %scan3A_177 = arith.constant 32 : i32
        %scan3A_178 = arith.addi %scan3A_176, %scan3A_177 : i32
        %scan3A_179 = arith.constant 1 : i32
        scf.for %scan3A_187 = %scan3A_176 to %scan3A_178 step %scan3A_179  : i32 {
          %mul3A_188 = arith.constant 16 : i32
          %mul3A_189 = arith.muli %add3A_148, %mul3A_188 : i32
          %add3A_190 = arith.addi %mul3A_189, %arg1 : i32
          %mul3A_191 = arith.constant 4096 : i32
          %mul3A_192 = arith.muli %add3A_190, %mul3A_191 : i32
          %jit3A_193 = arith.constant 4 : i32
          %div3A_194 = arith.divsi %scan3A_187, %jit3A_193 : i32
          %sign3A_195 = arith.constant 0 : i32
          %sign3A_196 = arith.cmpi sgt, %scan3A_187, %sign3A_195 : i32
          %sign3A_197 = arith.extui %sign3A_196 : i1 to i32
          %sign3A_198 = arith.constant 0 : i32
          %sign3A_199 = arith.cmpi slt, %scan3A_187, %sign3A_198 : i32
          %sign3A_200 = arith.extui %sign3A_199 : i1 to i32
          %sign3A_201 = arith.subi %sign3A_197, %sign3A_200 : i32
          %sign3A_202 = arith.constant 0 : i32
          %sign3A_203 = arith.cmpi sgt, %jit3A_193, %sign3A_202 : i32
          %sign3A_204 = arith.extui %sign3A_203 : i1 to i32
          %sign3A_205 = arith.constant 0 : i32
          %sign3A_206 = arith.cmpi slt, %jit3A_193, %sign3A_205 : i32
          %sign3A_207 = arith.extui %sign3A_206 : i1 to i32
          %sign3A_208 = arith.subi %sign3A_204, %sign3A_207 : i32
          %ne3A_209 = arith.cmpi ne, %sign3A_201, %sign3A_208 : i32
          %rem3A_210 = arith.remsi %scan3A_187, %jit3A_193 : i32
          %ne3A_211 = arith.constant 0 : i32
          %ne3A_212 = arith.cmpi ne, %rem3A_210, %ne3A_211 : i32
          %and3A_213 = arith.andi %ne3A_209, %ne3A_212 : i1
          %sub3A_214 = arith.constant 1 : i32
          %sub3A_215 = arith.subi %div3A_194, %sub3A_214 : i32
          %select_n3A_216 = arith.select %and3A_213, %sub3A_215, %div3A_194 : i32
          %jit3A_217 = arith.constant 4 : i32
          %eq3A_218 = arith.constant 0 : i32
          %eq3A_219 = arith.cmpi eq, %jit3A_217, %eq3A_218 : i32
          %jit3A_220 = arith.constant 1 : i32
          %select_n3A_221 = arith.select %eq3A_219, %jit3A_220, %jit3A_217 : i32
          %rem3A_222 = arith.remsi %scan3A_187, %select_n3A_221 : i32
          %ne3A_223 = arith.constant 0 : i32
          %ne3A_224 = arith.cmpi ne, %rem3A_222, %ne3A_223 : i32
          %lt3A_225 = arith.constant 0 : i32
          %lt3A_226 = arith.cmpi slt, %rem3A_222, %lt3A_225 : i32
          %lt3A_227 = arith.constant 0 : i32
          %lt3A_228 = arith.cmpi slt, %select_n3A_221, %lt3A_227 : i32
          %ne3A_229 = arith.xori %lt3A_226, %lt3A_228 : i1
          %and3A_230 = arith.andi %ne3A_229, %ne3A_224 : i1
          %add3A_231 = arith.addi %rem3A_222, %select_n3A_221 : i32
          %select_n3A_232 = arith.select %and3A_230, %add3A_231, %rem3A_222 : i32
          %mul3A_233 = arith.constant 1024 : i32
          %mul3A_234 = arith.muli %select_n3A_232, %mul3A_233 : i32
          %mul3A_235 = arith.constant 8 : i32
          %mul3A_236 = arith.muli %mul3A_235, %add3A_21 : i32
          %add3A_237 = arith.addi %mul3A_236, %select_n3A_216 : i32
          %mul3A_238 = arith.constant 1000448 : i32
          %mul3A_239 = arith.muli %add3A_237, %mul3A_238 : i32
          %add3A_240 = arith.addi %mul3A_239, %mul3A_192 : i32
          %mul3A_241 = arith.constant 1024 : i32
          %mul3A_242 = arith.muli %select_n3A_232, %mul3A_241 : i32
          %add3A_243 = arith.addi %add3A_240, %mul3A_242 : i32
          %dma_start3A_244 = arith.constant 1 : i32
          %dma_start3A_245 = tpu.memref_slice %arg5[%dma_start3A_244, %select_n3A_216, %mul3A_234] : memref<2x8x4096xf32, #tpu.memory_space<vmem>> -> memref<1x1x1024xf32, #tpu.memory_space<vmem>>
          %dma_start3A_246 = tpu.memref_squeeze %dma_start3A_245 : memref<1x1x1024xf32, #tpu.memory_space<vmem>> -> memref<1024xf32, #tpu.memory_space<vmem>>
          %dma_start3A_247 = tpu.memref_slice %arg4[%add3A_243] : memref<32014336xf32, #tpu.memory_space<hbm>> -> memref<1024xf32, #tpu.memory_space<hbm>>
          %dma_start3A_248 = tpu.memref_slice %arg4[%add3A_243] : memref<32014336xf32, #tpu.memory_space<hbm>> -> memref<1024xf32, #tpu.memory_space<hbm>>
          %dma_start3A_249 = tpu.memref_slice %arg5[%dma_start3A_244, %select_n3A_216, %mul3A_234] : memref<2x8x4096xf32, #tpu.memory_space<vmem>> -> memref<1x1x1024xf32, #tpu.memory_space<vmem>>
          %dma_start3A_250 = tpu.memref_squeeze %dma_start3A_249 : memref<1x1x1024xf32, #tpu.memory_space<vmem>> -> memref<1024xf32, #tpu.memory_space<vmem>>
          tpu.enqueue_dma source(%dma_start3A_250 : memref<1024xf32, #tpu.memory_space<vmem>>) target(%dma_start3A_248 : memref<1024xf32, #tpu.memory_space<hbm>>) target_semaphore(%arg8 : memref<!tpu.dma_semaphore, #tpu.memory_space<semaphore_mem>>)
        }
        %scan3A_180 = arith.constant 32 : i32
        %scan3A_181 = arith.constant 0 : i32
        %scan3A_182 = arith.constant 0 : i32
        %scan3A_183 = arith.constant 32 : i32
        %scan3A_184 = arith.addi %scan3A_182, %scan3A_183 : i32
        %scan3A_185 = arith.constant 1 : i32
        scf.for %scan3A_187 = %scan3A_182 to %scan3A_184 step %scan3A_185  : i32 {
          %mul3A_188 = arith.constant 16 : i32
          %mul3A_189 = arith.muli %add3A_148, %mul3A_188 : i32
          %add3A_190 = arith.addi %mul3A_189, %arg1 : i32
          %mul3A_191 = arith.constant 4096 : i32
          %mul3A_192 = arith.muli %add3A_190, %mul3A_191 : i32
          %jit3A_193 = arith.constant 4 : i32
          %div3A_194 = arith.divsi %scan3A_187, %jit3A_193 : i32
          %sign3A_195 = arith.constant 0 : i32
          %sign3A_196 = arith.cmpi sgt, %scan3A_187, %sign3A_195 : i32
          %sign3A_197 = arith.extui %sign3A_196 : i1 to i32
          %sign3A_198 = arith.constant 0 : i32
          %sign3A_199 = arith.cmpi slt, %scan3A_187, %sign3A_198 : i32
          %sign3A_200 = arith.extui %sign3A_199 : i1 to i32
          %sign3A_201 = arith.subi %sign3A_197, %sign3A_200 : i32
          %sign3A_202 = arith.constant 0 : i32
          %sign3A_203 = arith.cmpi sgt, %jit3A_193, %sign3A_202 : i32
          %sign3A_204 = arith.extui %sign3A_203 : i1 to i32
          %sign3A_205 = arith.constant 0 : i32
          %sign3A_206 = arith.cmpi slt, %jit3A_193, %sign3A_205 : i32
          %sign3A_207 = arith.extui %sign3A_206 : i1 to i32
          %sign3A_208 = arith.subi %sign3A_204, %sign3A_207 : i32
          %ne3A_209 = arith.cmpi ne, %sign3A_201, %sign3A_208 : i32
          %rem3A_210 = arith.remsi %scan3A_187, %jit3A_193 : i32
          %ne3A_211 = arith.constant 0 : i32
          %ne3A_212 = arith.cmpi ne, %rem3A_210, %ne3A_211 : i32
          %and3A_213 = arith.andi %ne3A_209, %ne3A_212 : i1
          %sub3A_214 = arith.constant 1 : i32
          %sub3A_215 = arith.subi %div3A_194, %sub3A_214 : i32
          %select_n3A_216 = arith.select %and3A_213, %sub3A_215, %div3A_194 : i32
          %jit3A_217 = arith.constant 4 : i32
          %eq3A_218 = arith.constant 0 : i32
          %eq3A_219 = arith.cmpi eq, %jit3A_217, %eq3A_218 : i32
          %jit3A_220 = arith.constant 1 : i32
          %select_n3A_221 = arith.select %eq3A_219, %jit3A_220, %jit3A_217 : i32
          %rem3A_222 = arith.remsi %scan3A_187, %select_n3A_221 : i32
          %ne3A_223 = arith.constant 0 : i32
          %ne3A_224 = arith.cmpi ne, %rem3A_222, %ne3A_223 : i32
          %lt3A_225 = arith.constant 0 : i32
          %lt3A_226 = arith.cmpi slt, %rem3A_222, %lt3A_225 : i32
          %lt3A_227 = arith.constant 0 : i32
          %lt3A_228 = arith.cmpi slt, %select_n3A_221, %lt3A_227 : i32
          %ne3A_229 = arith.xori %lt3A_226, %lt3A_228 : i1
          %and3A_230 = arith.andi %ne3A_229, %ne3A_224 : i1
          %add3A_231 = arith.addi %rem3A_222, %select_n3A_221 : i32
          %select_n3A_232 = arith.select %and3A_230, %add3A_231, %rem3A_222 : i32
          %mul3A_233 = arith.constant 1024 : i32
          %mul3A_234 = arith.muli %select_n3A_232, %mul3A_233 : i32
          %mul3A_235 = arith.constant 8 : i32
          %mul3A_236 = arith.muli %mul3A_235, %add3A_21 : i32
          %add3A_237 = arith.addi %mul3A_236, %select_n3A_216 : i32
          %mul3A_238 = arith.constant 1000448 : i32
          %mul3A_239 = arith.muli %add3A_237, %mul3A_238 : i32
          %add3A_240 = arith.addi %mul3A_239, %mul3A_192 : i32
          %mul3A_241 = arith.constant 1024 : i32
          %mul3A_242 = arith.muli %select_n3A_232, %mul3A_241 : i32
          %add3A_243 = arith.addi %add3A_240, %mul3A_242 : i32
          %dma_wait3A_244 = arith.constant 1 : i32
          %dma_wait3A_245 = tpu.memref_slice %arg5[%dma_wait3A_244, %select_n3A_216, %mul3A_234] : memref<2x8x4096xf32, #tpu.memory_space<vmem>> -> memref<1x1x1024xf32, #tpu.memory_space<vmem>>
          %dma_wait3A_246 = tpu.memref_squeeze %dma_wait3A_245 : memref<1x1x1024xf32, #tpu.memory_space<vmem>> -> memref<1024xf32, #tpu.memory_space<vmem>>
          %dma_wait3A_247 = tpu.memref_slice %arg4[%add3A_243] : memref<32014336xf32, #tpu.memory_space<hbm>> -> memref<1024xf32, #tpu.memory_space<hbm>>
          %dma_wait3A_248 = tpu.memref_slice %arg4[%add3A_243] : memref<32014336xf32, #tpu.memory_space<hbm>> -> memref<1024xf32, #tpu.memory_space<hbm>>
          %dma_wait3A_249 = tpu.memref_slice %arg5[%dma_wait3A_244, %select_n3A_216, %mul3A_234] : memref<2x8x4096xf32, #tpu.memory_space<vmem>> -> memref<1x1x1024xf32, #tpu.memory_space<vmem>>
          %dma_wait3A_250 = tpu.memref_squeeze %dma_wait3A_249 : memref<1x1x1024xf32, #tpu.memory_space<vmem>> -> memref<1024xf32, #tpu.memory_space<vmem>>
          tpu.wait_dma2 semaphore(%arg8 : memref<!tpu.dma_semaphore, #tpu.memory_space<semaphore_mem>>) src(%dma_wait3A_250 : memref<1024xf32, #tpu.memory_space<vmem>>) dst(%dma_wait3A_248 : memref<1024xf32, #tpu.memory_space<hbm>>)
        }
        %scan3A_186 = arith.constant 32 : i32
      } else {
      }
    }
    %eq3A = arith.constant 15 : i32
    %eq3A_73 = arith.cmpi eq, %arg1, %eq3A : i32
    %convert_element_type3A = arith.extui %eq3A_73 : i1 to i32
    %cond3A = arith.constant 0 : i32
    %cond3A_74 = arith.cmpi ne, %convert_element_type3A, %cond3A : i32
    scf.if %cond3A_74 {
      %mul3A_137 = arith.constant 8 : i32
      %mul3A_138 = arith.muli %mul3A_137, %add3A_21 : i32
      %dma_start3A_139 = arith.constant 0 : i32
      %dma_start3A_140 = arith.constant 0 : i32
      %dma_start3A_141 = arith.constant 0 : i32
      %dma_start3A_142 = tpu.memref_slice %arg5[%dma_start3A_139, %dma_start3A_140, %dma_start3A_141] : memref<2x8x4096xf32, #tpu.memory_space<vmem>> -> memref<1x8x1024xf32, #tpu.memory_space<vmem>>
      %dma_start3A_143 = tpu.memref_squeeze %dma_start3A_142 : memref<1x8x1024xf32, #tpu.memory_space<vmem>> -> memref<8x1024xf32, #tpu.memory_space<vmem>>
      %dma_start3A_144 = arith.constant 0 : i32
      %dma_start3A_145 = tpu.memref_slice %arg3[%mul3A_138, %dma_start3A_144] : memref<32x1024xf32, #tpu.memory_space<hbm>> -> memref<8x1024xf32, #tpu.memory_space<hbm>>
      %dma_start3A_146 = arith.constant 0 : i32
      %dma_start3A_147 = arith.constant 0 : i32
      %dma_start3A_148 = tpu.memref_slice %arg5[%dma_start3A_139, %dma_start3A_146, %dma_start3A_147] : memref<2x8x4096xf32, #tpu.memory_space<vmem>> -> memref<1x8x1024xf32, #tpu.memory_space<vmem>>
      %dma_start3A_149 = tpu.memref_squeeze %dma_start3A_148 : memref<1x8x1024xf32, #tpu.memory_space<vmem>> -> memref<8x1024xf32, #tpu.memory_space<vmem>>
      %dma_start3A_150 = arith.constant 0 : i32
      %dma_start3A_151 = tpu.memref_slice %arg3[%mul3A_138, %dma_start3A_150] : memref<32x1024xf32, #tpu.memory_space<hbm>> -> memref<8x1024xf32, #tpu.memory_space<hbm>>
      tpu.enqueue_dma source(%dma_start3A_151 : memref<8x1024xf32, #tpu.memory_space<hbm>>) target(%dma_start3A_149 : memref<8x1024xf32, #tpu.memory_space<vmem>>) target_semaphore(%arg6 : memref<!tpu.dma_semaphore, #tpu.memory_space<semaphore_mem>>)
      %mul3A_152 = arith.constant 8 : i32
      %mul3A_153 = arith.muli %mul3A_152, %add3A_21 : i32
      %dma_wait3A = arith.constant 0 : i32
      %dma_wait3A_154 = arith.constant 0 : i32
      %dma_wait3A_155 = arith.constant 0 : i32
      %dma_wait3A_156 = tpu.memref_slice %arg5[%dma_wait3A, %dma_wait3A_154, %dma_wait3A_155] : memref<2x8x4096xf32, #tpu.memory_space<vmem>> -> memref<1x8x1024xf32, #tpu.memory_space<vmem>>
      %dma_wait3A_157 = tpu.memref_squeeze %dma_wait3A_156 : memref<1x8x1024xf32, #tpu.memory_space<vmem>> -> memref<8x1024xf32, #tpu.memory_space<vmem>>
      %dma_wait3A_158 = arith.constant 0 : i32
      %dma_wait3A_159 = tpu.memref_slice %arg3[%mul3A_153, %dma_wait3A_158] : memref<32x1024xf32, #tpu.memory_space<hbm>> -> memref<8x1024xf32, #tpu.memory_space<hbm>>
      %dma_wait3A_160 = arith.constant 0 : i32
      %dma_wait3A_161 = arith.constant 0 : i32
      %dma_wait3A_162 = tpu.memref_slice %arg5[%dma_wait3A, %dma_wait3A_160, %dma_wait3A_161] : memref<2x8x4096xf32, #tpu.memory_space<vmem>> -> memref<1x8x1024xf32, #tpu.memory_space<vmem>>
      %dma_wait3A_163 = tpu.memref_squeeze %dma_wait3A_162 : memref<1x8x1024xf32, #tpu.memory_space<vmem>> -> memref<8x1024xf32, #tpu.memory_space<vmem>>
      %dma_wait3A_164 = arith.constant 0 : i32
      %dma_wait3A_165 = tpu.memref_slice %arg3[%mul3A_153, %dma_wait3A_164] : memref<32x1024xf32, #tpu.memory_space<hbm>> -> memref<8x1024xf32, #tpu.memory_space<hbm>>
      tpu.wait_dma2 semaphore(%arg6 : memref<!tpu.dma_semaphore, #tpu.memory_space<semaphore_mem>>) src(%dma_wait3A_165 : memref<8x1024xf32, #tpu.memory_space<hbm>>) dst(%dma_wait3A_163 : memref<8x1024xf32, #tpu.memory_space<vmem>>)
      %scan3A = arith.constant 0 : i32
      %scan3A_166 = arith.constant 0 : i32
      %scan3A_167 = arith.constant 8 : i32
      %scan3A_168 = arith.addi %scan3A_166, %scan3A_167 : i32
      %scan3A_169 = arith.constant 1 : i32
      scf.for %scan3A_177 = %scan3A_166 to %scan3A_168 step %scan3A_169  : i32 {
        %mul3A_178 = arith.constant 8 : i32
        %mul3A_179 = arith.muli %mul3A_178, %add3A_21 : i32
        %add3A_180 = arith.addi %mul3A_179, %scan3A_177 : i32
        %mul3A_181 = arith.constant 1000448 : i32
        %mul3A_182 = arith.muli %add3A_180, %mul3A_181 : i32
        %add3A_183 = arith.constant 999424 : i32
        %add3A_184 = arith.addi %mul3A_182, %add3A_183 : i32
        %dma_start3A_185 = arith.constant 0 : i32
        %dma_start3A_186 = arith.constant 0 : i32
        %dma_start3A_187 = tpu.memref_slice %arg5[%dma_start3A_185, %scan3A_177, %dma_start3A_186] : memref<2x8x4096xf32, #tpu.memory_space<vmem>> -> memref<1x1x1024xf32, #tpu.memory_space<vmem>>
        %dma_start3A_188 = tpu.memref_squeeze %dma_start3A_187 : memref<1x1x1024xf32, #tpu.memory_space<vmem>> -> memref<1024xf32, #tpu.memory_space<vmem>>
        %dma_start3A_189 = tpu.memref_slice %arg4[%add3A_184] : memref<32014336xf32, #tpu.memory_space<hbm>> -> memref<1024xf32, #tpu.memory_space<hbm>>
        %dma_start3A_190 = tpu.memref_slice %arg4[%add3A_184] : memref<32014336xf32, #tpu.memory_space<hbm>> -> memref<1024xf32, #tpu.memory_space<hbm>>
        %dma_start3A_191 = arith.constant 0 : i32
        %dma_start3A_192 = tpu.memref_slice %arg5[%dma_start3A_185, %scan3A_177, %dma_start3A_191] : memref<2x8x4096xf32, #tpu.memory_space<vmem>> -> memref<1x1x1024xf32, #tpu.memory_space<vmem>>
        %dma_start3A_193 = tpu.memref_squeeze %dma_start3A_192 : memref<1x1x1024xf32, #tpu.memory_space<vmem>> -> memref<1024xf32, #tpu.memory_space<vmem>>
        tpu.enqueue_dma source(%dma_start3A_193 : memref<1024xf32, #tpu.memory_space<vmem>>) target(%dma_start3A_190 : memref<1024xf32, #tpu.memory_space<hbm>>) target_semaphore(%arg8 : memref<!tpu.dma_semaphore, #tpu.memory_space<semaphore_mem>>)
      }
      %scan3A_170 = arith.constant 8 : i32
      %scan3A_171 = arith.constant 0 : i32
      %scan3A_172 = arith.constant 0 : i32
      %scan3A_173 = arith.constant 8 : i32
      %scan3A_174 = arith.addi %scan3A_172, %scan3A_173 : i32
      %scan3A_175 = arith.constant 1 : i32
      scf.for %scan3A_177 = %scan3A_172 to %scan3A_174 step %scan3A_175  : i32 {
        %mul3A_178 = arith.constant 8 : i32
        %mul3A_179 = arith.muli %mul3A_178, %add3A_21 : i32
        %add3A_180 = arith.addi %mul3A_179, %scan3A_177 : i32
        %mul3A_181 = arith.constant 1000448 : i32
        %mul3A_182 = arith.muli %add3A_180, %mul3A_181 : i32
        %add3A_183 = arith.constant 999424 : i32
        %add3A_184 = arith.addi %mul3A_182, %add3A_183 : i32
        %dma_wait3A_185 = arith.constant 0 : i32
        %dma_wait3A_186 = arith.constant 0 : i32
        %dma_wait3A_187 = tpu.memref_slice %arg5[%dma_wait3A_185, %scan3A_177, %dma_wait3A_186] : memref<2x8x4096xf32, #tpu.memory_space<vmem>> -> memref<1x1x1024xf32, #tpu.memory_space<vmem>>
        %dma_wait3A_188 = tpu.memref_squeeze %dma_wait3A_187 : memref<1x1x1024xf32, #tpu.memory_space<vmem>> -> memref<1024xf32, #tpu.memory_space<vmem>>
        %dma_wait3A_189 = tpu.memref_slice %arg4[%add3A_184] : memref<32014336xf32, #tpu.memory_space<hbm>> -> memref<1024xf32, #tpu.memory_space<hbm>>
        %dma_wait3A_190 = tpu.memref_slice %arg4[%add3A_184] : memref<32014336xf32, #tpu.memory_space<hbm>> -> memref<1024xf32, #tpu.memory_space<hbm>>
        %dma_wait3A_191 = arith.constant 0 : i32
        %dma_wait3A_192 = tpu.memref_slice %arg5[%dma_wait3A_185, %scan3A_177, %dma_wait3A_191] : memref<2x8x4096xf32, #tpu.memory_space<vmem>> -> memref<1x1x1024xf32, #tpu.memory_space<vmem>>
        %dma_wait3A_193 = tpu.memref_squeeze %dma_wait3A_192 : memref<1x1x1024xf32, #tpu.memory_space<vmem>> -> memref<1024xf32, #tpu.memory_space<vmem>>
        tpu.wait_dma2 semaphore(%arg8 : memref<!tpu.dma_semaphore, #tpu.memory_space<semaphore_mem>>) src(%dma_wait3A_193 : memref<1024xf32, #tpu.memory_space<vmem>>) dst(%dma_wait3A_190 : memref<1024xf32, #tpu.memory_space<hbm>>)
      }
      %scan3A_176 = arith.constant 8 : i32
    } else {
    }
    %mul3A_75 = arith.constant 2 : i32
    %mul3A_76 = arith.muli %arg0, %mul3A_75 : i32
    %add3A_77 = arith.constant 1 : i32
    %add3A_78 = arith.addi %mul3A_76, %add3A_77 : i32
    %add3A_79 = arith.constant 0 : i32
    %add3A_80 = arith.addi %add3A_79, %arg1 : i32
    %mul3A_81 = arith.constant 4096 : i32
    %mul3A_82 = arith.muli %add3A_80, %mul3A_81 : i32
    %mul3A_83 = arith.constant 8 : i32
    %mul3A_84 = arith.muli %mul3A_83, %add3A_78 : i32
    %dma_start3A_85 = arith.constant 0 : i32
    %dma_start3A_86 = arith.constant 0 : i32
    %dma_start3A_87 = arith.constant 0 : i32
    %dma_start3A_88 = tpu.memref_slice %arg5[%dma_start3A_85, %dma_start3A_86, %dma_start3A_87] : memref<2x8x4096xf32, #tpu.memory_space<vmem>> -> memref<1x8x4096xf32, #tpu.memory_space<vmem>>
    %dma_start3A_89 = tpu.memref_squeeze %dma_start3A_88 : memref<1x8x4096xf32, #tpu.memory_space<vmem>> -> memref<8x4096xf32, #tpu.memory_space<vmem>>
    %dma_start3A_90 = tpu.memref_slice %arg2[%mul3A_84, %mul3A_82] : memref<32x1000000xf32, #tpu.memory_space<hbm>> -> memref<8x4096xf32, #tpu.memory_space<hbm>>
    %dma_start3A_91 = arith.constant 0 : i32
    %dma_start3A_92 = arith.constant 0 : i32
    %dma_start3A_93 = tpu.memref_slice %arg5[%dma_start3A_85, %dma_start3A_91, %dma_start3A_92] : memref<2x8x4096xf32, #tpu.memory_space<vmem>> -> memref<1x8x4096xf32, #tpu.memory_space<vmem>>
    %dma_start3A_94 = tpu.memref_squeeze %dma_start3A_93 : memref<1x8x4096xf32, #tpu.memory_space<vmem>> -> memref<8x4096xf32, #tpu.memory_space<vmem>>
    %dma_start3A_95 = tpu.memref_slice %arg2[%mul3A_84, %mul3A_82] : memref<32x1000000xf32, #tpu.memory_space<hbm>> -> memref<8x4096xf32, #tpu.memory_space<hbm>>
    tpu.enqueue_dma source(%dma_start3A_95 : memref<8x4096xf32, #tpu.memory_space<hbm>>) target(%dma_start3A_94 : memref<8x4096xf32, #tpu.memory_space<vmem>>) target_semaphore(%arg6 : memref<!tpu.dma_semaphore, #tpu.memory_space<semaphore_mem>>)
    %add3A_96 = arith.constant 1 : i32
    %add3A_97 = arith.addi %add3A_18, %add3A_96 : i32
    %jit3A_98 = arith.constant 2 : i32
    %div3A_99 = arith.divsi %add3A_97, %jit3A_98 : i32
    %sign3A_100 = arith.constant 0 : i32
    %sign3A_101 = arith.cmpi sgt, %add3A_97, %sign3A_100 : i32
    %sign3A_102 = arith.extui %sign3A_101 : i1 to i32
    %sign3A_103 = arith.constant 0 : i32
    %sign3A_104 = arith.cmpi slt, %add3A_97, %sign3A_103 : i32
    %sign3A_105 = arith.extui %sign3A_104 : i1 to i32
    %sign3A_106 = arith.subi %sign3A_102, %sign3A_105 : i32
    %sign3A_107 = arith.constant 0 : i32
    %sign3A_108 = arith.cmpi sgt, %jit3A_98, %sign3A_107 : i32
    %sign3A_109 = arith.extui %sign3A_108 : i1 to i32
    %sign3A_110 = arith.constant 0 : i32
    %sign3A_111 = arith.cmpi slt, %jit3A_98, %sign3A_110 : i32
    %sign3A_112 = arith.extui %sign3A_111 : i1 to i32
    %sign3A_113 = arith.subi %sign3A_109, %sign3A_112 : i32
    %ne3A_114 = arith.cmpi ne, %sign3A_106, %sign3A_113 : i32
    %rem3A_115 = arith.remsi %add3A_97, %jit3A_98 : i32
    %ne3A_116 = arith.constant 0 : i32
    %ne3A_117 = arith.cmpi ne, %rem3A_115, %ne3A_116 : i32
    %and3A_118 = arith.andi %ne3A_114, %ne3A_117 : i1
    %sub3A_119 = arith.constant 1 : i32
    %sub3A_120 = arith.subi %div3A_99, %sub3A_119 : i32
    %select_n3A_121 = arith.select %and3A_118, %sub3A_120, %div3A_99 : i32
    %while3A_122 = arith.constant 0 : i32
    %while3A_123 = arith.constant 0 : i32
    %while3A_124 = arith.subi %select_n3A_121, %while3A_123 : i32
    %while3A_125 = arith.addi %while3A_123, %while3A_124 : i32
    %while3A_126 = arith.constant 1 : i32
    %while3A_127 = arith.divsi %while3A_124, %while3A_126 : i32
    %while3A_128 = arith.muli %while3A_127, %while3A_126 : i32
    %while3A_129 = arith.addi %while3A_123, %while3A_128 : i32
    %while3A_130 = arith.constant 1 : i32
    scf.for %while3A_137 = %while3A_123 to %while3A_129 step %while3A_130  : i32 {
      %mul3A_138 = arith.constant 2 : i32
      %mul3A_139 = arith.muli %while3A_137, %mul3A_138 : i32
      %add3A_140 = arith.constant 0 : i32
      %add3A_141 = arith.addi %mul3A_139, %add3A_140 : i32
      %lt3A = arith.cmpi slt, %add3A_141, %add3A_18 : i32
      %convert_element_type3A_142 = arith.extui %lt3A : i1 to i32
      %cond3A_143 = arith.constant 0 : i32
      %cond3A_144 = arith.cmpi ne, %convert_element_type3A_142, %cond3A_143 : i32
      scf.if %cond3A_144 {
        %mul3A_153 = arith.constant 16 : i32
        %mul3A_154 = arith.muli %add3A_141, %mul3A_153 : i32
        %add3A_155 = arith.addi %mul3A_154, %arg1 : i32
        %mul3A_156 = arith.constant 4096 : i32
        %mul3A_157 = arith.muli %add3A_155, %mul3A_156 : i32
        %mul3A_158 = arith.constant 8 : i32
        %mul3A_159 = arith.muli %mul3A_158, %add3A_78 : i32
        %dma_wait3A = arith.constant 0 : i32
        %dma_wait3A_160 = arith.constant 0 : i32
        %dma_wait3A_161 = arith.constant 0 : i32
        %dma_wait3A_162 = tpu.memref_slice %arg5[%dma_wait3A, %dma_wait3A_160, %dma_wait3A_161] : memref<2x8x4096xf32, #tpu.memory_space<vmem>> -> memref<1x8x4096xf32, #tpu.memory_space<vmem>>
        %dma_wait3A_163 = tpu.memref_squeeze %dma_wait3A_162 : memref<1x8x4096xf32, #tpu.memory_space<vmem>> -> memref<8x4096xf32, #tpu.memory_space<vmem>>
        %dma_wait3A_164 = tpu.memref_slice %arg2[%mul3A_159, %mul3A_157] : memref<32x1000000xf32, #tpu.memory_space<hbm>> -> memref<8x4096xf32, #tpu.memory_space<hbm>>
        %dma_wait3A_165 = arith.constant 0 : i32
        %dma_wait3A_166 = arith.constant 0 : i32
        %dma_wait3A_167 = tpu.memref_slice %arg5[%dma_wait3A, %dma_wait3A_165, %dma_wait3A_166] : memref<2x8x4096xf32, #tpu.memory_space<vmem>> -> memref<1x8x4096xf32, #tpu.memory_space<vmem>>
        %dma_wait3A_168 = tpu.memref_squeeze %dma_wait3A_167 : memref<1x8x4096xf32, #tpu.memory_space<vmem>> -> memref<8x4096xf32, #tpu.memory_space<vmem>>
        %dma_wait3A_169 = tpu.memref_slice %arg2[%mul3A_159, %mul3A_157] : memref<32x1000000xf32, #tpu.memory_space<hbm>> -> memref<8x4096xf32, #tpu.memory_space<hbm>>
        tpu.wait_dma2 semaphore(%arg6 : memref<!tpu.dma_semaphore, #tpu.memory_space<semaphore_mem>>) src(%dma_wait3A_169 : memref<8x4096xf32, #tpu.memory_space<hbm>>) dst(%dma_wait3A_168 : memref<8x4096xf32, #tpu.memory_space<vmem>>)
        %add3A_170 = arith.constant 1 : i32
        %add3A_171 = arith.addi %add3A_141, %add3A_170 : i32
        %lt3A_172 = arith.cmpi slt, %add3A_171, %add3A_18 : i32
        %convert_element_type3A_173 = arith.extui %lt3A_172 : i1 to i32
        %cond3A_174 = arith.constant 0 : i32
        %cond3A_175 = arith.cmpi ne, %convert_element_type3A_173, %cond3A_174 : i32
        scf.if %cond3A_175 {
          %add3A_187 = arith.constant 1 : i32
          %add3A_188 = arith.addi %add3A_141, %add3A_187 : i32
          %mul3A_189 = arith.constant 16 : i32
          %mul3A_190 = arith.muli %add3A_188, %mul3A_189 : i32
          %add3A_191 = arith.addi %mul3A_190, %arg1 : i32
          %mul3A_192 = arith.constant 4096 : i32
          %mul3A_193 = arith.muli %add3A_191, %mul3A_192 : i32
          %mul3A_194 = arith.constant 8 : i32
          %mul3A_195 = arith.muli %mul3A_194, %add3A_78 : i32
          %dma_start3A_196 = arith.constant 1 : i32
          %dma_start3A_197 = arith.constant 0 : i32
          %dma_start3A_198 = arith.constant 0 : i32
          %dma_start3A_199 = tpu.memref_slice %arg5[%dma_start3A_196, %dma_start3A_197, %dma_start3A_198] : memref<2x8x4096xf32, #tpu.memory_space<vmem>> -> memref<1x8x4096xf32, #tpu.memory_space<vmem>>
          %dma_start3A_200 = tpu.memref_squeeze %dma_start3A_199 : memref<1x8x4096xf32, #tpu.memory_space<vmem>> -> memref<8x4096xf32, #tpu.memory_space<vmem>>
          %dma_start3A_201 = tpu.memref_slice %arg2[%mul3A_195, %mul3A_193] : memref<32x1000000xf32, #tpu.memory_space<hbm>> -> memref<8x4096xf32, #tpu.memory_space<hbm>>
          %dma_start3A_202 = arith.constant 0 : i32
          %dma_start3A_203 = arith.constant 0 : i32
          %dma_start3A_204 = tpu.memref_slice %arg5[%dma_start3A_196, %dma_start3A_202, %dma_start3A_203] : memref<2x8x4096xf32, #tpu.memory_space<vmem>> -> memref<1x8x4096xf32, #tpu.memory_space<vmem>>
          %dma_start3A_205 = tpu.memref_squeeze %dma_start3A_204 : memref<1x8x4096xf32, #tpu.memory_space<vmem>> -> memref<8x4096xf32, #tpu.memory_space<vmem>>
          %dma_start3A_206 = tpu.memref_slice %arg2[%mul3A_195, %mul3A_193] : memref<32x1000000xf32, #tpu.memory_space<hbm>> -> memref<8x4096xf32, #tpu.memory_space<hbm>>
          tpu.enqueue_dma source(%dma_start3A_206 : memref<8x4096xf32, #tpu.memory_space<hbm>>) target(%dma_start3A_205 : memref<8x4096xf32, #tpu.memory_space<vmem>>) target_semaphore(%arg7 : memref<!tpu.dma_semaphore, #tpu.memory_space<semaphore_mem>>)
        } else {
        }
        %scan3A = arith.constant 0 : i32
        %scan3A_176 = arith.constant 0 : i32
        %scan3A_177 = arith.constant 32 : i32
        %scan3A_178 = arith.addi %scan3A_176, %scan3A_177 : i32
        %scan3A_179 = arith.constant 1 : i32
        scf.for %scan3A_187 = %scan3A_176 to %scan3A_178 step %scan3A_179  : i32 {
          %mul3A_188 = arith.constant 16 : i32
          %mul3A_189 = arith.muli %add3A_141, %mul3A_188 : i32
          %add3A_190 = arith.addi %mul3A_189, %arg1 : i32
          %mul3A_191 = arith.constant 4096 : i32
          %mul3A_192 = arith.muli %add3A_190, %mul3A_191 : i32
          %jit3A_193 = arith.constant 4 : i32
          %div3A_194 = arith.divsi %scan3A_187, %jit3A_193 : i32
          %sign3A_195 = arith.constant 0 : i32
          %sign3A_196 = arith.cmpi sgt, %scan3A_187, %sign3A_195 : i32
          %sign3A_197 = arith.extui %sign3A_196 : i1 to i32
          %sign3A_198 = arith.constant 0 : i32
          %sign3A_199 = arith.cmpi slt, %scan3A_187, %sign3A_198 : i32
          %sign3A_200 = arith.extui %sign3A_199 : i1 to i32
          %sign3A_201 = arith.subi %sign3A_197, %sign3A_200 : i32
          %sign3A_202 = arith.constant 0 : i32
          %sign3A_203 = arith.cmpi sgt, %jit3A_193, %sign3A_202 : i32
          %sign3A_204 = arith.extui %sign3A_203 : i1 to i32
          %sign3A_205 = arith.constant 0 : i32
          %sign3A_206 = arith.cmpi slt, %jit3A_193, %sign3A_205 : i32
          %sign3A_207 = arith.extui %sign3A_206 : i1 to i32
          %sign3A_208 = arith.subi %sign3A_204, %sign3A_207 : i32
          %ne3A_209 = arith.cmpi ne, %sign3A_201, %sign3A_208 : i32
          %rem3A_210 = arith.remsi %scan3A_187, %jit3A_193 : i32
          %ne3A_211 = arith.constant 0 : i32
          %ne3A_212 = arith.cmpi ne, %rem3A_210, %ne3A_211 : i32
          %and3A_213 = arith.andi %ne3A_209, %ne3A_212 : i1
          %sub3A_214 = arith.constant 1 : i32
          %sub3A_215 = arith.subi %div3A_194, %sub3A_214 : i32
          %select_n3A_216 = arith.select %and3A_213, %sub3A_215, %div3A_194 : i32
          %jit3A_217 = arith.constant 4 : i32
          %eq3A_218 = arith.constant 0 : i32
          %eq3A_219 = arith.cmpi eq, %jit3A_217, %eq3A_218 : i32
          %jit3A_220 = arith.constant 1 : i32
          %select_n3A_221 = arith.select %eq3A_219, %jit3A_220, %jit3A_217 : i32
          %rem3A_222 = arith.remsi %scan3A_187, %select_n3A_221 : i32
          %ne3A_223 = arith.constant 0 : i32
          %ne3A_224 = arith.cmpi ne, %rem3A_222, %ne3A_223 : i32
          %lt3A_225 = arith.constant 0 : i32
          %lt3A_226 = arith.cmpi slt, %rem3A_222, %lt3A_225 : i32
          %lt3A_227 = arith.constant 0 : i32
          %lt3A_228 = arith.cmpi slt, %select_n3A_221, %lt3A_227 : i32
          %ne3A_229 = arith.xori %lt3A_226, %lt3A_228 : i1
          %and3A_230 = arith.andi %ne3A_229, %ne3A_224 : i1
          %add3A_231 = arith.addi %rem3A_222, %select_n3A_221 : i32
          %select_n3A_232 = arith.select %and3A_230, %add3A_231, %rem3A_222 : i32
          %mul3A_233 = arith.constant 1024 : i32
          %mul3A_234 = arith.muli %select_n3A_232, %mul3A_233 : i32
          %mul3A_235 = arith.constant 8 : i32
          %mul3A_236 = arith.muli %mul3A_235, %add3A_78 : i32
          %add3A_237 = arith.addi %mul3A_236, %select_n3A_216 : i32
          %mul3A_238 = arith.constant 1000448 : i32
          %mul3A_239 = arith.muli %add3A_237, %mul3A_238 : i32
          %add3A_240 = arith.addi %mul3A_239, %mul3A_192 : i32
          %mul3A_241 = arith.constant 1024 : i32
          %mul3A_242 = arith.muli %select_n3A_232, %mul3A_241 : i32
          %add3A_243 = arith.addi %add3A_240, %mul3A_242 : i32
          %dma_start3A_244 = arith.constant 0 : i32
          %dma_start3A_245 = tpu.memref_slice %arg5[%dma_start3A_244, %select_n3A_216, %mul3A_234] : memref<2x8x4096xf32, #tpu.memory_space<vmem>> -> memref<1x1x1024xf32, #tpu.memory_space<vmem>>
          %dma_start3A_246 = tpu.memref_squeeze %dma_start3A_245 : memref<1x1x1024xf32, #tpu.memory_space<vmem>> -> memref<1024xf32, #tpu.memory_space<vmem>>
          %dma_start3A_247 = tpu.memref_slice %arg4[%add3A_243] : memref<32014336xf32, #tpu.memory_space<hbm>> -> memref<1024xf32, #tpu.memory_space<hbm>>
          %dma_start3A_248 = tpu.memref_slice %arg4[%add3A_243] : memref<32014336xf32, #tpu.memory_space<hbm>> -> memref<1024xf32, #tpu.memory_space<hbm>>
          %dma_start3A_249 = tpu.memref_slice %arg5[%dma_start3A_244, %select_n3A_216, %mul3A_234] : memref<2x8x4096xf32, #tpu.memory_space<vmem>> -> memref<1x1x1024xf32, #tpu.memory_space<vmem>>
          %dma_start3A_250 = tpu.memref_squeeze %dma_start3A_249 : memref<1x1x1024xf32, #tpu.memory_space<vmem>> -> memref<1024xf32, #tpu.memory_space<vmem>>
          tpu.enqueue_dma source(%dma_start3A_250 : memref<1024xf32, #tpu.memory_space<vmem>>) target(%dma_start3A_248 : memref<1024xf32, #tpu.memory_space<hbm>>) target_semaphore(%arg8 : memref<!tpu.dma_semaphore, #tpu.memory_space<semaphore_mem>>)
        }
        %scan3A_180 = arith.constant 32 : i32
        %scan3A_181 = arith.constant 0 : i32
        %scan3A_182 = arith.constant 0 : i32
        %scan3A_183 = arith.constant 32 : i32
        %scan3A_184 = arith.addi %scan3A_182, %scan3A_183 : i32
        %scan3A_185 = arith.constant 1 : i32
        scf.for %scan3A_187 = %scan3A_182 to %scan3A_184 step %scan3A_185  : i32 {
          %mul3A_188 = arith.constant 16 : i32
          %mul3A_189 = arith.muli %add3A_141, %mul3A_188 : i32
          %add3A_190 = arith.addi %mul3A_189, %arg1 : i32
          %mul3A_191 = arith.constant 4096 : i32
          %mul3A_192 = arith.muli %add3A_190, %mul3A_191 : i32
          %jit3A_193 = arith.constant 4 : i32
          %div3A_194 = arith.divsi %scan3A_187, %jit3A_193 : i32
          %sign3A_195 = arith.constant 0 : i32
          %sign3A_196 = arith.cmpi sgt, %scan3A_187, %sign3A_195 : i32
          %sign3A_197 = arith.extui %sign3A_196 : i1 to i32
          %sign3A_198 = arith.constant 0 : i32
          %sign3A_199 = arith.cmpi slt, %scan3A_187, %sign3A_198 : i32
          %sign3A_200 = arith.extui %sign3A_199 : i1 to i32
          %sign3A_201 = arith.subi %sign3A_197, %sign3A_200 : i32
          %sign3A_202 = arith.constant 0 : i32
          %sign3A_203 = arith.cmpi sgt, %jit3A_193, %sign3A_202 : i32
          %sign3A_204 = arith.extui %sign3A_203 : i1 to i32
          %sign3A_205 = arith.constant 0 : i32
          %sign3A_206 = arith.cmpi slt, %jit3A_193, %sign3A_205 : i32
          %sign3A_207 = arith.extui %sign3A_206 : i1 to i32
          %sign3A_208 = arith.subi %sign3A_204, %sign3A_207 : i32
          %ne3A_209 = arith.cmpi ne, %sign3A_201, %sign3A_208 : i32
          %rem3A_210 = arith.remsi %scan3A_187, %jit3A_193 : i32
          %ne3A_211 = arith.constant 0 : i32
          %ne3A_212 = arith.cmpi ne, %rem3A_210, %ne3A_211 : i32
          %and3A_213 = arith.andi %ne3A_209, %ne3A_212 : i1
          %sub3A_214 = arith.constant 1 : i32
          %sub3A_215 = arith.subi %div3A_194, %sub3A_214 : i32
          %select_n3A_216 = arith.select %and3A_213, %sub3A_215, %div3A_194 : i32
          %jit3A_217 = arith.constant 4 : i32
          %eq3A_218 = arith.constant 0 : i32
          %eq3A_219 = arith.cmpi eq, %jit3A_217, %eq3A_218 : i32
          %jit3A_220 = arith.constant 1 : i32
          %select_n3A_221 = arith.select %eq3A_219, %jit3A_220, %jit3A_217 : i32
          %rem3A_222 = arith.remsi %scan3A_187, %select_n3A_221 : i32
          %ne3A_223 = arith.constant 0 : i32
          %ne3A_224 = arith.cmpi ne, %rem3A_222, %ne3A_223 : i32
          %lt3A_225 = arith.constant 0 : i32
          %lt3A_226 = arith.cmpi slt, %rem3A_222, %lt3A_225 : i32
          %lt3A_227 = arith.constant 0 : i32
          %lt3A_228 = arith.cmpi slt, %select_n3A_221, %lt3A_227 : i32
          %ne3A_229 = arith.xori %lt3A_226, %lt3A_228 : i1
          %and3A_230 = arith.andi %ne3A_229, %ne3A_224 : i1
          %add3A_231 = arith.addi %rem3A_222, %select_n3A_221 : i32
          %select_n3A_232 = arith.select %and3A_230, %add3A_231, %rem3A_222 : i32
          %mul3A_233 = arith.constant 1024 : i32
          %mul3A_234 = arith.muli %select_n3A_232, %mul3A_233 : i32
          %mul3A_235 = arith.constant 8 : i32
          %mul3A_236 = arith.muli %mul3A_235, %add3A_78 : i32
          %add3A_237 = arith.addi %mul3A_236, %select_n3A_216 : i32
          %mul3A_238 = arith.constant 1000448 : i32
          %mul3A_239 = arith.muli %add3A_237, %mul3A_238 : i32
          %add3A_240 = arith.addi %mul3A_239, %mul3A_192 : i32
          %mul3A_241 = arith.constant 1024 : i32
          %mul3A_242 = arith.muli %select_n3A_232, %mul3A_241 : i32
          %add3A_243 = arith.addi %add3A_240, %mul3A_242 : i32
          %dma_wait3A_244 = arith.constant 0 : i32
          %dma_wait3A_245 = tpu.memref_slice %arg5[%dma_wait3A_244, %select_n3A_216, %mul3A_234] : memref<2x8x4096xf32, #tpu.memory_space<vmem>> -> memref<1x1x1024xf32, #tpu.memory_space<vmem>>
          %dma_wait3A_246 = tpu.memref_squeeze %dma_wait3A_245 : memref<1x1x1024xf32, #tpu.memory_space<vmem>> -> memref<1024xf32, #tpu.memory_space<vmem>>
          %dma_wait3A_247 = tpu.memref_slice %arg4[%add3A_243] : memref<32014336xf32, #tpu.memory_space<hbm>> -> memref<1024xf32, #tpu.memory_space<hbm>>
          %dma_wait3A_248 = tpu.memref_slice %arg4[%add3A_243] : memref<32014336xf32, #tpu.memory_space<hbm>> -> memref<1024xf32, #tpu.memory_space<hbm>>
          %dma_wait3A_249 = tpu.memref_slice %arg5[%dma_wait3A_244, %select_n3A_216, %mul3A_234] : memref<2x8x4096xf32, #tpu.memory_space<vmem>> -> memref<1x1x1024xf32, #tpu.memory_space<vmem>>
          %dma_wait3A_250 = tpu.memref_squeeze %dma_wait3A_249 : memref<1x1x1024xf32, #tpu.memory_space<vmem>> -> memref<1024xf32, #tpu.memory_space<vmem>>
          tpu.wait_dma2 semaphore(%arg8 : memref<!tpu.dma_semaphore, #tpu.memory_space<semaphore_mem>>) src(%dma_wait3A_250 : memref<1024xf32, #tpu.memory_space<vmem>>) dst(%dma_wait3A_248 : memref<1024xf32, #tpu.memory_space<hbm>>)
        }
        %scan3A_186 = arith.constant 32 : i32
      } else {
      }
      %mul3A_145 = arith.constant 2 : i32
      %mul3A_146 = arith.muli %while3A_137, %mul3A_145 : i32
      %add3A_147 = arith.constant 1 : i32
      %add3A_148 = arith.addi %mul3A_146, %add3A_147 : i32
      %lt3A_149 = arith.cmpi slt, %add3A_148, %add3A_18 : i32
      %convert_element_type3A_150 = arith.extui %lt3A_149 : i1 to i32
      %cond3A_151 = arith.constant 0 : i32
      %cond3A_152 = arith.cmpi ne, %convert_element_type3A_150, %cond3A_151 : i32
      scf.if %cond3A_152 {
        %mul3A_153 = arith.constant 16 : i32
        %mul3A_154 = arith.muli %add3A_148, %mul3A_153 : i32
        %add3A_155 = arith.addi %mul3A_154, %arg1 : i32
        %mul3A_156 = arith.constant 4096 : i32
        %mul3A_157 = arith.muli %add3A_155, %mul3A_156 : i32
        %mul3A_158 = arith.constant 8 : i32
        %mul3A_159 = arith.muli %mul3A_158, %add3A_78 : i32
        %dma_wait3A = arith.constant 1 : i32
        %dma_wait3A_160 = arith.constant 0 : i32
        %dma_wait3A_161 = arith.constant 0 : i32
        %dma_wait3A_162 = tpu.memref_slice %arg5[%dma_wait3A, %dma_wait3A_160, %dma_wait3A_161] : memref<2x8x4096xf32, #tpu.memory_space<vmem>> -> memref<1x8x4096xf32, #tpu.memory_space<vmem>>
        %dma_wait3A_163 = tpu.memref_squeeze %dma_wait3A_162 : memref<1x8x4096xf32, #tpu.memory_space<vmem>> -> memref<8x4096xf32, #tpu.memory_space<vmem>>
        %dma_wait3A_164 = tpu.memref_slice %arg2[%mul3A_159, %mul3A_157] : memref<32x1000000xf32, #tpu.memory_space<hbm>> -> memref<8x4096xf32, #tpu.memory_space<hbm>>
        %dma_wait3A_165 = arith.constant 0 : i32
        %dma_wait3A_166 = arith.constant 0 : i32
        %dma_wait3A_167 = tpu.memref_slice %arg5[%dma_wait3A, %dma_wait3A_165, %dma_wait3A_166] : memref<2x8x4096xf32, #tpu.memory_space<vmem>> -> memref<1x8x4096xf32, #tpu.memory_space<vmem>>
        %dma_wait3A_168 = tpu.memref_squeeze %dma_wait3A_167 : memref<1x8x4096xf32, #tpu.memory_space<vmem>> -> memref<8x4096xf32, #tpu.memory_space<vmem>>
        %dma_wait3A_169 = tpu.memref_slice %arg2[%mul3A_159, %mul3A_157] : memref<32x1000000xf32, #tpu.memory_space<hbm>> -> memref<8x4096xf32, #tpu.memory_space<hbm>>
        tpu.wait_dma2 semaphore(%arg7 : memref<!tpu.dma_semaphore, #tpu.memory_space<semaphore_mem>>) src(%dma_wait3A_169 : memref<8x4096xf32, #tpu.memory_space<hbm>>) dst(%dma_wait3A_168 : memref<8x4096xf32, #tpu.memory_space<vmem>>)
        %add3A_170 = arith.constant 1 : i32
        %add3A_171 = arith.addi %add3A_148, %add3A_170 : i32
        %lt3A_172 = arith.cmpi slt, %add3A_171, %add3A_18 : i32
        %convert_element_type3A_173 = arith.extui %lt3A_172 : i1 to i32
        %cond3A_174 = arith.constant 0 : i32
        %cond3A_175 = arith.cmpi ne, %convert_element_type3A_173, %cond3A_174 : i32
        scf.if %cond3A_175 {
          %add3A_187 = arith.constant 1 : i32
          %add3A_188 = arith.addi %add3A_148, %add3A_187 : i32
          %mul3A_189 = arith.constant 16 : i32
          %mul3A_190 = arith.muli %add3A_188, %mul3A_189 : i32
          %add3A_191 = arith.addi %mul3A_190, %arg1 : i32
          %mul3A_192 = arith.constant 4096 : i32
          %mul3A_193 = arith.muli %add3A_191, %mul3A_192 : i32
          %mul3A_194 = arith.constant 8 : i32
          %mul3A_195 = arith.muli %mul3A_194, %add3A_78 : i32
          %dma_start3A_196 = arith.constant 0 : i32
          %dma_start3A_197 = arith.constant 0 : i32
          %dma_start3A_198 = arith.constant 0 : i32
          %dma_start3A_199 = tpu.memref_slice %arg5[%dma_start3A_196, %dma_start3A_197, %dma_start3A_198] : memref<2x8x4096xf32, #tpu.memory_space<vmem>> -> memref<1x8x4096xf32, #tpu.memory_space<vmem>>
          %dma_start3A_200 = tpu.memref_squeeze %dma_start3A_199 : memref<1x8x4096xf32, #tpu.memory_space<vmem>> -> memref<8x4096xf32, #tpu.memory_space<vmem>>
          %dma_start3A_201 = tpu.memref_slice %arg2[%mul3A_195, %mul3A_193] : memref<32x1000000xf32, #tpu.memory_space<hbm>> -> memref<8x4096xf32, #tpu.memory_space<hbm>>
          %dma_start3A_202 = arith.constant 0 : i32
          %dma_start3A_203 = arith.constant 0 : i32
          %dma_start3A_204 = tpu.memref_slice %arg5[%dma_start3A_196, %dma_start3A_202, %dma_start3A_203] : memref<2x8x4096xf32, #tpu.memory_space<vmem>> -> memref<1x8x4096xf32, #tpu.memory_space<vmem>>
          %dma_start3A_205 = tpu.memref_squeeze %dma_start3A_204 : memref<1x8x4096xf32, #tpu.memory_space<vmem>> -> memref<8x4096xf32, #tpu.memory_space<vmem>>
          %dma_start3A_206 = tpu.memref_slice %arg2[%mul3A_195, %mul3A_193] : memref<32x1000000xf32, #tpu.memory_space<hbm>> -> memref<8x4096xf32, #tpu.memory_space<hbm>>
          tpu.enqueue_dma source(%dma_start3A_206 : memref<8x4096xf32, #tpu.memory_space<hbm>>) target(%dma_start3A_205 : memref<8x4096xf32, #tpu.memory_space<vmem>>) target_semaphore(%arg6 : memref<!tpu.dma_semaphore, #tpu.memory_space<semaphore_mem>>)
        } else {
        }
        %scan3A = arith.constant 0 : i32
        %scan3A_176 = arith.constant 0 : i32
        %scan3A_177 = arith.constant 32 : i32
        %scan3A_178 = arith.addi %scan3A_176, %scan3A_177 : i32
        %scan3A_179 = arith.constant 1 : i32
        scf.for %scan3A_187 = %scan3A_176 to %scan3A_178 step %scan3A_179  : i32 {
          %mul3A_188 = arith.constant 16 : i32
          %mul3A_189 = arith.muli %add3A_148, %mul3A_188 : i32
          %add3A_190 = arith.addi %mul3A_189, %arg1 : i32
          %mul3A_191 = arith.constant 4096 : i32
          %mul3A_192 = arith.muli %add3A_190, %mul3A_191 : i32
          %jit3A_193 = arith.constant 4 : i32
          %div3A_194 = arith.divsi %scan3A_187, %jit3A_193 : i32
          %sign3A_195 = arith.constant 0 : i32
          %sign3A_196 = arith.cmpi sgt, %scan3A_187, %sign3A_195 : i32
          %sign3A_197 = arith.extui %sign3A_196 : i1 to i32
          %sign3A_198 = arith.constant 0 : i32
          %sign3A_199 = arith.cmpi slt, %scan3A_187, %sign3A_198 : i32
          %sign3A_200 = arith.extui %sign3A_199 : i1 to i32
          %sign3A_201 = arith.subi %sign3A_197, %sign3A_200 : i32
          %sign3A_202 = arith.constant 0 : i32
          %sign3A_203 = arith.cmpi sgt, %jit3A_193, %sign3A_202 : i32
          %sign3A_204 = arith.extui %sign3A_203 : i1 to i32
          %sign3A_205 = arith.constant 0 : i32
          %sign3A_206 = arith.cmpi slt, %jit3A_193, %sign3A_205 : i32
          %sign3A_207 = arith.extui %sign3A_206 : i1 to i32
          %sign3A_208 = arith.subi %sign3A_204, %sign3A_207 : i32
          %ne3A_209 = arith.cmpi ne, %sign3A_201, %sign3A_208 : i32
          %rem3A_210 = arith.remsi %scan3A_187, %jit3A_193 : i32
          %ne3A_211 = arith.constant 0 : i32
          %ne3A_212 = arith.cmpi ne, %rem3A_210, %ne3A_211 : i32
          %and3A_213 = arith.andi %ne3A_209, %ne3A_212 : i1
          %sub3A_214 = arith.constant 1 : i32
          %sub3A_215 = arith.subi %div3A_194, %sub3A_214 : i32
          %select_n3A_216 = arith.select %and3A_213, %sub3A_215, %div3A_194 : i32
          %jit3A_217 = arith.constant 4 : i32
          %eq3A_218 = arith.constant 0 : i32
          %eq3A_219 = arith.cmpi eq, %jit3A_217, %eq3A_218 : i32
          %jit3A_220 = arith.constant 1 : i32
          %select_n3A_221 = arith.select %eq3A_219, %jit3A_220, %jit3A_217 : i32
          %rem3A_222 = arith.remsi %scan3A_187, %select_n3A_221 : i32
          %ne3A_223 = arith.constant 0 : i32
          %ne3A_224 = arith.cmpi ne, %rem3A_222, %ne3A_223 : i32
          %lt3A_225 = arith.constant 0 : i32
          %lt3A_226 = arith.cmpi slt, %rem3A_222, %lt3A_225 : i32
          %lt3A_227 = arith.constant 0 : i32
          %lt3A_228 = arith.cmpi slt, %select_n3A_221, %lt3A_227 : i32
          %ne3A_229 = arith.xori %lt3A_226, %lt3A_228 : i1
          %and3A_230 = arith.andi %ne3A_229, %ne3A_224 : i1
          %add3A_231 = arith.addi %rem3A_222, %select_n3A_221 : i32
          %select_n3A_232 = arith.select %and3A_230, %add3A_231, %rem3A_222 : i32
          %mul3A_233 = arith.constant 1024 : i32
          %mul3A_234 = arith.muli %select_n3A_232, %mul3A_233 : i32
          %mul3A_235 = arith.constant 8 : i32
          %mul3A_236 = arith.muli %mul3A_235, %add3A_78 : i32
          %add3A_237 = arith.addi %mul3A_236, %select_n3A_216 : i32
          %mul3A_238 = arith.constant 1000448 : i32
          %mul3A_239 = arith.muli %add3A_237, %mul3A_238 : i32
          %add3A_240 = arith.addi %mul3A_239, %mul3A_192 : i32
          %mul3A_241 = arith.constant 1024 : i32
          %mul3A_242 = arith.muli %select_n3A_232, %mul3A_241 : i32
          %add3A_243 = arith.addi %add3A_240, %mul3A_242 : i32
          %dma_start3A_244 = arith.constant 1 : i32
          %dma_start3A_245 = tpu.memref_slice %arg5[%dma_start3A_244, %select_n3A_216, %mul3A_234] : memref<2x8x4096xf32, #tpu.memory_space<vmem>> -> memref<1x1x1024xf32, #tpu.memory_space<vmem>>
          %dma_start3A_246 = tpu.memref_squeeze %dma_start3A_245 : memref<1x1x1024xf32, #tpu.memory_space<vmem>> -> memref<1024xf32, #tpu.memory_space<vmem>>
          %dma_start3A_247 = tpu.memref_slice %arg4[%add3A_243] : memref<32014336xf32, #tpu.memory_space<hbm>> -> memref<1024xf32, #tpu.memory_space<hbm>>
          %dma_start3A_248 = tpu.memref_slice %arg4[%add3A_243] : memref<32014336xf32, #tpu.memory_space<hbm>> -> memref<1024xf32, #tpu.memory_space<hbm>>
          %dma_start3A_249 = tpu.memref_slice %arg5[%dma_start3A_244, %select_n3A_216, %mul3A_234] : memref<2x8x4096xf32, #tpu.memory_space<vmem>> -> memref<1x1x1024xf32, #tpu.memory_space<vmem>>
          %dma_start3A_250 = tpu.memref_squeeze %dma_start3A_249 : memref<1x1x1024xf32, #tpu.memory_space<vmem>> -> memref<1024xf32, #tpu.memory_space<vmem>>
          tpu.enqueue_dma source(%dma_start3A_250 : memref<1024xf32, #tpu.memory_space<vmem>>) target(%dma_start3A_248 : memref<1024xf32, #tpu.memory_space<hbm>>) target_semaphore(%arg8 : memref<!tpu.dma_semaphore, #tpu.memory_space<semaphore_mem>>)
        }
        %scan3A_180 = arith.constant 32 : i32
        %scan3A_181 = arith.constant 0 : i32
        %scan3A_182 = arith.constant 0 : i32
        %scan3A_183 = arith.constant 32 : i32
        %scan3A_184 = arith.addi %scan3A_182, %scan3A_183 : i32
        %scan3A_185 = arith.constant 1 : i32
        scf.for %scan3A_187 = %scan3A_182 to %scan3A_184 step %scan3A_185  : i32 {
          %mul3A_188 = arith.constant 16 : i32
          %mul3A_189 = arith.muli %add3A_148, %mul3A_188 : i32
          %add3A_190 = arith.addi %mul3A_189, %arg1 : i32
          %mul3A_191 = arith.constant 4096 : i32
          %mul3A_192 = arith.muli %add3A_190, %mul3A_191 : i32
          %jit3A_193 = arith.constant 4 : i32
          %div3A_194 = arith.divsi %scan3A_187, %jit3A_193 : i32
          %sign3A_195 = arith.constant 0 : i32
          %sign3A_196 = arith.cmpi sgt, %scan3A_187, %sign3A_195 : i32
          %sign3A_197 = arith.extui %sign3A_196 : i1 to i32
          %sign3A_198 = arith.constant 0 : i32
          %sign3A_199 = arith.cmpi slt, %scan3A_187, %sign3A_198 : i32
          %sign3A_200 = arith.extui %sign3A_199 : i1 to i32
          %sign3A_201 = arith.subi %sign3A_197, %sign3A_200 : i32
          %sign3A_202 = arith.constant 0 : i32
          %sign3A_203 = arith.cmpi sgt, %jit3A_193, %sign3A_202 : i32
          %sign3A_204 = arith.extui %sign3A_203 : i1 to i32
          %sign3A_205 = arith.constant 0 : i32
          %sign3A_206 = arith.cmpi slt, %jit3A_193, %sign3A_205 : i32
          %sign3A_207 = arith.extui %sign3A_206 : i1 to i32
          %sign3A_208 = arith.subi %sign3A_204, %sign3A_207 : i32
          %ne3A_209 = arith.cmpi ne, %sign3A_201, %sign3A_208 : i32
          %rem3A_210 = arith.remsi %scan3A_187, %jit3A_193 : i32
          %ne3A_211 = arith.constant 0 : i32
          %ne3A_212 = arith.cmpi ne, %rem3A_210, %ne3A_211 : i32
          %and3A_213 = arith.andi %ne3A_209, %ne3A_212 : i1
          %sub3A_214 = arith.constant 1 : i32
          %sub3A_215 = arith.subi %div3A_194, %sub3A_214 : i32
          %select_n3A_216 = arith.select %and3A_213, %sub3A_215, %div3A_194 : i32
          %jit3A_217 = arith.constant 4 : i32
          %eq3A_218 = arith.constant 0 : i32
          %eq3A_219 = arith.cmpi eq, %jit3A_217, %eq3A_218 : i32
          %jit3A_220 = arith.constant 1 : i32
          %select_n3A_221 = arith.select %eq3A_219, %jit3A_220, %jit3A_217 : i32
          %rem3A_222 = arith.remsi %scan3A_187, %select_n3A_221 : i32
          %ne3A_223 = arith.constant 0 : i32
          %ne3A_224 = arith.cmpi ne, %rem3A_222, %ne3A_223 : i32
          %lt3A_225 = arith.constant 0 : i32
          %lt3A_226 = arith.cmpi slt, %rem3A_222, %lt3A_225 : i32
          %lt3A_227 = arith.constant 0 : i32
          %lt3A_228 = arith.cmpi slt, %select_n3A_221, %lt3A_227 : i32
          %ne3A_229 = arith.xori %lt3A_226, %lt3A_228 : i1
          %and3A_230 = arith.andi %ne3A_229, %ne3A_224 : i1
          %add3A_231 = arith.addi %rem3A_222, %select_n3A_221 : i32
          %select_n3A_232 = arith.select %and3A_230, %add3A_231, %rem3A_222 : i32
          %mul3A_233 = arith.constant 1024 : i32
          %mul3A_234 = arith.muli %select_n3A_232, %mul3A_233 : i32
          %mul3A_235 = arith.constant 8 : i32
          %mul3A_236 = arith.muli %mul3A_235, %add3A_78 : i32
          %add3A_237 = arith.addi %mul3A_236, %select_n3A_216 : i32
          %mul3A_238 = arith.constant 1000448 : i32
          %mul3A_239 = arith.muli %add3A_237, %mul3A_238 : i32
          %add3A_240 = arith.addi %mul3A_239, %mul3A_192 : i32
          %mul3A_241 = arith.constant 1024 : i32
          %mul3A_242 = arith.muli %select_n3A_232, %mul3A_241 : i32
          %add3A_243 = arith.addi %add3A_240, %mul3A_242 : i32
          %dma_wait3A_244 = arith.constant 1 : i32
          %dma_wait3A_245 = tpu.memref_slice %arg5[%dma_wait3A_244, %select_n3A_216, %mul3A_234] : memref<2x8x4096xf32, #tpu.memory_space<vmem>> -> memref<1x1x1024xf32, #tpu.memory_space<vmem>>
          %dma_wait3A_246 = tpu.memref_squeeze %dma_wait3A_245 : memref<1x1x1024xf32, #tpu.memory_space<vmem>> -> memref<1024xf32, #tpu.memory_space<vmem>>
          %dma_wait3A_247 = tpu.memref_slice %arg4[%add3A_243] : memref<32014336xf32, #tpu.memory_space<hbm>> -> memref<1024xf32, #tpu.memory_space<hbm>>
          %dma_wait3A_248 = tpu.memref_slice %arg4[%add3A_243] : memref<32014336xf32, #tpu.memory_space<hbm>> -> memref<1024xf32, #tpu.memory_space<hbm>>
          %dma_wait3A_249 = tpu.memref_slice %arg5[%dma_wait3A_244, %select_n3A_216, %mul3A_234] : memref<2x8x4096xf32, #tpu.memory_space<vmem>> -> memref<1x1x1024xf32, #tpu.memory_space<vmem>>
          %dma_wait3A_250 = tpu.memref_squeeze %dma_wait3A_249 : memref<1x1x1024xf32, #tpu.memory_space<vmem>> -> memref<1024xf32, #tpu.memory_space<vmem>>
          tpu.wait_dma2 semaphore(%arg8 : memref<!tpu.dma_semaphore, #tpu.memory_space<semaphore_mem>>) src(%dma_wait3A_250 : memref<1024xf32, #tpu.memory_space<vmem>>) dst(%dma_wait3A_248 : memref<1024xf32, #tpu.memory_space<hbm>>)
        }
        %scan3A_186 = arith.constant 32 : i32
      } else {
      }
    }
    %while3A_131 = arith.constant 1 : i32
    scf.for %while3A_137 = %while3A_129 to %while3A_125 step %while3A_131  : i32 {
      %mul3A_138 = arith.constant 2 : i32
      %mul3A_139 = arith.muli %while3A_137, %mul3A_138 : i32
      %add3A_140 = arith.constant 0 : i32
      %add3A_141 = arith.addi %mul3A_139, %add3A_140 : i32
      %lt3A = arith.cmpi slt, %add3A_141, %add3A_18 : i32
      %convert_element_type3A_142 = arith.extui %lt3A : i1 to i32
      %cond3A_143 = arith.constant 0 : i32
      %cond3A_144 = arith.cmpi ne, %convert_element_type3A_142, %cond3A_143 : i32
      scf.if %cond3A_144 {
        %mul3A_153 = arith.constant 16 : i32
        %mul3A_154 = arith.muli %add3A_141, %mul3A_153 : i32
        %add3A_155 = arith.addi %mul3A_154, %arg1 : i32
        %mul3A_156 = arith.constant 4096 : i32
        %mul3A_157 = arith.muli %add3A_155, %mul3A_156 : i32
        %mul3A_158 = arith.constant 8 : i32
        %mul3A_159 = arith.muli %mul3A_158, %add3A_78 : i32
        %dma_wait3A = arith.constant 0 : i32
        %dma_wait3A_160 = arith.constant 0 : i32
        %dma_wait3A_161 = arith.constant 0 : i32
        %dma_wait3A_162 = tpu.memref_slice %arg5[%dma_wait3A, %dma_wait3A_160, %dma_wait3A_161] : memref<2x8x4096xf32, #tpu.memory_space<vmem>> -> memref<1x8x4096xf32, #tpu.memory_space<vmem>>
        %dma_wait3A_163 = tpu.memref_squeeze %dma_wait3A_162 : memref<1x8x4096xf32, #tpu.memory_space<vmem>> -> memref<8x4096xf32, #tpu.memory_space<vmem>>
        %dma_wait3A_164 = tpu.memref_slice %arg2[%mul3A_159, %mul3A_157] : memref<32x1000000xf32, #tpu.memory_space<hbm>> -> memref<8x4096xf32, #tpu.memory_space<hbm>>
        %dma_wait3A_165 = arith.constant 0 : i32
        %dma_wait3A_166 = arith.constant 0 : i32
        %dma_wait3A_167 = tpu.memref_slice %arg5[%dma_wait3A, %dma_wait3A_165, %dma_wait3A_166] : memref<2x8x4096xf32, #tpu.memory_space<vmem>> -> memref<1x8x4096xf32, #tpu.memory_space<vmem>>
        %dma_wait3A_168 = tpu.memref_squeeze %dma_wait3A_167 : memref<1x8x4096xf32, #tpu.memory_space<vmem>> -> memref<8x4096xf32, #tpu.memory_space<vmem>>
        %dma_wait3A_169 = tpu.memref_slice %arg2[%mul3A_159, %mul3A_157] : memref<32x1000000xf32, #tpu.memory_space<hbm>> -> memref<8x4096xf32, #tpu.memory_space<hbm>>
        tpu.wait_dma2 semaphore(%arg6 : memref<!tpu.dma_semaphore, #tpu.memory_space<semaphore_mem>>) src(%dma_wait3A_169 : memref<8x4096xf32, #tpu.memory_space<hbm>>) dst(%dma_wait3A_168 : memref<8x4096xf32, #tpu.memory_space<vmem>>)
        %add3A_170 = arith.constant 1 : i32
        %add3A_171 = arith.addi %add3A_141, %add3A_170 : i32
        %lt3A_172 = arith.cmpi slt, %add3A_171, %add3A_18 : i32
        %convert_element_type3A_173 = arith.extui %lt3A_172 : i1 to i32
        %cond3A_174 = arith.constant 0 : i32
        %cond3A_175 = arith.cmpi ne, %convert_element_type3A_173, %cond3A_174 : i32
        scf.if %cond3A_175 {
          %add3A_187 = arith.constant 1 : i32
          %add3A_188 = arith.addi %add3A_141, %add3A_187 : i32
          %mul3A_189 = arith.constant 16 : i32
          %mul3A_190 = arith.muli %add3A_188, %mul3A_189 : i32
          %add3A_191 = arith.addi %mul3A_190, %arg1 : i32
          %mul3A_192 = arith.constant 4096 : i32
          %mul3A_193 = arith.muli %add3A_191, %mul3A_192 : i32
          %mul3A_194 = arith.constant 8 : i32
          %mul3A_195 = arith.muli %mul3A_194, %add3A_78 : i32
          %dma_start3A_196 = arith.constant 1 : i32
          %dma_start3A_197 = arith.constant 0 : i32
          %dma_start3A_198 = arith.constant 0 : i32
          %dma_start3A_199 = tpu.memref_slice %arg5[%dma_start3A_196, %dma_start3A_197, %dma_start3A_198] : memref<2x8x4096xf32, #tpu.memory_space<vmem>> -> memref<1x8x4096xf32, #tpu.memory_space<vmem>>
          %dma_start3A_200 = tpu.memref_squeeze %dma_start3A_199 : memref<1x8x4096xf32, #tpu.memory_space<vmem>> -> memref<8x4096xf32, #tpu.memory_space<vmem>>
          %dma_start3A_201 = tpu.memref_slice %arg2[%mul3A_195, %mul3A_193] : memref<32x1000000xf32, #tpu.memory_space<hbm>> -> memref<8x4096xf32, #tpu.memory_space<hbm>>
          %dma_start3A_202 = arith.constant 0 : i32
          %dma_start3A_203 = arith.constant 0 : i32
          %dma_start3A_204 = tpu.memref_slice %arg5[%dma_start3A_196, %dma_start3A_202, %dma_start3A_203] : memref<2x8x4096xf32, #tpu.memory_space<vmem>> -> memref<1x8x4096xf32, #tpu.memory_space<vmem>>
          %dma_start3A_205 = tpu.memref_squeeze %dma_start3A_204 : memref<1x8x4096xf32, #tpu.memory_space<vmem>> -> memref<8x4096xf32, #tpu.memory_space<vmem>>
          %dma_start3A_206 = tpu.memref_slice %arg2[%mul3A_195, %mul3A_193] : memref<32x1000000xf32, #tpu.memory_space<hbm>> -> memref<8x4096xf32, #tpu.memory_space<hbm>>
          tpu.enqueue_dma source(%dma_start3A_206 : memref<8x4096xf32, #tpu.memory_space<hbm>>) target(%dma_start3A_205 : memref<8x4096xf32, #tpu.memory_space<vmem>>) target_semaphore(%arg7 : memref<!tpu.dma_semaphore, #tpu.memory_space<semaphore_mem>>)
        } else {
        }
        %scan3A = arith.constant 0 : i32
        %scan3A_176 = arith.constant 0 : i32
        %scan3A_177 = arith.constant 32 : i32
        %scan3A_178 = arith.addi %scan3A_176, %scan3A_177 : i32
        %scan3A_179 = arith.constant 1 : i32
        scf.for %scan3A_187 = %scan3A_176 to %scan3A_178 step %scan3A_179  : i32 {
          %mul3A_188 = arith.constant 16 : i32
          %mul3A_189 = arith.muli %add3A_141, %mul3A_188 : i32
          %add3A_190 = arith.addi %mul3A_189, %arg1 : i32
          %mul3A_191 = arith.constant 4096 : i32
          %mul3A_192 = arith.muli %add3A_190, %mul3A_191 : i32
          %jit3A_193 = arith.constant 4 : i32
          %div3A_194 = arith.divsi %scan3A_187, %jit3A_193 : i32
          %sign3A_195 = arith.constant 0 : i32
          %sign3A_196 = arith.cmpi sgt, %scan3A_187, %sign3A_195 : i32
          %sign3A_197 = arith.extui %sign3A_196 : i1 to i32
          %sign3A_198 = arith.constant 0 : i32
          %sign3A_199 = arith.cmpi slt, %scan3A_187, %sign3A_198 : i32
          %sign3A_200 = arith.extui %sign3A_199 : i1 to i32
          %sign3A_201 = arith.subi %sign3A_197, %sign3A_200 : i32
          %sign3A_202 = arith.constant 0 : i32
          %sign3A_203 = arith.cmpi sgt, %jit3A_193, %sign3A_202 : i32
          %sign3A_204 = arith.extui %sign3A_203 : i1 to i32
          %sign3A_205 = arith.constant 0 : i32
          %sign3A_206 = arith.cmpi slt, %jit3A_193, %sign3A_205 : i32
          %sign3A_207 = arith.extui %sign3A_206 : i1 to i32
          %sign3A_208 = arith.subi %sign3A_204, %sign3A_207 : i32
          %ne3A_209 = arith.cmpi ne, %sign3A_201, %sign3A_208 : i32
          %rem3A_210 = arith.remsi %scan3A_187, %jit3A_193 : i32
          %ne3A_211 = arith.constant 0 : i32
          %ne3A_212 = arith.cmpi ne, %rem3A_210, %ne3A_211 : i32
          %and3A_213 = arith.andi %ne3A_209, %ne3A_212 : i1
          %sub3A_214 = arith.constant 1 : i32
          %sub3A_215 = arith.subi %div3A_194, %sub3A_214 : i32
          %select_n3A_216 = arith.select %and3A_213, %sub3A_215, %div3A_194 : i32
          %jit3A_217 = arith.constant 4 : i32
          %eq3A_218 = arith.constant 0 : i32
          %eq3A_219 = arith.cmpi eq, %jit3A_217, %eq3A_218 : i32
          %jit3A_220 = arith.constant 1 : i32
          %select_n3A_221 = arith.select %eq3A_219, %jit3A_220, %jit3A_217 : i32
          %rem3A_222 = arith.remsi %scan3A_187, %select_n3A_221 : i32
          %ne3A_223 = arith.constant 0 : i32
          %ne3A_224 = arith.cmpi ne, %rem3A_222, %ne3A_223 : i32
          %lt3A_225 = arith.constant 0 : i32
          %lt3A_226 = arith.cmpi slt, %rem3A_222, %lt3A_225 : i32
          %lt3A_227 = arith.constant 0 : i32
          %lt3A_228 = arith.cmpi slt, %select_n3A_221, %lt3A_227 : i32
          %ne3A_229 = arith.xori %lt3A_226, %lt3A_228 : i1
          %and3A_230 = arith.andi %ne3A_229, %ne3A_224 : i1
          %add3A_231 = arith.addi %rem3A_222, %select_n3A_221 : i32
          %select_n3A_232 = arith.select %and3A_230, %add3A_231, %rem3A_222 : i32
          %mul3A_233 = arith.constant 1024 : i32
          %mul3A_234 = arith.muli %select_n3A_232, %mul3A_233 : i32
          %mul3A_235 = arith.constant 8 : i32
          %mul3A_236 = arith.muli %mul3A_235, %add3A_78 : i32
          %add3A_237 = arith.addi %mul3A_236, %select_n3A_216 : i32
          %mul3A_238 = arith.constant 1000448 : i32
          %mul3A_239 = arith.muli %add3A_237, %mul3A_238 : i32
          %add3A_240 = arith.addi %mul3A_239, %mul3A_192 : i32
          %mul3A_241 = arith.constant 1024 : i32
          %mul3A_242 = arith.muli %select_n3A_232, %mul3A_241 : i32
          %add3A_243 = arith.addi %add3A_240, %mul3A_242 : i32
          %dma_start3A_244 = arith.constant 0 : i32
          %dma_start3A_245 = tpu.memref_slice %arg5[%dma_start3A_244, %select_n3A_216, %mul3A_234] : memref<2x8x4096xf32, #tpu.memory_space<vmem>> -> memref<1x1x1024xf32, #tpu.memory_space<vmem>>
          %dma_start3A_246 = tpu.memref_squeeze %dma_start3A_245 : memref<1x1x1024xf32, #tpu.memory_space<vmem>> -> memref<1024xf32, #tpu.memory_space<vmem>>
          %dma_start3A_247 = tpu.memref_slice %arg4[%add3A_243] : memref<32014336xf32, #tpu.memory_space<hbm>> -> memref<1024xf32, #tpu.memory_space<hbm>>
          %dma_start3A_248 = tpu.memref_slice %arg4[%add3A_243] : memref<32014336xf32, #tpu.memory_space<hbm>> -> memref<1024xf32, #tpu.memory_space<hbm>>
          %dma_start3A_249 = tpu.memref_slice %arg5[%dma_start3A_244, %select_n3A_216, %mul3A_234] : memref<2x8x4096xf32, #tpu.memory_space<vmem>> -> memref<1x1x1024xf32, #tpu.memory_space<vmem>>
          %dma_start3A_250 = tpu.memref_squeeze %dma_start3A_249 : memref<1x1x1024xf32, #tpu.memory_space<vmem>> -> memref<1024xf32, #tpu.memory_space<vmem>>
          tpu.enqueue_dma source(%dma_start3A_250 : memref<1024xf32, #tpu.memory_space<vmem>>) target(%dma_start3A_248 : memref<1024xf32, #tpu.memory_space<hbm>>) target_semaphore(%arg8 : memref<!tpu.dma_semaphore, #tpu.memory_space<semaphore_mem>>)
        }
        %scan3A_180 = arith.constant 32 : i32
        %scan3A_181 = arith.constant 0 : i32
        %scan3A_182 = arith.constant 0 : i32
        %scan3A_183 = arith.constant 32 : i32
        %scan3A_184 = arith.addi %scan3A_182, %scan3A_183 : i32
        %scan3A_185 = arith.constant 1 : i32
        scf.for %scan3A_187 = %scan3A_182 to %scan3A_184 step %scan3A_185  : i32 {
          %mul3A_188 = arith.constant 16 : i32
          %mul3A_189 = arith.muli %add3A_141, %mul3A_188 : i32
          %add3A_190 = arith.addi %mul3A_189, %arg1 : i32
          %mul3A_191 = arith.constant 4096 : i32
          %mul3A_192 = arith.muli %add3A_190, %mul3A_191 : i32
          %jit3A_193 = arith.constant 4 : i32
          %div3A_194 = arith.divsi %scan3A_187, %jit3A_193 : i32
          %sign3A_195 = arith.constant 0 : i32
          %sign3A_196 = arith.cmpi sgt, %scan3A_187, %sign3A_195 : i32
          %sign3A_197 = arith.extui %sign3A_196 : i1 to i32
          %sign3A_198 = arith.constant 0 : i32
          %sign3A_199 = arith.cmpi slt, %scan3A_187, %sign3A_198 : i32
          %sign3A_200 = arith.extui %sign3A_199 : i1 to i32
          %sign3A_201 = arith.subi %sign3A_197, %sign3A_200 : i32
          %sign3A_202 = arith.constant 0 : i32
          %sign3A_203 = arith.cmpi sgt, %jit3A_193, %sign3A_202 : i32
          %sign3A_204 = arith.extui %sign3A_203 : i1 to i32
          %sign3A_205 = arith.constant 0 : i32
          %sign3A_206 = arith.cmpi slt, %jit3A_193, %sign3A_205 : i32
          %sign3A_207 = arith.extui %sign3A_206 : i1 to i32
          %sign3A_208 = arith.subi %sign3A_204, %sign3A_207 : i32
          %ne3A_209 = arith.cmpi ne, %sign3A_201, %sign3A_208 : i32
          %rem3A_210 = arith.remsi %scan3A_187, %jit3A_193 : i32
          %ne3A_211 = arith.constant 0 : i32
          %ne3A_212 = arith.cmpi ne, %rem3A_210, %ne3A_211 : i32
          %and3A_213 = arith.andi %ne3A_209, %ne3A_212 : i1
          %sub3A_214 = arith.constant 1 : i32
          %sub3A_215 = arith.subi %div3A_194, %sub3A_214 : i32
          %select_n3A_216 = arith.select %and3A_213, %sub3A_215, %div3A_194 : i32
          %jit3A_217 = arith.constant 4 : i32
          %eq3A_218 = arith.constant 0 : i32
          %eq3A_219 = arith.cmpi eq, %jit3A_217, %eq3A_218 : i32
          %jit3A_220 = arith.constant 1 : i32
          %select_n3A_221 = arith.select %eq3A_219, %jit3A_220, %jit3A_217 : i32
          %rem3A_222 = arith.remsi %scan3A_187, %select_n3A_221 : i32
          %ne3A_223 = arith.constant 0 : i32
          %ne3A_224 = arith.cmpi ne, %rem3A_222, %ne3A_223 : i32
          %lt3A_225 = arith.constant 0 : i32
          %lt3A_226 = arith.cmpi slt, %rem3A_222, %lt3A_225 : i32
          %lt3A_227 = arith.constant 0 : i32
          %lt3A_228 = arith.cmpi slt, %select_n3A_221, %lt3A_227 : i32
          %ne3A_229 = arith.xori %lt3A_226, %lt3A_228 : i1
          %and3A_230 = arith.andi %ne3A_229, %ne3A_224 : i1
          %add3A_231 = arith.addi %rem3A_222, %select_n3A_221 : i32
          %select_n3A_232 = arith.select %and3A_230, %add3A_231, %rem3A_222 : i32
          %mul3A_233 = arith.constant 1024 : i32
          %mul3A_234 = arith.muli %select_n3A_232, %mul3A_233 : i32
          %mul3A_235 = arith.constant 8 : i32
          %mul3A_236 = arith.muli %mul3A_235, %add3A_78 : i32
          %add3A_237 = arith.addi %mul3A_236, %select_n3A_216 : i32
          %mul3A_238 = arith.constant 1000448 : i32
          %mul3A_239 = arith.muli %add3A_237, %mul3A_238 : i32
          %add3A_240 = arith.addi %mul3A_239, %mul3A_192 : i32
          %mul3A_241 = arith.constant 1024 : i32
          %mul3A_242 = arith.muli %select_n3A_232, %mul3A_241 : i32
          %add3A_243 = arith.addi %add3A_240, %mul3A_242 : i32
          %dma_wait3A_244 = arith.constant 0 : i32
          %dma_wait3A_245 = tpu.memref_slice %arg5[%dma_wait3A_244, %select_n3A_216, %mul3A_234] : memref<2x8x4096xf32, #tpu.memory_space<vmem>> -> memref<1x1x1024xf32, #tpu.memory_space<vmem>>
          %dma_wait3A_246 = tpu.memref_squeeze %dma_wait3A_245 : memref<1x1x1024xf32, #tpu.memory_space<vmem>> -> memref<1024xf32, #tpu.memory_space<vmem>>
          %dma_wait3A_247 = tpu.memref_slice %arg4[%add3A_243] : memref<32014336xf32, #tpu.memory_space<hbm>> -> memref<1024xf32, #tpu.memory_space<hbm>>
          %dma_wait3A_248 = tpu.memref_slice %arg4[%add3A_243] : memref<32014336xf32, #tpu.memory_space<hbm>> -> memref<1024xf32, #tpu.memory_space<hbm>>
          %dma_wait3A_249 = tpu.memref_slice %arg5[%dma_wait3A_244, %select_n3A_216, %mul3A_234] : memref<2x8x4096xf32, #tpu.memory_space<vmem>> -> memref<1x1x1024xf32, #tpu.memory_space<vmem>>
          %dma_wait3A_250 = tpu.memref_squeeze %dma_wait3A_249 : memref<1x1x1024xf32, #tpu.memory_space<vmem>> -> memref<1024xf32, #tpu.memory_space<vmem>>
          tpu.wait_dma2 semaphore(%arg8 : memref<!tpu.dma_semaphore, #tpu.memory_space<semaphore_mem>>) src(%dma_wait3A_250 : memref<1024xf32, #tpu.memory_space<vmem>>) dst(%dma_wait3A_248 : memref<1024xf32, #tpu.memory_space<hbm>>)
        }
        %scan3A_186 = arith.constant 32 : i32
      } else {
      }
      %mul3A_145 = arith.constant 2 : i32
      %mul3A_146 = arith.muli %while3A_137, %mul3A_145 : i32
      %add3A_147 = arith.constant 1 : i32
      %add3A_148 = arith.addi %mul3A_146, %add3A_147 : i32
      %lt3A_149 = arith.cmpi slt, %add3A_148, %add3A_18 : i32
      %convert_element_type3A_150 = arith.extui %lt3A_149 : i1 to i32
      %cond3A_151 = arith.constant 0 : i32
      %cond3A_152 = arith.cmpi ne, %convert_element_type3A_150, %cond3A_151 : i32
      scf.if %cond3A_152 {
        %mul3A_153 = arith.constant 16 : i32
        %mul3A_154 = arith.muli %add3A_148, %mul3A_153 : i32
        %add3A_155 = arith.addi %mul3A_154, %arg1 : i32
        %mul3A_156 = arith.constant 4096 : i32
        %mul3A_157 = arith.muli %add3A_155, %mul3A_156 : i32
        %mul3A_158 = arith.constant 8 : i32
        %mul3A_159 = arith.muli %mul3A_158, %add3A_78 : i32
        %dma_wait3A = arith.constant 1 : i32
        %dma_wait3A_160 = arith.constant 0 : i32
        %dma_wait3A_161 = arith.constant 0 : i32
        %dma_wait3A_162 = tpu.memref_slice %arg5[%dma_wait3A, %dma_wait3A_160, %dma_wait3A_161] : memref<2x8x4096xf32, #tpu.memory_space<vmem>> -> memref<1x8x4096xf32, #tpu.memory_space<vmem>>
        %dma_wait3A_163 = tpu.memref_squeeze %dma_wait3A_162 : memref<1x8x4096xf32, #tpu.memory_space<vmem>> -> memref<8x4096xf32, #tpu.memory_space<vmem>>
        %dma_wait3A_164 = tpu.memref_slice %arg2[%mul3A_159, %mul3A_157] : memref<32x1000000xf32, #tpu.memory_space<hbm>> -> memref<8x4096xf32, #tpu.memory_space<hbm>>
        %dma_wait3A_165 = arith.constant 0 : i32
        %dma_wait3A_166 = arith.constant 0 : i32
        %dma_wait3A_167 = tpu.memref_slice %arg5[%dma_wait3A, %dma_wait3A_165, %dma_wait3A_166] : memref<2x8x4096xf32, #tpu.memory_space<vmem>> -> memref<1x8x4096xf32, #tpu.memory_space<vmem>>
        %dma_wait3A_168 = tpu.memref_squeeze %dma_wait3A_167 : memref<1x8x4096xf32, #tpu.memory_space<vmem>> -> memref<8x4096xf32, #tpu.memory_space<vmem>>
        %dma_wait3A_169 = tpu.memref_slice %arg2[%mul3A_159, %mul3A_157] : memref<32x1000000xf32, #tpu.memory_space<hbm>> -> memref<8x4096xf32, #tpu.memory_space<hbm>>
        tpu.wait_dma2 semaphore(%arg7 : memref<!tpu.dma_semaphore, #tpu.memory_space<semaphore_mem>>) src(%dma_wait3A_169 : memref<8x4096xf32, #tpu.memory_space<hbm>>) dst(%dma_wait3A_168 : memref<8x4096xf32, #tpu.memory_space<vmem>>)
        %add3A_170 = arith.constant 1 : i32
        %add3A_171 = arith.addi %add3A_148, %add3A_170 : i32
        %lt3A_172 = arith.cmpi slt, %add3A_171, %add3A_18 : i32
        %convert_element_type3A_173 = arith.extui %lt3A_172 : i1 to i32
        %cond3A_174 = arith.constant 0 : i32
        %cond3A_175 = arith.cmpi ne, %convert_element_type3A_173, %cond3A_174 : i32
        scf.if %cond3A_175 {
          %add3A_187 = arith.constant 1 : i32
          %add3A_188 = arith.addi %add3A_148, %add3A_187 : i32
          %mul3A_189 = arith.constant 16 : i32
          %mul3A_190 = arith.muli %add3A_188, %mul3A_189 : i32
          %add3A_191 = arith.addi %mul3A_190, %arg1 : i32
          %mul3A_192 = arith.constant 4096 : i32
          %mul3A_193 = arith.muli %add3A_191, %mul3A_192 : i32
          %mul3A_194 = arith.constant 8 : i32
          %mul3A_195 = arith.muli %mul3A_194, %add3A_78 : i32
          %dma_start3A_196 = arith.constant 0 : i32
          %dma_start3A_197 = arith.constant 0 : i32
          %dma_start3A_198 = arith.constant 0 : i32
          %dma_start3A_199 = tpu.memref_slice %arg5[%dma_start3A_196, %dma_start3A_197, %dma_start3A_198] : memref<2x8x4096xf32, #tpu.memory_space<vmem>> -> memref<1x8x4096xf32, #tpu.memory_space<vmem>>
          %dma_start3A_200 = tpu.memref_squeeze %dma_start3A_199 : memref<1x8x4096xf32, #tpu.memory_space<vmem>> -> memref<8x4096xf32, #tpu.memory_space<vmem>>
          %dma_start3A_201 = tpu.memref_slice %arg2[%mul3A_195, %mul3A_193] : memref<32x1000000xf32, #tpu.memory_space<hbm>> -> memref<8x4096xf32, #tpu.memory_space<hbm>>
          %dma_start3A_202 = arith.constant 0 : i32
          %dma_start3A_203 = arith.constant 0 : i32
          %dma_start3A_204 = tpu.memref_slice %arg5[%dma_start3A_196, %dma_start3A_202, %dma_start3A_203] : memref<2x8x4096xf32, #tpu.memory_space<vmem>> -> memref<1x8x4096xf32, #tpu.memory_space<vmem>>
          %dma_start3A_205 = tpu.memref_squeeze %dma_start3A_204 : memref<1x8x4096xf32, #tpu.memory_space<vmem>> -> memref<8x4096xf32, #tpu.memory_space<vmem>>
          %dma_start3A_206 = tpu.memref_slice %arg2[%mul3A_195, %mul3A_193] : memref<32x1000000xf32, #tpu.memory_space<hbm>> -> memref<8x4096xf32, #tpu.memory_space<hbm>>
          tpu.enqueue_dma source(%dma_start3A_206 : memref<8x4096xf32, #tpu.memory_space<hbm>>) target(%dma_start3A_205 : memref<8x4096xf32, #tpu.memory_space<vmem>>) target_semaphore(%arg6 : memref<!tpu.dma_semaphore, #tpu.memory_space<semaphore_mem>>)
        } else {
        }
        %scan3A = arith.constant 0 : i32
        %scan3A_176 = arith.constant 0 : i32
        %scan3A_177 = arith.constant 32 : i32
        %scan3A_178 = arith.addi %scan3A_176, %scan3A_177 : i32
        %scan3A_179 = arith.constant 1 : i32
        scf.for %scan3A_187 = %scan3A_176 to %scan3A_178 step %scan3A_179  : i32 {
          %mul3A_188 = arith.constant 16 : i32
          %mul3A_189 = arith.muli %add3A_148, %mul3A_188 : i32
          %add3A_190 = arith.addi %mul3A_189, %arg1 : i32
          %mul3A_191 = arith.constant 4096 : i32
          %mul3A_192 = arith.muli %add3A_190, %mul3A_191 : i32
          %jit3A_193 = arith.constant 4 : i32
          %div3A_194 = arith.divsi %scan3A_187, %jit3A_193 : i32
          %sign3A_195 = arith.constant 0 : i32
          %sign3A_196 = arith.cmpi sgt, %scan3A_187, %sign3A_195 : i32
          %sign3A_197 = arith.extui %sign3A_196 : i1 to i32
          %sign3A_198 = arith.constant 0 : i32
          %sign3A_199 = arith.cmpi slt, %scan3A_187, %sign3A_198 : i32
          %sign3A_200 = arith.extui %sign3A_199 : i1 to i32
          %sign3A_201 = arith.subi %sign3A_197, %sign3A_200 : i32
          %sign3A_202 = arith.constant 0 : i32
          %sign3A_203 = arith.cmpi sgt, %jit3A_193, %sign3A_202 : i32
          %sign3A_204 = arith.extui %sign3A_203 : i1 to i32
          %sign3A_205 = arith.constant 0 : i32
          %sign3A_206 = arith.cmpi slt, %jit3A_193, %sign3A_205 : i32
          %sign3A_207 = arith.extui %sign3A_206 : i1 to i32
          %sign3A_208 = arith.subi %sign3A_204, %sign3A_207 : i32
          %ne3A_209 = arith.cmpi ne, %sign3A_201, %sign3A_208 : i32
          %rem3A_210 = arith.remsi %scan3A_187, %jit3A_193 : i32
          %ne3A_211 = arith.constant 0 : i32
          %ne3A_212 = arith.cmpi ne, %rem3A_210, %ne3A_211 : i32
          %and3A_213 = arith.andi %ne3A_209, %ne3A_212 : i1
          %sub3A_214 = arith.constant 1 : i32
          %sub3A_215 = arith.subi %div3A_194, %sub3A_214 : i32
          %select_n3A_216 = arith.select %and3A_213, %sub3A_215, %div3A_194 : i32
          %jit3A_217 = arith.constant 4 : i32
          %eq3A_218 = arith.constant 0 : i32
          %eq3A_219 = arith.cmpi eq, %jit3A_217, %eq3A_218 : i32
          %jit3A_220 = arith.constant 1 : i32
          %select_n3A_221 = arith.select %eq3A_219, %jit3A_220, %jit3A_217 : i32
          %rem3A_222 = arith.remsi %scan3A_187, %select_n3A_221 : i32
          %ne3A_223 = arith.constant 0 : i32
          %ne3A_224 = arith.cmpi ne, %rem3A_222, %ne3A_223 : i32
          %lt3A_225 = arith.constant 0 : i32
          %lt3A_226 = arith.cmpi slt, %rem3A_222, %lt3A_225 : i32
          %lt3A_227 = arith.constant 0 : i32
          %lt3A_228 = arith.cmpi slt, %select_n3A_221, %lt3A_227 : i32
          %ne3A_229 = arith.xori %lt3A_226, %lt3A_228 : i1
          %and3A_230 = arith.andi %ne3A_229, %ne3A_224 : i1
          %add3A_231 = arith.addi %rem3A_222, %select_n3A_221 : i32
          %select_n3A_232 = arith.select %and3A_230, %add3A_231, %rem3A_222 : i32
          %mul3A_233 = arith.constant 1024 : i32
          %mul3A_234 = arith.muli %select_n3A_232, %mul3A_233 : i32
          %mul3A_235 = arith.constant 8 : i32
          %mul3A_236 = arith.muli %mul3A_235, %add3A_78 : i32
          %add3A_237 = arith.addi %mul3A_236, %select_n3A_216 : i32
          %mul3A_238 = arith.constant 1000448 : i32
          %mul3A_239 = arith.muli %add3A_237, %mul3A_238 : i32
          %add3A_240 = arith.addi %mul3A_239, %mul3A_192 : i32
          %mul3A_241 = arith.constant 1024 : i32
          %mul3A_242 = arith.muli %select_n3A_232, %mul3A_241 : i32
          %add3A_243 = arith.addi %add3A_240, %mul3A_242 : i32
          %dma_start3A_244 = arith.constant 1 : i32
          %dma_start3A_245 = tpu.memref_slice %arg5[%dma_start3A_244, %select_n3A_216, %mul3A_234] : memref<2x8x4096xf32, #tpu.memory_space<vmem>> -> memref<1x1x1024xf32, #tpu.memory_space<vmem>>
          %dma_start3A_246 = tpu.memref_squeeze %dma_start3A_245 : memref<1x1x1024xf32, #tpu.memory_space<vmem>> -> memref<1024xf32, #tpu.memory_space<vmem>>
          %dma_start3A_247 = tpu.memref_slice %arg4[%add3A_243] : memref<32014336xf32, #tpu.memory_space<hbm>> -> memref<1024xf32, #tpu.memory_space<hbm>>
          %dma_start3A_248 = tpu.memref_slice %arg4[%add3A_243] : memref<32014336xf32, #tpu.memory_space<hbm>> -> memref<1024xf32, #tpu.memory_space<hbm>>
          %dma_start3A_249 = tpu.memref_slice %arg5[%dma_start3A_244, %select_n3A_216, %mul3A_234] : memref<2x8x4096xf32, #tpu.memory_space<vmem>> -> memref<1x1x1024xf32, #tpu.memory_space<vmem>>
          %dma_start3A_250 = tpu.memref_squeeze %dma_start3A_249 : memref<1x1x1024xf32, #tpu.memory_space<vmem>> -> memref<1024xf32, #tpu.memory_space<vmem>>
          tpu.enqueue_dma source(%dma_start3A_250 : memref<1024xf32, #tpu.memory_space<vmem>>) target(%dma_start3A_248 : memref<1024xf32, #tpu.memory_space<hbm>>) target_semaphore(%arg8 : memref<!tpu.dma_semaphore, #tpu.memory_space<semaphore_mem>>)
        }
        %scan3A_180 = arith.constant 32 : i32
        %scan3A_181 = arith.constant 0 : i32
        %scan3A_182 = arith.constant 0 : i32
        %scan3A_183 = arith.constant 32 : i32
        %scan3A_184 = arith.addi %scan3A_182, %scan3A_183 : i32
        %scan3A_185 = arith.constant 1 : i32
        scf.for %scan3A_187 = %scan3A_182 to %scan3A_184 step %scan3A_185  : i32 {
          %mul3A_188 = arith.constant 16 : i32
          %mul3A_189 = arith.muli %add3A_148, %mul3A_188 : i32
          %add3A_190 = arith.addi %mul3A_189, %arg1 : i32
          %mul3A_191 = arith.constant 4096 : i32
          %mul3A_192 = arith.muli %add3A_190, %mul3A_191 : i32
          %jit3A_193 = arith.constant 4 : i32
          %div3A_194 = arith.divsi %scan3A_187, %jit3A_193 : i32
          %sign3A_195 = arith.constant 0 : i32
          %sign3A_196 = arith.cmpi sgt, %scan3A_187, %sign3A_195 : i32
          %sign3A_197 = arith.extui %sign3A_196 : i1 to i32
          %sign3A_198 = arith.constant 0 : i32
          %sign3A_199 = arith.cmpi slt, %scan3A_187, %sign3A_198 : i32
          %sign3A_200 = arith.extui %sign3A_199 : i1 to i32
          %sign3A_201 = arith.subi %sign3A_197, %sign3A_200 : i32
          %sign3A_202 = arith.constant 0 : i32
          %sign3A_203 = arith.cmpi sgt, %jit3A_193, %sign3A_202 : i32
          %sign3A_204 = arith.extui %sign3A_203 : i1 to i32
          %sign3A_205 = arith.constant 0 : i32
          %sign3A_206 = arith.cmpi slt, %jit3A_193, %sign3A_205 : i32
          %sign3A_207 = arith.extui %sign3A_206 : i1 to i32
          %sign3A_208 = arith.subi %sign3A_204, %sign3A_207 : i32
          %ne3A_209 = arith.cmpi ne, %sign3A_201, %sign3A_208 : i32
          %rem3A_210 = arith.remsi %scan3A_187, %jit3A_193 : i32
          %ne3A_211 = arith.constant 0 : i32
          %ne3A_212 = arith.cmpi ne, %rem3A_210, %ne3A_211 : i32
          %and3A_213 = arith.andi %ne3A_209, %ne3A_212 : i1
          %sub3A_214 = arith.constant 1 : i32
          %sub3A_215 = arith.subi %div3A_194, %sub3A_214 : i32
          %select_n3A_216 = arith.select %and3A_213, %sub3A_215, %div3A_194 : i32
          %jit3A_217 = arith.constant 4 : i32
          %eq3A_218 = arith.constant 0 : i32
          %eq3A_219 = arith.cmpi eq, %jit3A_217, %eq3A_218 : i32
          %jit3A_220 = arith.constant 1 : i32
          %select_n3A_221 = arith.select %eq3A_219, %jit3A_220, %jit3A_217 : i32
          %rem3A_222 = arith.remsi %scan3A_187, %select_n3A_221 : i32
          %ne3A_223 = arith.constant 0 : i32
          %ne3A_224 = arith.cmpi ne, %rem3A_222, %ne3A_223 : i32
          %lt3A_225 = arith.constant 0 : i32
          %lt3A_226 = arith.cmpi slt, %rem3A_222, %lt3A_225 : i32
          %lt3A_227 = arith.constant 0 : i32
          %lt3A_228 = arith.cmpi slt, %select_n3A_221, %lt3A_227 : i32
          %ne3A_229 = arith.xori %lt3A_226, %lt3A_228 : i1
          %and3A_230 = arith.andi %ne3A_229, %ne3A_224 : i1
          %add3A_231 = arith.addi %rem3A_222, %select_n3A_221 : i32
          %select_n3A_232 = arith.select %and3A_230, %add3A_231, %rem3A_222 : i32
          %mul3A_233 = arith.constant 1024 : i32
          %mul3A_234 = arith.muli %select_n3A_232, %mul3A_233 : i32
          %mul3A_235 = arith.constant 8 : i32
          %mul3A_236 = arith.muli %mul3A_235, %add3A_78 : i32
          %add3A_237 = arith.addi %mul3A_236, %select_n3A_216 : i32
          %mul3A_238 = arith.constant 1000448 : i32
          %mul3A_239 = arith.muli %add3A_237, %mul3A_238 : i32
          %add3A_240 = arith.addi %mul3A_239, %mul3A_192 : i32
          %mul3A_241 = arith.constant 1024 : i32
          %mul3A_242 = arith.muli %select_n3A_232, %mul3A_241 : i32
          %add3A_243 = arith.addi %add3A_240, %mul3A_242 : i32
          %dma_wait3A_244 = arith.constant 1 : i32
          %dma_wait3A_245 = tpu.memref_slice %arg5[%dma_wait3A_244, %select_n3A_216, %mul3A_234] : memref<2x8x4096xf32, #tpu.memory_space<vmem>> -> memref<1x1x1024xf32, #tpu.memory_space<vmem>>
          %dma_wait3A_246 = tpu.memref_squeeze %dma_wait3A_245 : memref<1x1x1024xf32, #tpu.memory_space<vmem>> -> memref<1024xf32, #tpu.memory_space<vmem>>
          %dma_wait3A_247 = tpu.memref_slice %arg4[%add3A_243] : memref<32014336xf32, #tpu.memory_space<hbm>> -> memref<1024xf32, #tpu.memory_space<hbm>>
          %dma_wait3A_248 = tpu.memref_slice %arg4[%add3A_243] : memref<32014336xf32, #tpu.memory_space<hbm>> -> memref<1024xf32, #tpu.memory_space<hbm>>
          %dma_wait3A_249 = tpu.memref_slice %arg5[%dma_wait3A_244, %select_n3A_216, %mul3A_234] : memref<2x8x4096xf32, #tpu.memory_space<vmem>> -> memref<1x1x1024xf32, #tpu.memory_space<vmem>>
          %dma_wait3A_250 = tpu.memref_squeeze %dma_wait3A_249 : memref<1x1x1024xf32, #tpu.memory_space<vmem>> -> memref<1024xf32, #tpu.memory_space<vmem>>
          tpu.wait_dma2 semaphore(%arg8 : memref<!tpu.dma_semaphore, #tpu.memory_space<semaphore_mem>>) src(%dma_wait3A_250 : memref<1024xf32, #tpu.memory_space<vmem>>) dst(%dma_wait3A_248 : memref<1024xf32, #tpu.memory_space<hbm>>)
        }
        %scan3A_186 = arith.constant 32 : i32
      } else {
      }
    }
    %eq3A_132 = arith.constant 15 : i32
    %eq3A_133 = arith.cmpi eq, %arg1, %eq3A_132 : i32
    %convert_element_type3A_134 = arith.extui %eq3A_133 : i1 to i32
    %cond3A_135 = arith.constant 0 : i32
    %cond3A_136 = arith.cmpi ne, %convert_element_type3A_134, %cond3A_135 : i32
    scf.if %cond3A_136 {
      %mul3A_137 = arith.constant 8 : i32
      %mul3A_138 = arith.muli %mul3A_137, %add3A_78 : i32
      %dma_start3A_139 = arith.constant 0 : i32
      %dma_start3A_140 = arith.constant 0 : i32
      %dma_start3A_141 = arith.constant 0 : i32
      %dma_start3A_142 = tpu.memref_slice %arg5[%dma_start3A_139, %dma_start3A_140, %dma_start3A_141] : memref<2x8x4096xf32, #tpu.memory_space<vmem>> -> memref<1x8x1024xf32, #tpu.memory_space<vmem>>
      %dma_start3A_143 = tpu.memref_squeeze %dma_start3A_142 : memref<1x8x1024xf32, #tpu.memory_space<vmem>> -> memref<8x1024xf32, #tpu.memory_space<vmem>>
      %dma_start3A_144 = arith.constant 0 : i32
      %dma_start3A_145 = tpu.memref_slice %arg3[%mul3A_138, %dma_start3A_144] : memref<32x1024xf32, #tpu.memory_space<hbm>> -> memref<8x1024xf32, #tpu.memory_space<hbm>>
      %dma_start3A_146 = arith.constant 0 : i32
      %dma_start3A_147 = arith.constant 0 : i32
      %dma_start3A_148 = tpu.memref_slice %arg5[%dma_start3A_139, %dma_start3A_146, %dma_start3A_147] : memref<2x8x4096xf32, #tpu.memory_space<vmem>> -> memref<1x8x1024xf32, #tpu.memory_space<vmem>>
      %dma_start3A_149 = tpu.memref_squeeze %dma_start3A_148 : memref<1x8x1024xf32, #tpu.memory_space<vmem>> -> memref<8x1024xf32, #tpu.memory_space<vmem>>
      %dma_start3A_150 = arith.constant 0 : i32
      %dma_start3A_151 = tpu.memref_slice %arg3[%mul3A_138, %dma_start3A_150] : memref<32x1024xf32, #tpu.memory_space<hbm>> -> memref<8x1024xf32, #tpu.memory_space<hbm>>
      tpu.enqueue_dma source(%dma_start3A_151 : memref<8x1024xf32, #tpu.memory_space<hbm>>) target(%dma_start3A_149 : memref<8x1024xf32, #tpu.memory_space<vmem>>) target_semaphore(%arg6 : memref<!tpu.dma_semaphore, #tpu.memory_space<semaphore_mem>>)
      %mul3A_152 = arith.constant 8 : i32
      %mul3A_153 = arith.muli %mul3A_152, %add3A_78 : i32
      %dma_wait3A = arith.constant 0 : i32
      %dma_wait3A_154 = arith.constant 0 : i32
      %dma_wait3A_155 = arith.constant 0 : i32
      %dma_wait3A_156 = tpu.memref_slice %arg5[%dma_wait3A, %dma_wait3A_154, %dma_wait3A_155] : memref<2x8x4096xf32, #tpu.memory_space<vmem>> -> memref<1x8x1024xf32, #tpu.memory_space<vmem>>
      %dma_wait3A_157 = tpu.memref_squeeze %dma_wait3A_156 : memref<1x8x1024xf32, #tpu.memory_space<vmem>> -> memref<8x1024xf32, #tpu.memory_space<vmem>>
      %dma_wait3A_158 = arith.constant 0 : i32
      %dma_wait3A_159 = tpu.memref_slice %arg3[%mul3A_153, %dma_wait3A_158] : memref<32x1024xf32, #tpu.memory_space<hbm>> -> memref<8x1024xf32, #tpu.memory_space<hbm>>
      %dma_wait3A_160 = arith.constant 0 : i32
      %dma_wait3A_161 = arith.constant 0 : i32
      %dma_wait3A_162 = tpu.memref_slice %arg5[%dma_wait3A, %dma_wait3A_160, %dma_wait3A_161] : memref<2x8x4096xf32, #tpu.memory_space<vmem>> -> memref<1x8x1024xf32, #tpu.memory_space<vmem>>
      %dma_wait3A_163 = tpu.memref_squeeze %dma_wait3A_162 : memref<1x8x1024xf32, #tpu.memory_space<vmem>> -> memref<8x1024xf32, #tpu.memory_space<vmem>>
      %dma_wait3A_164 = arith.constant 0 : i32
      %dma_wait3A_165 = tpu.memref_slice %arg3[%mul3A_153, %dma_wait3A_164] : memref<32x1024xf32, #tpu.memory_space<hbm>> -> memref<8x1024xf32, #tpu.memory_space<hbm>>
      tpu.wait_dma2 semaphore(%arg6 : memref<!tpu.dma_semaphore, #tpu.memory_space<semaphore_mem>>) src(%dma_wait3A_165 : memref<8x1024xf32, #tpu.memory_space<hbm>>) dst(%dma_wait3A_163 : memref<8x1024xf32, #tpu.memory_space<vmem>>)
      %scan3A = arith.constant 0 : i32
      %scan3A_166 = arith.constant 0 : i32
      %scan3A_167 = arith.constant 8 : i32
      %scan3A_168 = arith.addi %scan3A_166, %scan3A_167 : i32
      %scan3A_169 = arith.constant 1 : i32
      scf.for %scan3A_177 = %scan3A_166 to %scan3A_168 step %scan3A_169  : i32 {
        %mul3A_178 = arith.constant 8 : i32
        %mul3A_179 = arith.muli %mul3A_178, %add3A_78 : i32
        %add3A_180 = arith.addi %mul3A_179, %scan3A_177 : i32
        %mul3A_181 = arith.constant 1000448 : i32
        %mul3A_182 = arith.muli %add3A_180, %mul3A_181 : i32
        %add3A_183 = arith.constant 999424 : i32
        %add3A_184 = arith.addi %mul3A_182, %add3A_183 : i32
        %dma_start3A_185 = arith.constant 0 : i32
        %dma_start3A_186 = arith.constant 0 : i32
        %dma_start3A_187 = tpu.memref_slice %arg5[%dma_start3A_185, %scan3A_177, %dma_start3A_186] : memref<2x8x4096xf32, #tpu.memory_space<vmem>> -> memref<1x1x1024xf32, #tpu.memory_space<vmem>>
        %dma_start3A_188 = tpu.memref_squeeze %dma_start3A_187 : memref<1x1x1024xf32, #tpu.memory_space<vmem>> -> memref<1024xf32, #tpu.memory_space<vmem>>
        %dma_start3A_189 = tpu.memref_slice %arg4[%add3A_184] : memref<32014336xf32, #tpu.memory_space<hbm>> -> memref<1024xf32, #tpu.memory_space<hbm>>
        %dma_start3A_190 = tpu.memref_slice %arg4[%add3A_184] : memref<32014336xf32, #tpu.memory_space<hbm>> -> memref<1024xf32, #tpu.memory_space<hbm>>
        %dma_start3A_191 = arith.constant 0 : i32
        %dma_start3A_192 = tpu.memref_slice %arg5[%dma_start3A_185, %scan3A_177, %dma_start3A_191] : memref<2x8x4096xf32, #tpu.memory_space<vmem>> -> memref<1x1x1024xf32, #tpu.memory_space<vmem>>
        %dma_start3A_193 = tpu.memref_squeeze %dma_start3A_192 : memref<1x1x1024xf32, #tpu.memory_space<vmem>> -> memref<1024xf32, #tpu.memory_space<vmem>>
        tpu.enqueue_dma source(%dma_start3A_193 : memref<1024xf32, #tpu.memory_space<vmem>>) target(%dma_start3A_190 : memref<1024xf32, #tpu.memory_space<hbm>>) target_semaphore(%arg8 : memref<!tpu.dma_semaphore, #tpu.memory_space<semaphore_mem>>)
      }
      %scan3A_170 = arith.constant 8 : i32
      %scan3A_171 = arith.constant 0 : i32
      %scan3A_172 = arith.constant 0 : i32
      %scan3A_173 = arith.constant 8 : i32
      %scan3A_174 = arith.addi %scan3A_172, %scan3A_173 : i32
      %scan3A_175 = arith.constant 1 : i32
      scf.for %scan3A_177 = %scan3A_172 to %scan3A_174 step %scan3A_175  : i32 {
        %mul3A_178 = arith.constant 8 : i32
        %mul3A_179 = arith.muli %mul3A_178, %add3A_78 : i32
        %add3A_180 = arith.addi %mul3A_179, %scan3A_177 : i32
        %mul3A_181 = arith.constant 1000448 : i32
        %mul3A_182 = arith.muli %add3A_180, %mul3A_181 : i32
        %add3A_183 = arith.constant 999424 : i32
        %add3A_184 = arith.addi %mul3A_182, %add3A_183 : i32
        %dma_wait3A_185 = arith.constant 0 : i32
        %dma_wait3A_186 = arith.constant 0 : i32
        %dma_wait3A_187 = tpu.memref_slice %arg5[%dma_wait3A_185, %scan3A_177, %dma_wait3A_186] : memref<2x8x4096xf32, #tpu.memory_space<vmem>> -> memref<1x1x1024xf32, #tpu.memory_space<vmem>>
        %dma_wait3A_188 = tpu.memref_squeeze %dma_wait3A_187 : memref<1x1x1024xf32, #tpu.memory_space<vmem>> -> memref<1024xf32, #tpu.memory_space<vmem>>
        %dma_wait3A_189 = tpu.memref_slice %arg4[%add3A_184] : memref<32014336xf32, #tpu.memory_space<hbm>> -> memref<1024xf32, #tpu.memory_space<hbm>>
        %dma_wait3A_190 = tpu.memref_slice %arg4[%add3A_184] : memref<32014336xf32, #tpu.memory_space<hbm>> -> memref<1024xf32, #tpu.memory_space<hbm>>
        %dma_wait3A_191 = arith.constant 0 : i32
        %dma_wait3A_192 = tpu.memref_slice %arg5[%dma_wait3A_185, %scan3A_177, %dma_wait3A_191] : memref<2x8x4096xf32, #tpu.memory_space<vmem>> -> memref<1x1x1024xf32, #tpu.memory_space<vmem>>
        %dma_wait3A_193 = tpu.memref_squeeze %dma_wait3A_192 : memref<1x1x1024xf32, #tpu.memory_space<vmem>> -> memref<1024xf32, #tpu.memory_space<vmem>>
        tpu.wait_dma2 semaphore(%arg8 : memref<!tpu.dma_semaphore, #tpu.memory_space<semaphore_mem>>) src(%dma_wait3A_193 : memref<1024xf32, #tpu.memory_space<vmem>>) dst(%dma_wait3A_190 : memref<1024xf32, #tpu.memory_space<hbm>>)
      }
      %scan3A_176 = arith.constant 8 : i32
    } else {
    }
    return
  }
}

</mosaic_0001>

<sc_bundles>
// kernel: _detile.3.cloned.1.call-start
scs
__scs_entry_jumppad:
0x0: {  	(pc) =	sbr.rel $0x88, $3  }
0x1: {  	(tag) =	ssettag $0x0;
	lr =	simm.s32 $0x1  }
0x2: {  	[smem:$0x3F9F] =	sst lr;
	_ =	strace $0xD0000000  }
0x3: {  	_ = 	snop  }
0x4: {  	_ = 	snop  }
0x5: {  	_ = 	snop  }
0x6: {  	_ = 	snop  }
0x7: {  	_ = 	snop  }
__scs_overlays_trampoline_lowered:
0x8: {  	[smem:$0x3FAE] =	sst s0  }
0x9: {  	[smem:$0x3FAF] =	sst s1  }
0xa: {  	[smem:$0x3FB0] =	sst s2  }
0xb: {  	[smem:$0x3FB1] =	sst s3  }
0xc: {  	[smem:$0x3FB2] =	sst s4  }
0xd: {  	[smem:$0x3FB3] =	sst s5  }
0xe: {  	[smem:$0x3FB4] =	sst s6  }
0xf: {  	[smem:$0x3FB5] =	sst s7  }
0x10: {  	[smem:$0x3FB6] =	sst s8  }
0x11: {  	[smem:$0x3FB7] =	sst s9;
	s0 =	simm.s32 @!p0 $0x0  }
0x12: {  	s1 =	sld [smem:$0x3F9D];
	s0 =	simm.s32 @p0 $0x1  }
0x13: {  	[smem:$0x3FB8] =	sst s0;
	s0 =	simm.s32 @!p1 $0x0  }
0x14: {  	s2 =	sld [smem:$0x3F9C];
	s0 =	simm.s32 @p1 $0x1  }
0x15: {  	[smem:$0x3FB9] =	sst s0;
	s0 =	simm.s32 @!p2 $0x0  }
0x16: {  	s3 =	sld [smem:$0x3FDB];
	s0 =	simm.s32 @p2 $0x1  }
0x17: {  	s4 =	simm.s32 $0x1BF5;
	[smem:$0x3FBB] =	sst s0  }
0x18: {  	s0 =	sld [smem:$0x3F9E];
	_ =	swait.ge [sflag:s4], $0x0  }
0x19: {  	s7 =	sld [smem:$0x3F9F]  }
0x1a: {  	s8 =	sadd.s32 $0xFFFFE003, lr  }
0x1b: {  	s9 =	sadd.s32 $0xFFFFFEF7, lr;
	s5 =	simm.s32 $0xFFFFFFFF;
	p2 =	slt.u32 s8, $0xFFFFF086  }
0x1c: {  	p1 =	slt.u32 s9, $0xF7A;
	s5 =	simm.s32 @!p2 $0x0  }
0x1d: {  	s5 =	simm.s32 @p1 $0x1;
	p0 =	seq.s32 s7, s2  }
0x1e: {  	s7 =	smul.u32 @!p0 $0xF7A, s2;
	p2 =	seq.s32 @!p0 s5, $0x0  }
0x1f: {  	s9 =	smul.u32 $0xF7A, s1;
	s8 =	simm.s32 @!p0 $0x1BF5;
	p2 =	por !p2, p0  }
0x20: {  	[sflag:s8] =	ssyncset.s32 @!p0 $0xFFFFF086;
	s6 =	sadd.s32 @!p0 s3, s7;
	s7 =	simm.s32 @!p0 $0x108  }
0x21: {  	s3 =	sadd.s32 s3, s9;
	s6 =	sadd.s32 @!p0 $0x88, s6;
	s7 =	simm.s32 @p2 $0x1082  }
0x22: {  	[simem:s7], [sflag:s8] =	dma.local @!p0 [hbm:s6], $0xF7A  }
0x23: {  	s9 =	sor.u32 $0xD0000000, s2;
	s6 =	simm.s32 $0x108;
	_ =	swait.ge @!p0 [sflag:s8], $0x0  }
0x24: {  	s3 =	sadd.s32 $0x88, s3;
	s6 =	simm.s32 @!p1 $0x1082;
	[sflag:s4] =	ssyncset.s32 $0xFFFFF086  }
0x25: {  	[simem:s6], [sflag:s4] =	dma.local [hbm:s3], $0xF7A  }
0x26: {  	[smem:$0x3F9F] =	sst s1;
	(tag) =	ssettag s2;
	_ =	strace s9  }
0x27: {  	s1 =	sld [smem:$0x3FAF]  }
0x28: {  	s2 =	sld [smem:$0x3FB0]  }
0x29: {  	s4 =	sld [smem:$0x3FB2]  }
0x2a: {  	p0 =	seq.s32 s5, $0x0;
	s5 =	sld [smem:$0x3FB3]  }
0x2b: {  	s6 =	sld [smem:$0x3FB4]  }
0x2c: {  	s7 =	sld [smem:$0x3FB5]  }
0x2d: {  	s3 =	simm.s32 $0x108;
	s8 =	sld [smem:$0x3FB6]  }
0x2e: {  	s3 =	simm.s32 @!p0 $0x1082;
	s9 =	sld [smem:$0x3FB7]  }
0x2f: {  	lr =	sadd.s32 s0, s3;
	s0 =	sld [smem:$0x3FAE]  }
0x30: {  	s3 =	sld [smem:$0x3FB1]  }
0x31: {  	[smem:$0x3FBA] =	sst s10  }
0x32: {  	s10 =	sld [smem:$0x3FB8];
	_ =	sdelay $0x3  }
0x33: {  	p0 =	seq.s32 s10, $0x1;
	s10 =	sld [smem:$0x3FBA];
	_ =	sdelay $0x3  }
0x34: {  	[smem:$0x3FBA] =	sst s10  }
0x35: {  	s10 =	sld [smem:$0x3FB9];
	_ =	sdelay $0x3  }
0x36: {  	p1 =	seq.s32 s10, $0x1;
	s10 =	sld [smem:$0x3FBA];
	_ =	sdelay $0x3  }
0x37: {  	[smem:$0x3FBA] =	sst s10  }
0x38: {  	s10 =	sld [smem:$0x3FBB]  }
0x39: {  	_ = 	snop;
	(pc) =	sbr.ind lr, $3  }
0x3a: {  	_ = 	snop  }
0x3b: {  	_ = 	snop  }
0x3c: {  	p2 =	seq.s32 s10, $0x1;
	s10 =	sld [smem:$0x3FBA]  }
0x3d: {  	_ =	shalt  }
0x3e: {  	_ =	shalt  }
0x3f: {  	_ =	shalt  }
0x40: {  	_ =	shalt  }
0x41: {  	_ =	shalt  }
0x42: {  	_ =	shalt  }
0x43: {  	_ =	shalt  }
0x44: {  	_ =	shalt  }
0x45: {  	_ =	shalt  }
0x46: {  	_ =	shalt  }
0x47: {  	_ =	shalt  }
0x48: {  	_ =	shalt  }
0x49: {  	_ =	shalt  }
0x4a: {  	_ =	shalt  }
0x4b: {  	_ =	shalt  }
0x4c: {  	_ =	shalt  }
0x4d: {  	_ =	shalt  }
0x4e: {  	_ =	shalt  }
0x4f: {  	_ =	shalt  }
0x50: {  	_ =	shalt  }
0x51: {  	_ =	shalt  }
0x52: {  	_ =	shalt  }
0x53: {  	_ =	shalt  }
0x54: {  	_ =	shalt  }
0x55: {  	_ =	shalt  }
0x56: {  	_ =	shalt  }
0x57: {  	_ =	shalt  }
0x58: {  	_ =	shalt  }
0x59: {  	_ =	shalt  }
0x5a: {  	_ =	shalt  }
0x5b: {  	_ =	shalt  }
0x5c: {  	_ =	shalt  }
0x5d: {  	_ =	shalt  }
0x5e: {  	_ =	shalt  }
0x5f: {  	_ =	shalt  }
0x60: {  	_ =	shalt  }
0x61: {  	_ =	shalt  }
0x62: {  	_ =	shalt  }
0x63: {  	_ =	shalt  }
0x64: {  	_ =	shalt  }
0x65: {  	_ =	shalt  }
0x66: {  	_ =	shalt  }
0x67: {  	_ =	shalt  }
0x68: {  	_ =	shalt  }
0x69: {  	_ =	shalt  }
0x6a: {  	_ =	shalt  }
0x6b: {  	_ =	shalt  }
0x6c: {  	_ =	shalt  }
0x6d: {  	_ =	shalt  }
0x6e: {  	_ =	shalt  }
0x6f: {  	_ =	shalt  }
0x70: {  	_ =	shalt  }
0x71: {  	_ =	shalt  }
0x72: {  	_ =	shalt  }
0x73: {  	_ =	shalt  }
0x74: {  	_ =	shalt  }
0x75: {  	_ =	shalt  }
0x76: {  	_ =	shalt  }
0x77: {  	_ =	shalt  }
0x78: {  	_ =	shalt  }
0x79: {  	_ =	shalt  }
0x7a: {  	_ =	shalt  }
0x7b: {  	_ =	shalt  }
0x7c: {  	_ =	shalt  }
0x7d: {  	_ =	shalt  }
0x7e: {  	_ =	shalt  }
0x7f: {  	_ =	shalt  }
0x80: {  	_ =	shalt  }
0x81: {  	_ =	shalt  }
0x82: {  	_ =	shalt  }
0x83: {  	_ =	shalt  }
0x84: {  	_ =	shalt  }
0x85: {  	_ =	shalt  }
0x86: {  	_ =	shalt  }
0x87: {  	_ =	shalt  }
.Lfunc_end0:
.L_simem_size_0:
called_computation_lowered:
.L_overlay_start_0:
0x88: {  	s2 =	sld [smem:$0x3FD9]  }
0x89: {  	s3 =	sld [smem:$0x3FFE];
	_ =	sdelay $0x1  }
0x8a: {  	s1 =	srdreg.scid  }
0x8b: {  	s0 =	sand.u32 $0x1, s1  }
0x8c: {  	s18 =	sshll.u32 s0, $0xA;
	s2 =	sadd.s32 s3, s2  }
0x8d: {  	s2 =	sadd.s32 s2, s18  }
0x8e: {  	[smem:$0x3FC6] =	sst s2  }
0x8f: {  	_ = 	snop  }
0x90: {  	s2 =	sld [smem:$0x3FC9]  }
0x91: {  	s19 =	sld [smem:$0x3FC8]  }
0x92: {  	s4 =	sld [smem:$0x3FD0];
	(tm) =	ssettm $0x1  }
0x93: {  	s5 =	sld [smem:$0x3FFB];
	_ =	sdelay $0x3  }
0x94: {  	_ =	strace s5  }
0x95: {  	s5 =	sld [smem:$0x3FFC];
	_ =	sdelay $0x3  }
0x96: {  	_ =	strace s5  }
0x97: {  	s5 =	sld [smem:$0x3FFD];
	_ =	sdelay $0x3  }
0x98: {  	_ =	strace s5  }
0x99: {  	_ =	strace $0x8FFFFFFF  }
0x9a: {  	s20 =	sld [smem:$0x3FDB];
	_ =	sdelay $0x1  }
0x9b: {  	s6 =	simm.s32 $_scs_section_size  }
0x9c: {  	s7 =	simm.s32 $_size__tile_overlayer_lowered;
	s8 =	simm.s32 $_tile_overlayer_lowered  }
0x9d: {  	s23 =	simm.s32 $0x1BFF;
	s22 =	sshll.u32 s8, $0x1;
	s5 =	sadd.s32 s6, s20  }
0x9e: {  	s9 =	simm.s32 $0x0;
	s21 =	sshll.u32 s7, $0x1;
	s7 =	sadd.s32 s22, s5  }
0x9f: {  	[timem:s9], [sflag:s23] =	dma.local [hbm:s7], s21  }
0xa0: {  	_ =	swait.ge [sflag:s23], s21  }
0xa1: {  	s6 =	ssub.s32 $0x0, s21;
	[sflag:s23] =	ssyncset.done $0x0  }
0xa2: {  	[sflag:s23] =	ssyncadd.s32 s6;
	_ =	sdelay $0x1  }
0xa3: {  	s24 =	simm.s32 $0x1B8B  }
0xa4: {  	_ =	swait.ge [sflag:s24], $0x1  }
0xa5: {  	[sflag:s24] =	ssyncset.done $0x0  }
0xa6: {  	s25 =	simm.s32 $0x1B8E;
	[sflag:s24] =	ssyncadd.s32 $0xFFFFFFFF  }
0xa7: {  	s26 =	simm.s32 $execute0_lowered;
	[smem:$0x3FD2] =	sst s25  }
0xa8: {  	s6 =	sshll.u32 s26, $0x1;
	_ =	strace $0x80000046;
	[dreg:$0x1] =	wrdreg $0xFFFFFFFF  }
0xa9: {  	s28 =	simm.s32 $_size_execute0_lowered;
	s5 =	sadd.s32 s5, s6;
	[dreg:$0x0] =	wrdreg $0x0  }
0xaa: {  	s6 =	sshll.u32 s28, $0x1;
	[dreg:$0x2] =	wrdreg s5  }
0xab: {  	[dreg:$0x3] =	wrdreg s6  }
0xac: {  	[dreg:$0x4] =	wrdreg $0xC0  }
0xad: {  	_ =	task [dreg:s9], $0x5FFFF  }
0xae: {  	[dreg:$0x1] =	wrdreg $0xFFFFFFFF  }
0xaf: {  	[dreg:$0x0] =	wrdreg $0x60  }
0xb0: {  	[dreg:$0x2] =	wrdreg s2  }
0xb1: {  	[dreg:$0x3] =	wrdreg s19  }
0xb2: {  	[dreg:$0x4] =	wrdreg s4  }
0xb3: {  	[dreg:$0x5] =	wrdreg $0x9  }
0xb4: {  	_ =	task.clear_ibuf [dreg:s9], $0x6FFFF;
	_ =	strace $0x90000046  }
0xb5: {  	s29 =	simm.s32 $0x9;
	_ =	strace $0x80000048  }
0xb6: {  	_ =	swait.ge [sflag:s29], $0x1  }
0xb7: {  	[sflag:s29] =	ssyncadd.s32 $0xFFFFFFFF  }
0xb8: {  	_ =	strace $0x90000048  }
0xb9: {  	_ =	sfence  }
0xba: {  	s30 =	sld [smem:$0x0];
	_ =	sdelay $0x2  }
0xbb: {  	s31 =	sshll.u32 s1, $0xD;
	s1 =	sshrl.u32 s1, $0x2  }
0xbc: {  	s3 =	sand.u32 $0x4000, s31;
	s1 =	sadd.s32 s1, s30  }
0xbd: {  	s0 =	sor.u32 s3, s0;
	s1 =	sshll.u32 s1, $0x11  }
0xbe: {  	s0 =	sor.u32 s1, s0  }
0xbf: {  	s0 =	sadd.s32 $0x8F2B, s0  }
0xc0: {  	[sflag:s0] =	ssyncadd.remote.s32 $0x1  }
0xc1: {  	_ =	sfence.sel $0xFFFF  }
0xc2: {  	[dreg:$0x0] =	wrdreg $0xFFFFFFFF;
	(pc) =	sbr.abs _section_cstart, $3  }
0xc3: {  	[dreg:$0x1] =	wrdreg $0xFFFFFFFF  }
0xc4: {  	_ =	task.clear_ibuf [dreg:s9], $0x2FFFF;
	_ =	strace $0x9FFFFFFF  }
0xc5: {  	(tm) =	ssettm $0x7FFFFFFF  }
tec
execute0_lowered:
.L_overlay_start_1:
0x0: {  	(tag) =	ssettag $0x1  }
0x1: {  	s1 =	rddreg [dreg:$0x0]  }
0x2: {  	s0 =	rddreg [dreg:$0x1]  }
0x3: {  	s2 =	rddreg [dreg:$0x2]  }
0x4: {  	s4 =	simm.s32 $0x0;
	s3 =	srdreg.scid;
	s17 =	stileid.u32  }
0x5: {  	s21 =	simm.s32 $0x1;
	s22 =	simm.s32 $0x3;
	[smem:$0x7FF] =	sst s4  }
0x6: {  	s3 =	sand.u32 $0x1, s3;
	s12 =	sshll.u32 s17, $0xF;
	s10 =	ssub.s32 $0xF3, s17  }
0x7: {  	p0 =	sne.s32 s17, $0xF;
	_ =	strace $0x80000047;
	s7 =	ssub.s32 $0x2, s3  }
0x8: {  	s5 =	sshll.u32 s3, $0x4;
	s9 =	smul.u32 $0xF42800, s3;
	s15 =	sor.u32 $0x80000, s12  }
0x9: {  	s25 =	sshll.u32 s3, $0xB;
	s3 =	smul.u32 $0x1E8800, s3;
	s8 =	sshrl.u32 s7, $0x1  }
0xa: {  	s6 =	sor.u32 $0x8, s5;
	s13 =	ssub.s32 s7, s8;
	s7 =	sadd.s32 s12, s9  }
0xb: {  	s23 =	sshrl.u32 s6, $0x3;
	s8 =	sshrl.u32 s10, $0x4;
	s10 =	sshll.u32 s17, $0xC  }
0xc: {  	s28 =	sshll.u32 s6, $0x7;
	s29 =	sadd.s32 s3, s2;
	s3 =	simm.s32 $0x0  }
0xd: {  	s11 =	sshrl.u32 s7, $0x3;
	s30 =	smax.u32 s13, $0x1;
	[dreg:$0x4] =	wrdreg s7  }
0xe: {  	s14 =	smul.u32 $0x7A1400, s23;
	s31 =	sadd.s32 $0x1E800, s29;
	[dreg:$0x9] =	wrdreg s30  }
0xf: {  	s24 =	sadd.s32 s1, s11;
	s11 =	sadd.s32 s9, s15;
	[dreg:$0xa] =	wrdreg s31  }
.Ltmp0:
0x10: {  	s9 =	sadd.s32 s0, s25;
	[dreg:$0x5] =	wrdreg s24;
	(pc) =	sbr.rel .LBB2_1-.Ltmp0, $4  }
0x11: {  	s0 =	sadd.s32 s0, s28;
	s12 =	sadd.s32 s12, s14;
	[dreg:$0x6] =	wrdreg s9  }
0x12: {  	[dreg:$0x8] =	wrdreg s0;
	s0 =	sadd.s32 $0x112C00, s29;
	s16 =	sshrl.u32 s12, $0x3  }
0x13: {  	s18 =	sor.u32 $0x10000, s10;
	[dreg:$0xb] =	wrdreg s0;
	s26 =	sadd.s32 s1, s16  }
0x14: {  	s23 =	simm.s32 $0x2;
	s15 =	sadd.s32 s14, s15;
	[dreg:$0x7] =	wrdreg s26  }
.LBB2_25:
0x15: {  	s3 =	sadd.s32 $0x1, s3;
	s0 =	rddreg [dreg:$0x9]  }
0x16: {  	p1 =	sne.s32 s3, s0  }
.Ltmp1:
0x17: {  	_ = 	snop;
	(pc) =	sbr.rel @!p1 .LBB2_26-.Ltmp1, $2  }
0x18: {  	_ =	sdelay $0x2  }
0x19: {  	s7 =	rddreg [dreg:$0x4]  }
.LBB2_1:
.Ltmp2:
0x1a: {  	(pc) =	sbr.rel .LBB2_2-.Ltmp2, $4  }
0x1b: {  	_ = 	snop  }
0x1c: {  	[dreg:$0xc] =	wrdreg s3  }
0x1d: {  	s0 =	rddreg [dreg:$0x5];
	s25 =	simm.s32 $0x0  }
0x1e: {  	[tilespmem:s4], [sflag:$0x1] =	stream.linear.gather [hbm4b:s0+s4], $0x8000, $0x38;
	[tilespmem:$0x10000] =	vst v63  }
.LBB2_8:
0x1f: {  	s25 =	sadd.s32 $0x1, s25  }
0x20: {  	p1 =	sne.s32 s25, $0x8  }
.Ltmp3:
0x21: {  	_ = 	snop;
	(pc) =	sbr.rel @!p1 .LBB2_9-.Ltmp3, $1  }
0x22: {  	_ =	sdelay $0x3  }
.LBB2_2:
0x23: {  	s28 =	sshll.u32 s25, $0x1  }
0x24: {  	p1 =	sge.u32 s28, s8  }
0x25: {  	_ =	swait.ge [sflag:s21], $0x8000;
	s26 =	sshll.u32 s25, $0x11;
	s0 =	sshll.u32 @!p1 s25, $0x14  }
0x26: {  	s17 =	simm.s32 $0x0;
	[sflag:s21] =	ssyncset.done $0x0;
	s0 =	sadd.s32 @!p1 s0, s11  }
0x27: {  	s19 =	sadd.s32 $0x0, s5;
	[sflag:s21] =	ssyncadd.s32 $0xFFFF8000;
	s0 =	sshrl.u32 @!p1 s0, $0x3  }
0x28: {  	s3 =	simm.s32 @!p1 $0x0;
	s9 =	simm.s32 @!p1 $0x8000;
	s0 =	sadd.s32 @!p1 s1, s0  }
0x29: {  	[tilespmem:s9], [sflag:$0x2] =	stream.linear.gather @!p1 [hbm4b:s0+s3], $0x8000, $0x38;
	[tilespmem:$0x10000] =	vst v63  }
0x2a: {  	s29 =	sor.u32 s10, s26;
	s0 =	sand.u32 $0xC00, s17;
	s3 =	smul.u32 $0xF4400, s19  }
0x2b: {  	s13 =	simm.s32 $0x0;
	s20 =	sor.u32 s0, s29  }
0x2c: {  	s24 =	sand.u32 $0x3FFFFF80, s13;
	s0 =	sshll.u32 s0, $0x3;
	s3 =	sadd.s32 s3, s20  }
0x2d: {  	s30 =	sadd.s32 s24, s0;
	s3 =	sshrl.u32 s3, $0x3  }
0x2e: {  	s19 =	simm.s32 $0x400;
	s0 =	sadd.s32 $0x400, s30;
	s31 =	sadd.s32 s2, s3  }
0x2f: {  	[hbm4b:s31+s4] =	stream.linear.scatter [tilespmem:s30], [sflag:$0x3], $0x80, $0x38;
	[tilespmem:$0x10000] =	vst v63  }
0x30: {  	s13 =	sadd.s32 $0xC00, s30;
	s16 =	sadd.s32 $0x1000, s30;
	s3 =	sadd.s32 $0x10, s31  }
0x31: {  	[hbm4b:s3+s4] =	stream.linear.scatter [tilespmem:s0], [sflag:$0x3], $0x80, $0x38;
	[tilespmem:$0x10000] =	vst v63  }
0x32: {  	s20 =	sadd.s32 $0x1400, s30;
	s9 =	sadd.s32 $0x20, s31;
	s3 =	sadd.s32 $0x800, s30  }
0x33: {  	[hbm4b:s9+s4] =	stream.linear.scatter [tilespmem:s3], [sflag:$0x3], $0x80, $0x38;
	[tilespmem:$0x10000] =	vst v63  }
0x34: {  	s14 =	sadd.s32 $0x30, s31;
	s17 =	sadd.s32 $0x40, s31;
	s24 =	sadd.s32 $0x50, s31  }
0x35: {  	[hbm4b:s14+s4] =	stream.linear.scatter [tilespmem:s13], [sflag:$0x3], $0x80, $0x38;
	[tilespmem:$0x10000] =	vst v63  }
0x36: {  	s0 =	simm.s32 $0x800;
	s3 =	sand.u32 $0xC00, s19;
	s9 =	sadd.s32 $0x0, s5  }
0x37: {  	[hbm4b:s17+s4] =	stream.linear.scatter [tilespmem:s16], [sflag:$0x3], $0x80, $0x38;
	[tilespmem:$0x10000] =	vst v63  }
0x38: {  	s13 =	sadd.s32 $0x1800, s30;
	s14 =	simm.s32 $0x20;
	s16 =	simm.s32 $0x2  }
0x39: {  	[hbm4b:s24+s4] =	stream.linear.scatter [tilespmem:s20], [sflag:$0x3], $0x80, $0x38;
	[tilespmem:$0x10000] =	vst v63  }
.LBB2_3:
0x3a: {  	s17 =	sand.u32 $0xC00, s0  }
0x3b: {  	s14 =	sand.u32 $0x3FFFFF80, s14;
	s19 =	sadd.s32 $0x60, s31;
	s20 =	smov.u32 s16  }
0x3c: {  	s9 =	smul.u32 $0xF4400, s9;
	s24 =	sor.u32 s3, s29;
	s3 =	sshll.u32 s3, $0x3  }
0x3d: {  	[hbm4b:s19+s4] =	stream.linear.scatter [tilespmem:s13], [sflag:$0x3], $0x80, $0x38;
	[tilespmem:$0x10000] =	vst v63  }
0x3e: {  	s9 =	sadd.s32 s9, s24;
	s13 =	sadd.s32 $0x1C00, s30;
	s19 =	sadd.s32 $0x70, s31  }
0x3f: {  	s24 =	sadd.s32 $0x1, s16;
	s30 =	sadd.s32 s14, s3;
	s9 =	sshrl.u32 s9, $0x3  }
0x40: {  	[hbm4b:s19+s4] =	stream.linear.scatter [tilespmem:s13], [sflag:$0x3], $0x80, $0x38;
	[tilespmem:$0x10000] =	vst v63  }
0x41: {  	p2 =	sne.s32 s16, $0x1F;
	s31 =	sadd.s32 s2, s9;
	s9 =	sadd.s32 $0x400, s30  }
0x42: {  	[hbm4b:s31+s4] =	stream.linear.scatter [tilespmem:s30], [sflag:$0x3], $0x80, $0x38;
	[tilespmem:$0x10000] =	vst v63  }
0x43: {  	s3 =	smov.u32 s17;
	s14 =	sadd.s32 $0x800, s30;
	s13 =	sadd.s32 $0x10, s31  }
0x44: {  	[hbm4b:s13+s4] =	stream.linear.scatter [tilespmem:s9], [sflag:$0x3], $0x80, $0x38;
	[tilespmem:$0x10000] =	vst v63  }
0x45: {  	s0 =	sadd.s32 $0x400, s0;
	s9 =	sadd.s32 $0x20, s31  }
0x46: {  	[hbm4b:s9+s4] =	stream.linear.scatter [tilespmem:s14], [sflag:$0x3], $0x80, $0x38;
	[tilespmem:$0x10000] =	vst v63  }
0x47: {  	s13 =	sadd.s32 $0x30, s31;
	s9 =	sadd.s32 $0xC00, s30;
	s14 =	sadd.s32 $0x40, s31  }
0x48: {  	[hbm4b:s13+s4] =	stream.linear.scatter [tilespmem:s9], [sflag:$0x3], $0x80, $0x38;
	[tilespmem:$0x10000] =	vst v63  }
.Ltmp4:
0x49: {  	s9 =	sadd.s32 $0x1000, s30;
	s13 =	sadd.s32 $0x1800, s30;
	(pc) =	sbr.rel @p2 .LBB2_3-.Ltmp4, $4  }
0x4a: {  	[hbm4b:s14+s4] =	stream.linear.scatter [tilespmem:s9], [sflag:$0x3], $0x80, $0x38;
	[tilespmem:$0x10000] =	vst v63  }
0x4b: {  	s16 =	sadd.s32 $0x50, s31;
	s9 =	sshrl.u32 s20, $0x2;
	s14 =	sadd.s32 $0x1400, s30  }
0x4c: {  	[hbm4b:s16+s4] =	stream.linear.scatter [tilespmem:s14], [sflag:$0x3], $0x80, $0x38;
	[tilespmem:$0x10000] =	vst v63  }
0x4d: {  	s9 =	sadd.s32 s5, s9;
	s14 =	sshll.u32 s20, $0x5;
	s16 =	smov.u32 s24  }
0x4e: {  	s0 =	sadd.s32 $0x60, s31;
	s9 =	smul.u32 $0xF4400, s9;
	s16 =	sor.u32 s3, s29  }
0x4f: {  	[hbm4b:s0+s4] =	stream.linear.scatter [tilespmem:s13], [sflag:$0x3], $0x80, $0x38;
	[tilespmem:$0x10000] =	vst v63  }
0x50: {  	s19 =	sand.u32 $0x3FFFFF80, s14;
	s20 =	sshll.u32 s3, $0x3;
	s9 =	sadd.s32 s9, s16  }
0x51: {  	s24 =	sadd.s32 $0x1C00, s30;
	s29 =	sadd.s32 $0x70, s31;
	s9 =	sshrl.u32 s9, $0x3  }
0x52: {  	[hbm4b:s29+s4] =	stream.linear.scatter [tilespmem:s24], [sflag:$0x3], $0x80, $0x38;
	[tilespmem:$0x10000] =	vst v63  }
0x53: {  	s0 =	sadd.s32 s19, s20;
	s3 =	sadd.s32 s2, s9  }
0x54: {  	[hbm4b:s3+s4] =	stream.linear.scatter [tilespmem:s0], [sflag:$0x3], $0x80, $0x38;
	[tilespmem:$0x10000] =	vst v63  }
0x55: {  	s30 =	sadd.s32 $0x400, s0;
	s31 =	sadd.s32 $0x10, s3  }
0x56: {  	[hbm4b:s31+s4] =	stream.linear.scatter [tilespmem:s30], [sflag:$0x3], $0x80, $0x38;
	[tilespmem:$0x10000] =	vst v63  }
0x57: {  	s13 =	sadd.s32 $0x800, s0;
	s14 =	sadd.s32 $0x20, s3  }
0x58: {  	[hbm4b:s14+s4] =	stream.linear.scatter [tilespmem:s13], [sflag:$0x3], $0x80, $0x38;
	[tilespmem:$0x10000] =	vst v63  }
0x59: {  	s16 =	sadd.s32 $0xC00, s0;
	s17 =	sadd.s32 $0x30, s3  }
0x5a: {  	[hbm4b:s17+s4] =	stream.linear.scatter [tilespmem:s16], [sflag:$0x3], $0x80, $0x38;
	[tilespmem:$0x10000] =	vst v63  }
0x5b: {  	s19 =	sadd.s32 $0x1000, s0;
	s20 =	sadd.s32 $0x40, s3  }
0x5c: {  	[hbm4b:s20+s4] =	stream.linear.scatter [tilespmem:s19], [sflag:$0x3], $0x80, $0x38;
	[tilespmem:$0x10000] =	vst v63  }
0x5d: {  	s24 =	sadd.s32 $0x1400, s0;
	s29 =	sadd.s32 $0x50, s3  }
0x5e: {  	[hbm4b:s29+s4] =	stream.linear.scatter [tilespmem:s24], [sflag:$0x3], $0x80, $0x38;
	[tilespmem:$0x10000] =	vst v63  }
0x5f: {  	s30 =	sadd.s32 $0x1800, s0;
	s31 =	sadd.s32 $0x60, s3  }
0x60: {  	[hbm4b:s31+s4] =	stream.linear.scatter [tilespmem:s30], [sflag:$0x3], $0x80, $0x38;
	[tilespmem:$0x10000] =	vst v63  }
0x61: {  	s0 =	sadd.s32 $0x1C00, s0;
	s3 =	sadd.s32 $0x70, s3  }
0x62: {  	[hbm4b:s3+s4] =	stream.linear.scatter [tilespmem:s0], [sflag:$0x3], $0x80, $0x38;
	[tilespmem:$0x10000] =	vst v63  }
0x63: {  	_ =	swait.ge [sflag:s22], $0x400  }
0x64: {  	[sflag:s22] =	ssyncset.done $0x0  }
0x65: {  	[sflag:s22] =	ssyncadd.s32 $0xFFFFFC00  }
0x66: {  	_ =	swait.ge [sflag:s22], $0x400  }
0x67: {  	[sflag:s22] =	ssyncset.done $0x0  }
0x68: {  	[sflag:s22] =	ssyncadd.s32 $0xFFFFFC00  }
0x69: {  	_ =	swait.ge [sflag:s22], $0x400  }
0x6a: {  	[sflag:s22] =	ssyncset.done $0x0  }
0x6b: {  	[sflag:s22] =	ssyncadd.s32 $0xFFFFFC00  }
0x6c: {  	_ =	swait.ge [sflag:s22], $0x400  }
0x6d: {  	[sflag:s22] =	ssyncset.done $0x0  }
0x6e: {  	[sflag:s22] =	ssyncadd.s32 $0xFFFFFC00  }
0x6f: {  	_ =	swait.ge [sflag:s22], $0x400  }
0x70: {  	[sflag:s22] =	ssyncset.done $0x0  }
0x71: {  	[sflag:s22] =	ssyncadd.s32 $0xFFFFFC00  }
0x72: {  	_ =	swait.ge [sflag:s22], $0x400  }
0x73: {  	[sflag:s22] =	ssyncset.done $0x0  }
0x74: {  	[sflag:s22] =	ssyncadd.s32 $0xFFFFFC00  }
0x75: {  	_ =	swait.ge [sflag:s22], $0x400  }
0x76: {  	[sflag:s22] =	ssyncset.done $0x0  }
0x77: {  	[sflag:s22] =	ssyncadd.s32 $0xFFFFFC00  }
0x78: {  	_ =	swait.ge [sflag:s22], $0x400  }
0x79: {  	[sflag:s22] =	ssyncset.done $0x0  }
0x7a: {  	[sflag:s22] =	ssyncadd.s32 $0xFFFFFC00  }
0x7b: {  	_ =	swait.ge [sflag:s22], $0x400  }
0x7c: {  	[sflag:s22] =	ssyncset.done $0x0  }
0x7d: {  	[sflag:s22] =	ssyncadd.s32 $0xFFFFFC00  }
0x7e: {  	_ =	swait.ge [sflag:s22], $0x400  }
0x7f: {  	[sflag:s22] =	ssyncset.done $0x0  }
0x80: {  	[sflag:s22] =	ssyncadd.s32 $0xFFFFFC00  }
0x81: {  	_ =	swait.ge [sflag:s22], $0x400  }
0x82: {  	[sflag:s22] =	ssyncset.done $0x0  }
0x83: {  	[sflag:s22] =	ssyncadd.s32 $0xFFFFFC00  }
0x84: {  	_ =	swait.ge [sflag:s22], $0x400  }
0x85: {  	[sflag:s22] =	ssyncset.done $0x0  }
0x86: {  	[sflag:s22] =	ssyncadd.s32 $0xFFFFFC00  }
0x87: {  	_ =	swait.ge [sflag:s22], $0x400  }
0x88: {  	[sflag:s22] =	ssyncset.done $0x0  }
0x89: {  	[sflag:s22] =	ssyncadd.s32 $0xFFFFFC00  }
0x8a: {  	_ =	swait.ge [sflag:s22], $0x400  }
0x8b: {  	[sflag:s22] =	ssyncset.done $0x0  }
0x8c: {  	[sflag:s22] =	ssyncadd.s32 $0xFFFFFC00  }
0x8d: {  	_ =	swait.ge [sflag:s22], $0x400  }
0x8e: {  	[sflag:s22] =	ssyncset.done $0x0  }
0x8f: {  	[sflag:s22] =	ssyncadd.s32 $0xFFFFFC00  }
0x90: {  	_ =	swait.ge [sflag:s22], $0x400  }
0x91: {  	[sflag:s22] =	ssyncset.done $0x0  }
0x92: {  	[sflag:s22] =	ssyncadd.s32 $0xFFFFFC00  }
0x93: {  	_ =	swait.ge [sflag:s22], $0x400  }
0x94: {  	[sflag:s22] =	ssyncset.done $0x0  }
0x95: {  	[sflag:s22] =	ssyncadd.s32 $0xFFFFFC00  }
0x96: {  	_ =	swait.ge [sflag:s22], $0x400  }
0x97: {  	[sflag:s22] =	ssyncset.done $0x0  }
0x98: {  	[sflag:s22] =	ssyncadd.s32 $0xFFFFFC00  }
0x99: {  	_ =	swait.ge [sflag:s22], $0x400  }
0x9a: {  	[sflag:s22] =	ssyncset.done $0x0  }
0x9b: {  	[sflag:s22] =	ssyncadd.s32 $0xFFFFFC00  }
0x9c: {  	_ =	swait.ge [sflag:s22], $0x400  }
0x9d: {  	[sflag:s22] =	ssyncset.done $0x0  }
0x9e: {  	[sflag:s22] =	ssyncadd.s32 $0xFFFFFC00  }
0x9f: {  	_ =	swait.ge [sflag:s22], $0x400  }
0xa0: {  	[sflag:s22] =	ssyncset.done $0x0  }
0xa1: {  	[sflag:s22] =	ssyncadd.s32 $0xFFFFFC00  }
0xa2: {  	_ =	swait.ge [sflag:s22], $0x400  }
0xa3: {  	[sflag:s22] =	ssyncset.done $0x0  }
0xa4: {  	[sflag:s22] =	ssyncadd.s32 $0xFFFFFC00  }
0xa5: {  	_ =	swait.ge [sflag:s22], $0x400  }
0xa6: {  	[sflag:s22] =	ssyncset.done $0x0  }
0xa7: {  	[sflag:s22] =	ssyncadd.s32 $0xFFFFFC00  }
0xa8: {  	_ =	swait.ge [sflag:s22], $0x400  }
0xa9: {  	[sflag:s22] =	ssyncset.done $0x0  }
0xaa: {  	[sflag:s22] =	ssyncadd.s32 $0xFFFFFC00  }
0xab: {  	_ =	swait.ge [sflag:s22], $0x400  }
0xac: {  	[sflag:s22] =	ssyncset.done $0x0  }
0xad: {  	[sflag:s22] =	ssyncadd.s32 $0xFFFFFC00  }
0xae: {  	_ =	swait.ge [sflag:s22], $0x400  }
0xaf: {  	[sflag:s22] =	ssyncset.done $0x0  }
0xb0: {  	[sflag:s22] =	ssyncadd.s32 $0xFFFFFC00  }
0xb1: {  	_ =	swait.ge [sflag:s22], $0x400  }
0xb2: {  	[sflag:s22] =	ssyncset.done $0x0  }
0xb3: {  	[sflag:s22] =	ssyncadd.s32 $0xFFFFFC00  }
0xb4: {  	_ =	swait.ge [sflag:s22], $0x400  }
0xb5: {  	[sflag:s22] =	ssyncset.done $0x0  }
0xb6: {  	[sflag:s22] =	ssyncadd.s32 $0xFFFFFC00  }
0xb7: {  	_ =	swait.ge [sflag:s22], $0x400  }
0xb8: {  	[sflag:s22] =	ssyncset.done $0x0  }
0xb9: {  	[sflag:s22] =	ssyncadd.s32 $0xFFFFFC00  }
0xba: {  	_ =	swait.ge [sflag:s22], $0x400  }
0xbb: {  	[sflag:s22] =	ssyncset.done $0x0  }
0xbc: {  	[sflag:s22] =	ssyncadd.s32 $0xFFFFFC00  }
0xbd: {  	_ =	swait.ge [sflag:s22], $0x400  }
.Ltmp5:
0xbe: {  	[sflag:s22] =	ssyncset.done $0x0;
	(pc) =	sbr.rel @p1 .LBB2_8-.Ltmp5, $4  }
0xbf: {  	[sflag:s22] =	ssyncadd.s32 $0xFFFFFC00  }
0xc0: {  	_ =	swait.ge [sflag:s22], $0x400  }
0xc1: {  	[sflag:s22] =	ssyncset.done $0x0  }
0xc2: {  	[sflag:s22] =	ssyncadd.s32 $0xFFFFFC00  }
0xc3: {  	s0 =	sadd.s32 $0x2, s28  }
0xc4: {  	p1 =	sgt.u32 s0, s8  }
0xc5: {  	s0 =	sshll.u32 @!p1 s0, $0x13  }
0xc6: {  	_ =	swait.ge [sflag:s23], $0x8000;
	s16 =	simm.s32 $0x0;
	s0 =	sadd.s32 @!p1 s0, s7  }
0xc7: {  	s17 =	sadd.s32 $0x0, s5;
	[sflag:s23] =	ssyncset.done $0x0;
	s0 =	sshrl.u32 @!p1 s0, $0x3  }
0xc8: {  	[sflag:s23] =	ssyncadd.s32 $0xFFFF8000;
	s3 =	simm.s32 @!p1 $0x0;
	s0 =	sadd.s32 @!p1 s1, s0  }
0xc9: {  	[tilespmem:s3], [sflag:$0x1] =	stream.linear.gather @!p1 [hbm4b:s0+s3], $0x8000, $0x38;
	[tilespmem:$0x10000] =	vst v63  }
0xca: {  	s26 =	sor.u32 s18, s26;
	s0 =	sand.u32 $0xC00, s16;
	s3 =	smul.u32 $0xF4400, s17  }
0xcb: {  	s9 =	simm.s32 $0x0;
	s29 =	simm.s32 $0x800;
	s13 =	sor.u32 s26, s0  }
0xcc: {  	s9 =	sand.u32 $0x3FFFFF80, s9;
	s0 =	sshll.u32 s0, $0x3;
	s3 =	sadd.s32 s3, s13  }
0xcd: {  	s17 =	simm.s32 $0x400;
	s16 =	sadd.s32 s9, s0;
	s19 =	sshrl.u32 s3, $0x3  }
0xce: {  	s0 =	simm.s32 $0x2;
	s20 =	sadd.s32 $0x8000, s16;
	s28 =	sadd.s32 s2, s19  }
0xcf: {  	[hbm4b:s28+s4] =	stream.linear.scatter [tilespmem:s20], [sflag:$0x3], $0x80, $0x38;
	[tilespmem:$0x10000] =	vst v63  }
0xd0: {  	s24 =	sadd.s32 $0x8400, s16;
	s3 =	sadd.s32 $0x8800, s16;
	s31 =	sadd.s32 $0x10, s28  }
0xd1: {  	[hbm4b:s31+s4] =	stream.linear.scatter [tilespmem:s24], [sflag:$0x3], $0x80, $0x38;
	[tilespmem:$0x10000] =	vst v63  }
0xd2: {  	s13 =	sadd.s32 $0x8C00, s16;
	s30 =	sadd.s32 $0x9C00, s16;
	s9 =	sadd.s32 $0x20, s28  }
0xd3: {  	[hbm4b:s9+s4] =	stream.linear.scatter [tilespmem:s3], [sflag:$0x3], $0x80, $0x38;
	[tilespmem:$0x10000] =	vst v63  }
0xd4: {  	s19 =	sadd.s32 $0x9000, s16;
	s14 =	sadd.s32 $0x30, s28;
	s20 =	sadd.s32 $0x40, s28  }
0xd5: {  	[hbm4b:s14+s4] =	stream.linear.scatter [tilespmem:s13], [sflag:$0x3], $0x80, $0x38;
	[tilespmem:$0x10000] =	vst v63  }
0xd6: {  	s24 =	sadd.s32 $0x9400, s16;
	s31 =	sadd.s32 $0x50, s28;
	s3 =	sand.u32 $0xC00, s17  }
0xd7: {  	[hbm4b:s20+s4] =	stream.linear.scatter [tilespmem:s19], [sflag:$0x3], $0x80, $0x38;
	[tilespmem:$0x10000] =	vst v63  }
0xd8: {  	s9 =	sadd.s32 $0x0, s5;
	s13 =	sadd.s32 $0x9800, s16;
	s14 =	simm.s32 $0x20  }
0xd9: {  	[hbm4b:s31+s4] =	stream.linear.scatter [tilespmem:s24], [sflag:$0x3], $0x80, $0x38;
	[tilespmem:$0x10000] =	vst v63  }
.LBB2_6:
0xda: {  	s16 =	sand.u32 $0xC00, s29  }
0xdb: {  	s14 =	sand.u32 $0x3FFFFF80, s14;
	s17 =	sadd.s32 $0x60, s28;
	s19 =	smov.u32 s0  }
0xdc: {  	s9 =	smul.u32 $0xF4400, s9;
	s20 =	sor.u32 s26, s3;
	s3 =	sshll.u32 s3, $0x3  }
0xdd: {  	[hbm4b:s17+s4] =	stream.linear.scatter [tilespmem:s13], [sflag:$0x3], $0x80, $0x38;
	[tilespmem:$0x10000] =	vst v63  }
0xde: {  	s9 =	sadd.s32 s9, s20;
	s17 =	sadd.s32 s14, s3;
	s3 =	sadd.s32 $0x70, s28  }
0xdf: {  	p1 =	sne.s32 s0, $0x1F;
	s0 =	sadd.s32 $0x1, s0;
	s9 =	sshrl.u32 s9, $0x3  }
0xe0: {  	[hbm4b:s3+s4] =	stream.linear.scatter [tilespmem:s30], [sflag:$0x3], $0x80, $0x38;
	[tilespmem:$0x10000] =	vst v63  }
0xe1: {  	s28 =	sadd.s32 s2, s9;
	s9 =	sadd.s32 $0x8400, s17;
	s3 =	sadd.s32 $0x8000, s17  }
0xe2: {  	[hbm4b:s28+s4] =	stream.linear.scatter [tilespmem:s3], [sflag:$0x3], $0x80, $0x38;
	[tilespmem:$0x10000] =	vst v63  }
0xe3: {  	s13 =	sadd.s32 $0x10, s28;
	s3 =	smov.u32 s16  }
0xe4: {  	[hbm4b:s13+s4] =	stream.linear.scatter [tilespmem:s9], [sflag:$0x3], $0x80, $0x38;
	[tilespmem:$0x10000] =	vst v63  }
0xe5: {  	s29 =	sadd.s32 $0x400, s29;
	s9 =	sadd.s32 $0x8800, s17;
	s13 =	sadd.s32 $0x20, s28  }
0xe6: {  	[hbm4b:s13+s4] =	stream.linear.scatter [tilespmem:s9], [sflag:$0x3], $0x80, $0x38;
	[tilespmem:$0x10000] =	vst v63  }
0xe7: {  	s14 =	sadd.s32 $0x30, s28;
	s9 =	sadd.s32 $0x8C00, s17;
	s13 =	sadd.s32 $0x9800, s17  }
0xe8: {  	[hbm4b:s14+s4] =	stream.linear.scatter [tilespmem:s9], [sflag:$0x3], $0x80, $0x38;
	[tilespmem:$0x10000] =	vst v63  }
.Ltmp6:
0xe9: {  	s9 =	sadd.s32 $0x9000, s17;
	s14 =	sadd.s32 $0x40, s28;
	(pc) =	sbr.rel @p1 .LBB2_6-.Ltmp6, $4  }
0xea: {  	[hbm4b:s14+s4] =	stream.linear.scatter [tilespmem:s9], [sflag:$0x3], $0x80, $0x38;
	[tilespmem:$0x10000] =	vst v63  }
0xeb: {  	s16 =	sadd.s32 $0x50, s28;
	s9 =	sshrl.u32 s19, $0x2;
	s14 =	sadd.s32 $0x9400, s17  }
0xec: {  	[hbm4b:s16+s4] =	stream.linear.scatter [tilespmem:s14], [sflag:$0x3], $0x80, $0x38;
	[tilespmem:$0x10000] =	vst v63  }
0xed: {  	s30 =	sadd.s32 $0x9C00, s17;
	s9 =	sadd.s32 s5, s9;
	s14 =	sshll.u32 s19, $0x5  }
0xee: {  	s0 =	sadd.s32 $0x60, s28;
	s9 =	smul.u32 $0xF4400, s9;
	s16 =	sor.u32 s26, s3  }
0xef: {  	[hbm4b:s0+s4] =	stream.linear.scatter [tilespmem:s13], [sflag:$0x3], $0x80, $0x38;
	[tilespmem:$0x10000] =	vst v63  }
0xf0: {  	s24 =	sand.u32 $0x3FFFFF80, s14;
	s26 =	sshll.u32 s3, $0x3;
	s9 =	sadd.s32 s9, s16  }
0xf1: {  	s29 =	sadd.s32 $0x70, s28;
	s0 =	sadd.s32 s24, s26;
	s9 =	sshrl.u32 s9, $0x3  }
0xf2: {  	[hbm4b:s29+s4] =	stream.linear.scatter [tilespmem:s30], [sflag:$0x3], $0x80, $0x38;
	[tilespmem:$0x10000] =	vst v63  }
0xf3: {  	s31 =	sadd.s32 $0x8000, s0;
	s3 =	sadd.s32 s2, s9  }
0xf4: {  	[hbm4b:s3+s4] =	stream.linear.scatter [tilespmem:s31], [sflag:$0x3], $0x80, $0x38;
	[tilespmem:$0x10000] =	vst v63  }
0xf5: {  	s13 =	sadd.s32 $0x8400, s0;
	s14 =	sadd.s32 $0x10, s3  }
0xf6: {  	[hbm4b:s14+s4] =	stream.linear.scatter [tilespmem:s13], [sflag:$0x3], $0x80, $0x38;
	[tilespmem:$0x10000] =	vst v63  }
0xf7: {  	s16 =	sadd.s32 $0x8800, s0;
	s17 =	sadd.s32 $0x20, s3  }
0xf8: {  	[hbm4b:s17+s4] =	stream.linear.scatter [tilespmem:s16], [sflag:$0x3], $0x80, $0x38;
	[tilespmem:$0x10000] =	vst v63  }
0xf9: {  	s19 =	sadd.s32 $0x8C00, s0;
	s20 =	sadd.s32 $0x30, s3  }
0xfa: {  	[hbm4b:s20+s4] =	stream.linear.scatter [tilespmem:s19], [sflag:$0x3], $0x80, $0x38;
	[tilespmem:$0x10000] =	vst v63  }
0xfb: {  	s24 =	sadd.s32 $0x9000, s0;
	s26 =	sadd.s32 $0x40, s3  }
0xfc: {  	[hbm4b:s26+s4] =	stream.linear.scatter [tilespmem:s24], [sflag:$0x3], $0x80, $0x38;
	[tilespmem:$0x10000] =	vst v63  }
0xfd: {  	s28 =	sadd.s32 $0x9400, s0;
	s29 =	sadd.s32 $0x50, s3  }
0xfe: {  	[hbm4b:s29+s4] =	stream.linear.scatter [tilespmem:s28], [sflag:$0x3], $0x80, $0x38;
	[tilespmem:$0x10000] =	vst v63  }
0xff: {  	s30 =	sadd.s32 $0x9800, s0;
	s31 =	sadd.s32 $0x60, s3  }
0x100: {  	[hbm4b:s31+s4] =	stream.linear.scatter [tilespmem:s30], [sflag:$0x3], $0x80, $0x38;
	[tilespmem:$0x10000] =	vst v63  }
0x101: {  	s0 =	sadd.s32 $0x9C00, s0;
	s3 =	sadd.s32 $0x70, s3  }
0x102: {  	[hbm4b:s3+s4] =	stream.linear.scatter [tilespmem:s0], [sflag:$0x3], $0x80, $0x38;
	[tilespmem:$0x10000] =	vst v63  }
0x103: {  	_ =	swait.ge [sflag:s22], $0x400  }
0x104: {  	[sflag:s22] =	ssyncset.done $0x0  }
0x105: {  	[sflag:s22] =	ssyncadd.s32 $0xFFFFFC00  }
0x106: {  	_ =	swait.ge [sflag:s22], $0x400  }
0x107: {  	[sflag:s22] =	ssyncset.done $0x0  }
0x108: {  	[sflag:s22] =	ssyncadd.s32 $0xFFFFFC00  }
0x109: {  	_ =	swait.ge [sflag:s22], $0x400  }
0x10a: {  	[sflag:s22] =	ssyncset.done $0x0  }
0x10b: {  	[sflag:s22] =	ssyncadd.s32 $0xFFFFFC00  }
0x10c: {  	_ =	swait.ge [sflag:s22], $0x400  }
0x10d: {  	[sflag:s22] =	ssyncset.done $0x0  }
0x10e: {  	[sflag:s22] =	ssyncadd.s32 $0xFFFFFC00  }
0x10f: {  	_ =	swait.ge [sflag:s22], $0x400  }
0x110: {  	[sflag:s22] =	ssyncset.done $0x0  }
0x111: {  	[sflag:s22] =	ssyncadd.s32 $0xFFFFFC00  }
0x112: {  	_ =	swait.ge [sflag:s22], $0x400  }
0x113: {  	[sflag:s22] =	ssyncset.done $0x0  }
0x114: {  	[sflag:s22] =	ssyncadd.s32 $0xFFFFFC00  }
0x115: {  	_ =	swait.ge [sflag:s22], $0x400  }
0x116: {  	[sflag:s22] =	ssyncset.done $0x0  }
0x117: {  	[sflag:s22] =	ssyncadd.s32 $0xFFFFFC00  }
0x118: {  	_ =	swait.ge [sflag:s22], $0x400  }
0x119: {  	[sflag:s22] =	ssyncset.done $0x0  }
0x11a: {  	[sflag:s22] =	ssyncadd.s32 $0xFFFFFC00  }
0x11b: {  	_ =	swait.ge [sflag:s22], $0x400  }
0x11c: {  	[sflag:s22] =	ssyncset.done $0x0  }
0x11d: {  	[sflag:s22] =	ssyncadd.s32 $0xFFFFFC00  }
0x11e: {  	_ =	swait.ge [sflag:s22], $0x400  }
0x11f: {  	[sflag:s22] =	ssyncset.done $0x0  }
0x120: {  	[sflag:s22] =	ssyncadd.s32 $0xFFFFFC00  }
0x121: {  	_ =	swait.ge [sflag:s22], $0x400  }
0x122: {  	[sflag:s22] =	ssyncset.done $0x0  }
0x123: {  	[sflag:s22] =	ssyncadd.s32 $0xFFFFFC00  }
0x124: {  	_ =	swait.ge [sflag:s22], $0x400  }
0x125: {  	[sflag:s22] =	ssyncset.done $0x0  }
0x126: {  	[sflag:s22] =	ssyncadd.s32 $0xFFFFFC00  }
0x127: {  	_ =	swait.ge [sflag:s22], $0x400  }
0x128: {  	[sflag:s22] =	ssyncset.done $0x0  }
0x129: {  	[sflag:s22] =	ssyncadd.s32 $0xFFFFFC00  }
0x12a: {  	_ =	swait.ge [sflag:s22], $0x400  }
0x12b: {  	[sflag:s22] =	ssyncset.done $0x0  }
0x12c: {  	[sflag:s22] =	ssyncadd.s32 $0xFFFFFC00  }
0x12d: {  	_ =	swait.ge [sflag:s22], $0x400  }
0x12e: {  	[sflag:s22] =	ssyncset.done $0x0  }
0x12f: {  	[sflag:s22] =	ssyncadd.s32 $0xFFFFFC00  }
0x130: {  	_ =	swait.ge [sflag:s22], $0x400  }
0x131: {  	[sflag:s22] =	ssyncset.done $0x0  }
0x132: {  	[sflag:s22] =	ssyncadd.s32 $0xFFFFFC00  }
0x133: {  	_ =	swait.ge [sflag:s22], $0x400  }
0x134: {  	[sflag:s22] =	ssyncset.done $0x0  }
0x135: {  	[sflag:s22] =	ssyncadd.s32 $0xFFFFFC00  }
0x136: {  	_ =	swait.ge [sflag:s22], $0x400  }
0x137: {  	[sflag:s22] =	ssyncset.done $0x0  }
0x138: {  	[sflag:s22] =	ssyncadd.s32 $0xFFFFFC00  }
0x139: {  	_ =	swait.ge [sflag:s22], $0x400  }
0x13a: {  	[sflag:s22] =	ssyncset.done $0x0  }
0x13b: {  	[sflag:s22] =	ssyncadd.s32 $0xFFFFFC00  }
0x13c: {  	_ =	swait.ge [sflag:s22], $0x400  }
0x13d: {  	[sflag:s22] =	ssyncset.done $0x0  }
0x13e: {  	[sflag:s22] =	ssyncadd.s32 $0xFFFFFC00  }
0x13f: {  	_ =	swait.ge [sflag:s22], $0x400  }
0x140: {  	[sflag:s22] =	ssyncset.done $0x0  }
0x141: {  	[sflag:s22] =	ssyncadd.s32 $0xFFFFFC00  }
0x142: {  	_ =	swait.ge [sflag:s22], $0x400  }
0x143: {  	[sflag:s22] =	ssyncset.done $0x0  }
0x144: {  	[sflag:s22] =	ssyncadd.s32 $0xFFFFFC00  }
0x145: {  	_ =	swait.ge [sflag:s22], $0x400  }
0x146: {  	[sflag:s22] =	ssyncset.done $0x0  }
0x147: {  	[sflag:s22] =	ssyncadd.s32 $0xFFFFFC00  }
0x148: {  	_ =	swait.ge [sflag:s22], $0x400  }
0x149: {  	[sflag:s22] =	ssyncset.done $0x0  }
0x14a: {  	[sflag:s22] =	ssyncadd.s32 $0xFFFFFC00  }
0x14b: {  	_ =	swait.ge [sflag:s22], $0x400  }
0x14c: {  	[sflag:s22] =	ssyncset.done $0x0  }
0x14d: {  	[sflag:s22] =	ssyncadd.s32 $0xFFFFFC00  }
0x14e: {  	_ =	swait.ge [sflag:s22], $0x400  }
0x14f: {  	[sflag:s22] =	ssyncset.done $0x0  }
0x150: {  	[sflag:s22] =	ssyncadd.s32 $0xFFFFFC00  }
0x151: {  	_ =	swait.ge [sflag:s22], $0x400  }
0x152: {  	[sflag:s22] =	ssyncset.done $0x0  }
0x153: {  	[sflag:s22] =	ssyncadd.s32 $0xFFFFFC00  }
0x154: {  	_ =	swait.ge [sflag:s22], $0x400  }
0x155: {  	[sflag:s22] =	ssyncset.done $0x0  }
0x156: {  	[sflag:s22] =	ssyncadd.s32 $0xFFFFFC00  }
0x157: {  	_ =	swait.ge [sflag:s22], $0x400  }
0x158: {  	[sflag:s22] =	ssyncset.done $0x0  }
0x159: {  	[sflag:s22] =	ssyncadd.s32 $0xFFFFFC00  }
0x15a: {  	_ =	swait.ge [sflag:s22], $0x400  }
0x15b: {  	[sflag:s22] =	ssyncset.done $0x0  }
0x15c: {  	[sflag:s22] =	ssyncadd.s32 $0xFFFFFC00  }
0x15d: {  	_ =	swait.ge [sflag:s22], $0x400  }
.Ltmp7:
0x15e: {  	[sflag:s22] =	ssyncset.done $0x0;
	(pc) =	sbr.rel .LBB2_8-.Ltmp7, $4  }
0x15f: {  	[sflag:s22] =	ssyncadd.s32 $0xFFFFFC00  }
0x160: {  	_ =	swait.ge [sflag:s22], $0x400  }
0x161: {  	[sflag:s22] =	ssyncset.done $0x0  }
0x162: {  	[sflag:s22] =	ssyncadd.s32 $0xFFFFFC00  }
.LBB2_9:
.Ltmp8:
0x163: {  	(pc) =	sbr.rel @p0 .LBB2_13-.Ltmp8, $1  }
0x164: {  	_ =	sdelay $0x3  }
0x165: {  	s0 =	simm.s32 $0x0;
	s3 =	rddreg [dreg:$0x6]  }
0x166: {  	[tilespmem:s0], [sflag:$0x1] =	stream.linear.gather [hbm4b:s3+s0], $0x2000, $0x38;
	[tilespmem:$0x10000] =	vst v63  }
0x167: {  	_ =	swait.ge [sflag:s21], $0x2000  }
0x168: {  	[sflag:s21] =	ssyncset.done $0x0  }
0x169: {  	s9 =	simm.s32 $0x0;
	s14 =	rddreg [dreg:$0xa];
	[sflag:s21] =	ssyncadd.s32 $0xFFFFE000  }
0x16a: {  	[hbm4b:s14+s4] =	stream.linear.scatter [tilespmem:s9], [sflag:$0x3], $0x80, $0x38;
	[tilespmem:$0x10000] =	vst v63  }
0x16b: {  	s13 =	simm.s32 $0x400;
	s16 =	sadd.s32 $0x10, s14  }
0x16c: {  	[hbm4b:s16+s4] =	stream.linear.scatter [tilespmem:s13], [sflag:$0x3], $0x80, $0x38;
	[tilespmem:$0x10000] =	vst v63  }
0x16d: {  	s17 =	simm.s32 $0x800;
	s19 =	sadd.s32 $0x20, s14  }
0x16e: {  	[hbm4b:s19+s4] =	stream.linear.scatter [tilespmem:s17], [sflag:$0x3], $0x80, $0x38;
	[tilespmem:$0x10000] =	vst v63  }
0x16f: {  	s20 =	simm.s32 $0xC00;
	s25 =	simm.s32 $0x1000;
	s24 =	sadd.s32 $0x30, s14  }
0x170: {  	[hbm4b:s24+s4] =	stream.linear.scatter [tilespmem:s20], [sflag:$0x3], $0x80, $0x38;
	[tilespmem:$0x10000] =	vst v63  }
0x171: {  	s28 =	simm.s32 $0x1400;
	s30 =	simm.s32 $0x1800;
	s26 =	sadd.s32 $0x40, s14  }
0x172: {  	[hbm4b:s26+s4] =	stream.linear.scatter [tilespmem:s25], [sflag:$0x3], $0x80, $0x38;
	[tilespmem:$0x10000] =	vst v63  }
0x173: {  	s0 =	simm.s32 $0x200;
	s29 =	sadd.s32 $0x50, s14;
	s31 =	sadd.s32 $0x60, s14  }
0x174: {  	[hbm4b:s29+s4] =	stream.linear.scatter [tilespmem:s28], [sflag:$0x3], $0x80, $0x38;
	[tilespmem:$0x10000] =	vst v63  }
0x175: {  	s3 =	sadd.s32 $0x1E880, s14;
	s9 =	simm.s32 $0x1C00;
	s13 =	sadd.s32 $0x70, s14  }
0x176: {  	[hbm4b:s31+s4] =	stream.linear.scatter [tilespmem:s30], [sflag:$0x3], $0x80, $0x38;
	[tilespmem:$0x10000] =	vst v63  }
.LBB2_11:
0x177: {  	[hbm4b:s13+s4] =	stream.linear.scatter [tilespmem:s9], [sflag:$0x3], $0x80, $0x38;
	[tilespmem:$0x10000] =	vst v63  }
0x178: {  	s9 =	sshra.s32 s0, $0x2;
	p1 =	sne.s32 s0, $0xE00;
	s0 =	sadd.s32 $0x200, s0  }
0x179: {  	[hbm4b:s3+s4] =	stream.linear.scatter [tilespmem:s9], [sflag:$0x3], $0x80, $0x38;
	[tilespmem:$0x10000] =	vst v63  }
0x17a: {  	s14 =	sadd.s32 $0x10, s3;
	s13 =	sadd.s32 $0x400, s9  }
0x17b: {  	[hbm4b:s14+s4] =	stream.linear.scatter [tilespmem:s13], [sflag:$0x3], $0x80, $0x38;
	[tilespmem:$0x10000] =	vst v63  }
0x17c: {  	s13 =	sadd.s32 $0x800, s9;
	s14 =	sadd.s32 $0x20, s3  }
0x17d: {  	[hbm4b:s14+s4] =	stream.linear.scatter [tilespmem:s13], [sflag:$0x3], $0x80, $0x38;
	[tilespmem:$0x10000] =	vst v63  }
0x17e: {  	s13 =	sadd.s32 $0xC00, s9;
	s14 =	sadd.s32 $0x30, s3  }
0x17f: {  	[hbm4b:s14+s4] =	stream.linear.scatter [tilespmem:s13], [sflag:$0x3], $0x80, $0x38;
	[tilespmem:$0x10000] =	vst v63  }
0x180: {  	s13 =	sadd.s32 $0x1000, s9;
	s14 =	sadd.s32 $0x40, s3  }
0x181: {  	[hbm4b:s14+s4] =	stream.linear.scatter [tilespmem:s13], [sflag:$0x3], $0x80, $0x38;
	[tilespmem:$0x10000] =	vst v63  }
.Ltmp9:
0x182: {  	s13 =	sadd.s32 $0x1400, s9;
	s14 =	sadd.s32 $0x50, s3;
	(pc) =	sbr.rel @p1 .LBB2_11-.Ltmp9, $4  }
0x183: {  	[hbm4b:s14+s4] =	stream.linear.scatter [tilespmem:s13], [sflag:$0x3], $0x80, $0x38;
	[tilespmem:$0x10000] =	vst v63  }
0x184: {  	s13 =	sadd.s32 $0x1800, s9;
	s14 =	sadd.s32 $0x60, s3  }
0x185: {  	[hbm4b:s14+s4] =	stream.linear.scatter [tilespmem:s13], [sflag:$0x3], $0x80, $0x38;
	[tilespmem:$0x10000] =	vst v63  }
0x186: {  	s9 =	sadd.s32 $0x1C00, s9;
	s13 =	sadd.s32 $0x70, s3;
	s3 =	sadd.s32 $0x1E880, s3  }
0x187: {  	[hbm4b:s13+s4] =	stream.linear.scatter [tilespmem:s9], [sflag:$0x3], $0x80, $0x38;
	[tilespmem:$0x10000] =	vst v63  }
0x188: {  	_ =	swait.ge [sflag:s22], $0x400  }
0x189: {  	[sflag:s22] =	ssyncset.done $0x0  }
0x18a: {  	[sflag:s22] =	ssyncadd.s32 $0xFFFFFC00  }
0x18b: {  	_ =	swait.ge [sflag:s22], $0x400  }
0x18c: {  	[sflag:s22] =	ssyncset.done $0x0  }
0x18d: {  	[sflag:s22] =	ssyncadd.s32 $0xFFFFFC00  }
0x18e: {  	_ =	swait.ge [sflag:s22], $0x400  }
0x18f: {  	[sflag:s22] =	ssyncset.done $0x0  }
0x190: {  	[sflag:s22] =	ssyncadd.s32 $0xFFFFFC00  }
0x191: {  	_ =	swait.ge [sflag:s22], $0x400  }
0x192: {  	[sflag:s22] =	ssyncset.done $0x0  }
0x193: {  	[sflag:s22] =	ssyncadd.s32 $0xFFFFFC00  }
0x194: {  	_ =	swait.ge [sflag:s22], $0x400  }
0x195: {  	[sflag:s22] =	ssyncset.done $0x0  }
0x196: {  	[sflag:s22] =	ssyncadd.s32 $0xFFFFFC00  }
0x197: {  	_ =	swait.ge [sflag:s22], $0x400  }
0x198: {  	[sflag:s22] =	ssyncset.done $0x0  }
0x199: {  	[sflag:s22] =	ssyncadd.s32 $0xFFFFFC00  }
0x19a: {  	_ =	swait.ge [sflag:s22], $0x400  }
0x19b: {  	[sflag:s22] =	ssyncset.done $0x0  }
0x19c: {  	[sflag:s22] =	ssyncadd.s32 $0xFFFFFC00  }
0x19d: {  	_ =	swait.ge [sflag:s22], $0x400  }
0x19e: {  	[sflag:s22] =	ssyncset.done $0x0  }
0x19f: {  	[sflag:s22] =	ssyncadd.s32 $0xFFFFFC00  }
.LBB2_13:
.Ltmp10:
0x1a0: {  	(pc) =	sbr.rel .LBB2_14-.Ltmp10, $3  }
0x1a1: {  	_ =	sdelay $0x1  }
0x1a2: {  	s25 =	simm.s32 $0x0;
	s0 =	rddreg [dreg:$0x7];
	s26 =	simm.s32 $0x0  }
0x1a3: {  	[tilespmem:s25], [sflag:$0x1] =	stream.linear.gather [hbm4b:s0+s25], $0x8000, $0x38;
	[tilespmem:$0x10000] =	vst v63  }
.LBB2_20:
0x1a4: {  	s26 =	sadd.s32 $0x1, s26  }
0x1a5: {  	p1 =	sne.s32 s26, $0x8  }
.Ltmp11:
0x1a6: {  	_ = 	snop;
	(pc) =	sbr.rel @!p1 .LBB2_21-.Ltmp11, $1  }
0x1a7: {  	_ =	sdelay $0x3  }
.LBB2_14:
0x1a8: {  	s29 =	sshll.u32 s26, $0x1  }
0x1a9: {  	p1 =	sge.u32 s29, s8  }
0x1aa: {  	_ =	swait.ge [sflag:s21], $0x8000;
	s0 =	sshll.u32 @!p1 s26, $0x14  }
0x1ab: {  	s28 =	sshll.u32 s26, $0x11;
	[sflag:s21] =	ssyncset.done $0x0;
	s0 =	sadd.s32 @!p1 s0, s15  }
0x1ac: {  	s14 =	sadd.s32 $0x0, s6;
	[sflag:s21] =	ssyncadd.s32 $0xFFFF8000;
	s0 =	sshrl.u32 @!p1 s0, $0x3  }
0x1ad: {  	s3 =	simm.s32 @!p1 $0x0;
	s9 =	simm.s32 @!p1 $0x8000;
	s0 =	sadd.s32 @!p1 s1, s0  }
0x1ae: {  	[tilespmem:s9], [sflag:$0x2] =	stream.linear.gather @!p1 [hbm4b:s0+s3], $0x8000, $0x38;
	[tilespmem:$0x10000] =	vst v63  }
0x1af: {  	s16 =	sand.u32 $0xC00, s25;
	s30 =	sor.u32 s10, s28;
	s0 =	smul.u32 $0xF4400, s14  }
0x1b0: {  	s13 =	simm.s32 $0x0;
	s17 =	sor.u32 s16, s30  }
0x1b1: {  	s19 =	sand.u32 $0x3FFFFF80, s13;
	s0 =	sadd.s32 s0, s17  }
0x1b2: {  	s3 =	sshll.u32 s16, $0x3;
	s9 =	simm.s32 $0x2;
	s0 =	sshrl.u32 s0, $0x3  }
0x1b3: {  	s31 =	sadd.s32 s19, s3;
	s19 =	simm.s32 $0x400;
	s0 =	sadd.s32 s2, s0  }
0x1b4: {  	[hbm4b:s0+s4] =	stream.linear.scatter [tilespmem:s31], [sflag:$0x3], $0x80, $0x38;
	[tilespmem:$0x10000] =	vst v63  }
0x1b5: {  	s3 =	sadd.s32 $0x400, s31;
	s24 =	sadd.s32 $0x800, s31;
	s20 =	sadd.s32 $0x10, s0  }
0x1b6: {  	[hbm4b:s20+s4] =	stream.linear.scatter [tilespmem:s3], [sflag:$0x3], $0x80, $0x38;
	[tilespmem:$0x10000] =	vst v63  }
0x1b7: {  	s13 =	sadd.s32 $0xC00, s31;
	s16 =	sadd.s32 $0x1000, s31;
	s7 =	sadd.s32 $0x20, s0  }
0x1b8: {  	[hbm4b:s7+s4] =	stream.linear.scatter [tilespmem:s24], [sflag:$0x3], $0x80, $0x38;
	[tilespmem:$0x10000] =	vst v63  }
0x1b9: {  	s14 =	sadd.s32 $0x30, s0;
	s17 =	sadd.s32 $0x40, s0;
	s20 =	sadd.s32 $0x1400, s31  }
0x1ba: {  	[hbm4b:s14+s4] =	stream.linear.scatter [tilespmem:s13], [sflag:$0x3], $0x80, $0x38;
	[tilespmem:$0x10000] =	vst v63  }
0x1bb: {  	s3 =	simm.s32 $0x800;
	s24 =	sadd.s32 $0x50, s0;
	s13 =	sand.u32 $0xC00, s19  }
0x1bc: {  	[hbm4b:s17+s4] =	stream.linear.scatter [tilespmem:s16], [sflag:$0x3], $0x80, $0x38;
	[tilespmem:$0x10000] =	vst v63  }
0x1bd: {  	s14 =	sadd.s32 $0x0, s6;
	s16 =	sadd.s32 $0x1800, s31;
	s17 =	simm.s32 $0x20  }
0x1be: {  	[hbm4b:s24+s4] =	stream.linear.scatter [tilespmem:s20], [sflag:$0x3], $0x80, $0x38;
	[tilespmem:$0x10000] =	vst v63  }
.LBB2_15:
0x1bf: {  	s19 =	sand.u32 $0xC00, s3  }
0x1c0: {  	s17 =	sand.u32 $0x3FFFFF80, s17;
	s20 =	sadd.s32 $0x60, s0;
	s24 =	smov.u32 s9  }
0x1c1: {  	s14 =	smul.u32 $0xF4400, s14;
	s7 =	sor.u32 s13, s30;
	s13 =	sshll.u32 s13, $0x3  }
0x1c2: {  	[hbm4b:s20+s4] =	stream.linear.scatter [tilespmem:s16], [sflag:$0x3], $0x80, $0x38;
	[tilespmem:$0x10000] =	vst v63  }
0x1c3: {  	s0 =	sadd.s32 $0x70, s0;
	s7 =	sadd.s32 s14, s7;
	s14 =	sadd.s32 $0x1C00, s31  }
0x1c4: {  	s20 =	sadd.s32 $0x1, s9;
	s31 =	sadd.s32 s17, s13;
	s7 =	sshrl.u32 s7, $0x3  }
0x1c5: {  	[hbm4b:s0+s4] =	stream.linear.scatter [tilespmem:s14], [sflag:$0x3], $0x80, $0x38;
	[tilespmem:$0x10000] =	vst v63  }
0x1c6: {  	p2 =	sne.s32 s9, $0x1F;
	s0 =	sadd.s32 s2, s7;
	s7 =	sadd.s32 $0x400, s31  }
0x1c7: {  	[hbm4b:s0+s4] =	stream.linear.scatter [tilespmem:s31], [sflag:$0x3], $0x80, $0x38;
	[tilespmem:$0x10000] =	vst v63  }
0x1c8: {  	s13 =	smov.u32 s19;
	s14 =	sadd.s32 $0x800, s31;
	s9 =	sadd.s32 $0x10, s0  }
0x1c9: {  	[hbm4b:s9+s4] =	stream.linear.scatter [tilespmem:s7], [sflag:$0x3], $0x80, $0x38;
	[tilespmem:$0x10000] =	vst v63  }
0x1ca: {  	s3 =	sadd.s32 $0x400, s3;
	s7 =	sadd.s32 $0x20, s0  }
0x1cb: {  	[hbm4b:s7+s4] =	stream.linear.scatter [tilespmem:s14], [sflag:$0x3], $0x80, $0x38;
	[tilespmem:$0x10000] =	vst v63  }
0x1cc: {  	s16 =	sadd.s32 $0x1800, s31;
	s9 =	sadd.s32 $0x30, s0;
	s7 =	sadd.s32 $0xC00, s31  }
0x1cd: {  	[hbm4b:s9+s4] =	stream.linear.scatter [tilespmem:s7], [sflag:$0x3], $0x80, $0x38;
	[tilespmem:$0x10000] =	vst v63  }
.Ltmp12:
0x1ce: {  	s7 =	sadd.s32 $0x1000, s31;
	s9 =	sadd.s32 $0x40, s0;
	(pc) =	sbr.rel @p2 .LBB2_15-.Ltmp12, $4  }
0x1cf: {  	[hbm4b:s9+s4] =	stream.linear.scatter [tilespmem:s7], [sflag:$0x3], $0x80, $0x38;
	[tilespmem:$0x10000] =	vst v63  }
0x1d0: {  	s14 =	sadd.s32 $0x50, s0;
	s7 =	sshrl.u32 s24, $0x2;
	s9 =	sadd.s32 $0x1400, s31  }
0x1d1: {  	[hbm4b:s14+s4] =	stream.linear.scatter [tilespmem:s9], [sflag:$0x3], $0x80, $0x38;
	[tilespmem:$0x10000] =	vst v63  }
0x1d2: {  	s17 =	sshll.u32 s24, $0x5;
	s14 =	sadd.s32 s6, s7;
	s9 =	smov.u32 s20  }
0x1d3: {  	s3 =	sadd.s32 $0x60, s0;
	s7 =	smul.u32 $0xF4400, s14;
	s9 =	sor.u32 s13, s30  }
0x1d4: {  	[hbm4b:s3+s4] =	stream.linear.scatter [tilespmem:s16], [sflag:$0x3], $0x80, $0x38;
	[tilespmem:$0x10000] =	vst v63  }
0x1d5: {  	s17 =	sand.u32 $0x3FFFFF80, s17;
	s19 =	sshll.u32 s13, $0x3;
	s7 =	sadd.s32 s7, s9  }
0x1d6: {  	s20 =	sadd.s32 $0x1C00, s31;
	s24 =	sadd.s32 $0x70, s0;
	s7 =	sshrl.u32 s7, $0x3  }
0x1d7: {  	[hbm4b:s24+s4] =	stream.linear.scatter [tilespmem:s20], [sflag:$0x3], $0x80, $0x38;
	[tilespmem:$0x10000] =	vst v63  }
0x1d8: {  	s0 =	sadd.s32 s17, s19;
	s3 =	sadd.s32 s2, s7  }
0x1d9: {  	[hbm4b:s3+s4] =	stream.linear.scatter [tilespmem:s0], [sflag:$0x3], $0x80, $0x38;
	[tilespmem:$0x10000] =	vst v63  }
0x1da: {  	s30 =	sadd.s32 $0x400, s0;
	s31 =	sadd.s32 $0x10, s3  }
0x1db: {  	[hbm4b:s31+s4] =	stream.linear.scatter [tilespmem:s30], [sflag:$0x3], $0x80, $0x38;
	[tilespmem:$0x10000] =	vst v63  }
0x1dc: {  	s9 =	sadd.s32 $0x800, s0;
	s13 =	sadd.s32 $0x20, s3  }
0x1dd: {  	[hbm4b:s13+s4] =	stream.linear.scatter [tilespmem:s9], [sflag:$0x3], $0x80, $0x38;
	[tilespmem:$0x10000] =	vst v63  }
0x1de: {  	s14 =	sadd.s32 $0xC00, s0;
	s16 =	sadd.s32 $0x30, s3  }
0x1df: {  	[hbm4b:s16+s4] =	stream.linear.scatter [tilespmem:s14], [sflag:$0x3], $0x80, $0x38;
	[tilespmem:$0x10000] =	vst v63  }
0x1e0: {  	s17 =	sadd.s32 $0x1000, s0;
	s19 =	sadd.s32 $0x40, s3  }
0x1e1: {  	[hbm4b:s19+s4] =	stream.linear.scatter [tilespmem:s17], [sflag:$0x3], $0x80, $0x38;
	[tilespmem:$0x10000] =	vst v63  }
0x1e2: {  	s20 =	sadd.s32 $0x1400, s0;
	s24 =	sadd.s32 $0x50, s3  }
0x1e3: {  	[hbm4b:s24+s4] =	stream.linear.scatter [tilespmem:s20], [sflag:$0x3], $0x80, $0x38;
	[tilespmem:$0x10000] =	vst v63  }
0x1e4: {  	s30 =	sadd.s32 $0x1800, s0;
	s31 =	sadd.s32 $0x60, s3  }
0x1e5: {  	[hbm4b:s31+s4] =	stream.linear.scatter [tilespmem:s30], [sflag:$0x3], $0x80, $0x38;
	[tilespmem:$0x10000] =	vst v63  }
0x1e6: {  	s0 =	sadd.s32 $0x1C00, s0;
	s3 =	sadd.s32 $0x70, s3  }
0x1e7: {  	[hbm4b:s3+s4] =	stream.linear.scatter [tilespmem:s0], [sflag:$0x3], $0x80, $0x38;
	[tilespmem:$0x10000] =	vst v63  }
0x1e8: {  	_ =	swait.ge [sflag:s22], $0x400  }
0x1e9: {  	[sflag:s22] =	ssyncset.done $0x0  }
0x1ea: {  	[sflag:s22] =	ssyncadd.s32 $0xFFFFFC00  }
0x1eb: {  	_ =	swait.ge [sflag:s22], $0x400  }
0x1ec: {  	[sflag:s22] =	ssyncset.done $0x0  }
0x1ed: {  	[sflag:s22] =	ssyncadd.s32 $0xFFFFFC00  }
0x1ee: {  	_ =	swait.ge [sflag:s22], $0x400  }
0x1ef: {  	[sflag:s22] =	ssyncset.done $0x0  }
0x1f0: {  	[sflag:s22] =	ssyncadd.s32 $0xFFFFFC00  }
0x1f1: {  	_ =	swait.ge [sflag:s22], $0x400  }
0x1f2: {  	[sflag:s22] =	ssyncset.done $0x0  }
0x1f3: {  	[sflag:s22] =	ssyncadd.s32 $0xFFFFFC00  }
0x1f4: {  	_ =	swait.ge [sflag:s22], $0x400  }
0x1f5: {  	[sflag:s22] =	ssyncset.done $0x0  }
0x1f6: {  	[sflag:s22] =	ssyncadd.s32 $0xFFFFFC00  }
0x1f7: {  	_ =	swait.ge [sflag:s22], $0x400  }
0x1f8: {  	[sflag:s22] =	ssyncset.done $0x0  }
0x1f9: {  	[sflag:s22] =	ssyncadd.s32 $0xFFFFFC00  }
0x1fa: {  	_ =	swait.ge [sflag:s22], $0x400  }
0x1fb: {  	[sflag:s22] =	ssyncset.done $0x0  }
0x1fc: {  	[sflag:s22] =	ssyncadd.s32 $0xFFFFFC00  }
0x1fd: {  	_ =	swait.ge [sflag:s22], $0x400  }
0x1fe: {  	[sflag:s22] =	ssyncset.done $0x0  }
0x1ff: {  	[sflag:s22] =	ssyncadd.s32 $0xFFFFFC00  }
0x200: {  	_ =	swait.ge [sflag:s22], $0x400  }
0x201: {  	[sflag:s22] =	ssyncset.done $0x0  }
0x202: {  	[sflag:s22] =	ssyncadd.s32 $0xFFFFFC00  }
0x203: {  	_ =	swait.ge [sflag:s22], $0x400  }
0x204: {  	[sflag:s22] =	ssyncset.done $0x0  }
0x205: {  	[sflag:s22] =	ssyncadd.s32 $0xFFFFFC00  }
0x206: {  	_ =	swait.ge [sflag:s22], $0x400  }
0x207: {  	[sflag:s22] =	ssyncset.done $0x0  }
0x208: {  	[sflag:s22] =	ssyncadd.s32 $0xFFFFFC00  }
0x209: {  	_ =	swait.ge [sflag:s22], $0x400  }
0x20a: {  	[sflag:s22] =	ssyncset.done $0x0  }
0x20b: {  	[sflag:s22] =	ssyncadd.s32 $0xFFFFFC00  }
0x20c: {  	_ =	swait.ge [sflag:s22], $0x400  }
0x20d: {  	[sflag:s22] =	ssyncset.done $0x0  }
0x20e: {  	[sflag:s22] =	ssyncadd.s32 $0xFFFFFC00  }
0x20f: {  	_ =	swait.ge [sflag:s22], $0x400  }
0x210: {  	[sflag:s22] =	ssyncset.done $0x0  }
0x211: {  	[sflag:s22] =	ssyncadd.s32 $0xFFFFFC00  }
0x212: {  	_ =	swait.ge [sflag:s22], $0x400  }
0x213: {  	[sflag:s22] =	ssyncset.done $0x0  }
0x214: {  	[sflag:s22] =	ssyncadd.s32 $0xFFFFFC00  }
0x215: {  	_ =	swait.ge [sflag:s22], $0x400  }
0x216: {  	[sflag:s22] =	ssyncset.done $0x0  }
0x217: {  	[sflag:s22] =	ssyncadd.s32 $0xFFFFFC00  }
0x218: {  	_ =	swait.ge [sflag:s22], $0x400  }
0x219: {  	[sflag:s22] =	ssyncset.done $0x0  }
0x21a: {  	[sflag:s22] =	ssyncadd.s32 $0xFFFFFC00  }
0x21b: {  	_ =	swait.ge [sflag:s22], $0x400  }
0x21c: {  	[sflag:s22] =	ssyncset.done $0x0  }
0x21d: {  	[sflag:s22] =	ssyncadd.s32 $0xFFFFFC00  }
0x21e: {  	_ =	swait.ge [sflag:s22], $0x400  }
0x21f: {  	[sflag:s22] =	ssyncset.done $0x0  }
0x220: {  	[sflag:s22] =	ssyncadd.s32 $0xFFFFFC00  }
0x221: {  	_ =	swait.ge [sflag:s22], $0x400  }
0x222: {  	[sflag:s22] =	ssyncset.done $0x0  }
0x223: {  	[sflag:s22] =	ssyncadd.s32 $0xFFFFFC00  }
0x224: {  	_ =	swait.ge [sflag:s22], $0x400  }
0x225: {  	[sflag:s22] =	ssyncset.done $0x0  }
0x226: {  	[sflag:s22] =	ssyncadd.s32 $0xFFFFFC00  }
0x227: {  	_ =	swait.ge [sflag:s22], $0x400  }
0x228: {  	[sflag:s22] =	ssyncset.done $0x0  }
0x229: {  	[sflag:s22] =	ssyncadd.s32 $0xFFFFFC00  }
0x22a: {  	_ =	swait.ge [sflag:s22], $0x400  }
0x22b: {  	[sflag:s22] =	ssyncset.done $0x0  }
0x22c: {  	[sflag:s22] =	ssyncadd.s32 $0xFFFFFC00  }
0x22d: {  	_ =	swait.ge [sflag:s22], $0x400  }
0x22e: {  	[sflag:s22] =	ssyncset.done $0x0  }
0x22f: {  	[sflag:s22] =	ssyncadd.s32 $0xFFFFFC00  }
0x230: {  	_ =	swait.ge [sflag:s22], $0x400  }
0x231: {  	[sflag:s22] =	ssyncset.done $0x0  }
0x232: {  	[sflag:s22] =	ssyncadd.s32 $0xFFFFFC00  }
0x233: {  	_ =	swait.ge [sflag:s22], $0x400  }
0x234: {  	[sflag:s22] =	ssyncset.done $0x0  }
0x235: {  	[sflag:s22] =	ssyncadd.s32 $0xFFFFFC00  }
0x236: {  	_ =	swait.ge [sflag:s22], $0x400  }
0x237: {  	[sflag:s22] =	ssyncset.done $0x0  }
0x238: {  	[sflag:s22] =	ssyncadd.s32 $0xFFFFFC00  }
0x239: {  	_ =	swait.ge [sflag:s22], $0x400  }
0x23a: {  	[sflag:s22] =	ssyncset.done $0x0  }
0x23b: {  	[sflag:s22] =	ssyncadd.s32 $0xFFFFFC00  }
0x23c: {  	_ =	swait.ge [sflag:s22], $0x400  }
0x23d: {  	[sflag:s22] =	ssyncset.done $0x0  }
0x23e: {  	[sflag:s22] =	ssyncadd.s32 $0xFFFFFC00  }
0x23f: {  	_ =	swait.ge [sflag:s22], $0x400  }
0x240: {  	[sflag:s22] =	ssyncset.done $0x0  }
0x241: {  	[sflag:s22] =	ssyncadd.s32 $0xFFFFFC00  }
0x242: {  	_ =	swait.ge [sflag:s22], $0x400  }
.Ltmp13:
0x243: {  	[sflag:s22] =	ssyncset.done $0x0;
	(pc) =	sbr.rel @p1 .LBB2_20-.Ltmp13, $4  }
0x244: {  	[sflag:s22] =	ssyncadd.s32 $0xFFFFFC00  }
0x245: {  	_ =	swait.ge [sflag:s22], $0x400  }
0x246: {  	[sflag:s22] =	ssyncset.done $0x0  }
0x247: {  	[sflag:s22] =	ssyncadd.s32 $0xFFFFFC00  }
0x248: {  	s0 =	sadd.s32 $0x2, s29  }
0x249: {  	p1 =	sgt.u32 s0, s8  }
0x24a: {  	s0 =	sshll.u32 @!p1 s0, $0x13  }
0x24b: {  	_ =	swait.ge [sflag:s23], $0x8000;
	s14 =	simm.s32 $0x0;
	s0 =	sadd.s32 @!p1 s0, s12  }
0x24c: {  	s16 =	sadd.s32 $0x0, s6;
	[sflag:s23] =	ssyncset.done $0x0;
	s0 =	sshrl.u32 @!p1 s0, $0x3  }
0x24d: {  	[sflag:s23] =	ssyncadd.s32 $0xFFFF8000;
	s3 =	simm.s32 @!p1 $0x0;
	s0 =	sadd.s32 @!p1 s1, s0  }
0x24e: {  	[tilespmem:s3], [sflag:$0x1] =	stream.linear.gather @!p1 [hbm4b:s0+s3], $0x8000, $0x38;
	[tilespmem:$0x10000] =	vst v63  }
0x24f: {  	s28 =	sor.u32 s18, s28;
	s0 =	sand.u32 $0xC00, s14;
	s3 =	smul.u32 $0xF4400, s16  }
0x250: {  	s7 =	simm.s32 $0x0;
	s30 =	simm.s32 $0x800;
	s9 =	sor.u32 s28, s0  }
0x251: {  	s7 =	sand.u32 $0x3FFFFF80, s7;
	s0 =	sshll.u32 s0, $0x3;
	s3 =	sadd.s32 s3, s9  }
0x252: {  	s16 =	simm.s32 $0x400;
	s7 =	sadd.s32 s7, s0;
	s17 =	sshrl.u32 s3, $0x3  }
0x253: {  	s0 =	simm.s32 $0x2;
	s19 =	sadd.s32 $0x8000, s7;
	s29 =	sadd.s32 s2, s17  }
0x254: {  	[hbm4b:s29+s4] =	stream.linear.scatter [tilespmem:s19], [sflag:$0x3], $0x80, $0x38;
	[tilespmem:$0x10000] =	vst v63  }
0x255: {  	s20 =	sadd.s32 $0x8400, s7;
	s3 =	sadd.s32 $0x8800, s7;
	s24 =	sadd.s32 $0x10, s29  }
0x256: {  	[hbm4b:s24+s4] =	stream.linear.scatter [tilespmem:s20], [sflag:$0x3], $0x80, $0x38;
	[tilespmem:$0x10000] =	vst v63  }
0x257: {  	s13 =	sadd.s32 $0x8C00, s7;
	s31 =	sadd.s32 $0x9C00, s7;
	s9 =	sadd.s32 $0x20, s29  }
0x258: {  	[hbm4b:s9+s4] =	stream.linear.scatter [tilespmem:s3], [sflag:$0x3], $0x80, $0x38;
	[tilespmem:$0x10000] =	vst v63  }
0x259: {  	s17 =	sadd.s32 $0x9000, s7;
	s14 =	sadd.s32 $0x30, s29;
	s19 =	sadd.s32 $0x40, s29  }
0x25a: {  	[hbm4b:s14+s4] =	stream.linear.scatter [tilespmem:s13], [sflag:$0x3], $0x80, $0x38;
	[tilespmem:$0x10000] =	vst v63  }
0x25b: {  	s20 =	sadd.s32 $0x9400, s7;
	s24 =	sadd.s32 $0x50, s29;
	s3 =	sand.u32 $0xC00, s16  }
0x25c: {  	[hbm4b:s19+s4] =	stream.linear.scatter [tilespmem:s17], [sflag:$0x3], $0x80, $0x38;
	[tilespmem:$0x10000] =	vst v63  }
0x25d: {  	s9 =	sadd.s32 $0x0, s6;
	s13 =	sadd.s32 $0x9800, s7;
	s14 =	simm.s32 $0x20  }
0x25e: {  	[hbm4b:s24+s4] =	stream.linear.scatter [tilespmem:s20], [sflag:$0x3], $0x80, $0x38;
	[tilespmem:$0x10000] =	vst v63  }
.LBB2_18:
0x25f: {  	s7 =	sand.u32 $0xC00, s30  }
0x260: {  	s14 =	sand.u32 $0x3FFFFF80, s14;
	s16 =	sadd.s32 $0x60, s29;
	s17 =	smov.u32 s0  }
0x261: {  	s9 =	smul.u32 $0xF4400, s9;
	s19 =	sor.u32 s28, s3;
	s3 =	sshll.u32 s3, $0x3  }
0x262: {  	[hbm4b:s16+s4] =	stream.linear.scatter [tilespmem:s13], [sflag:$0x3], $0x80, $0x38;
	[tilespmem:$0x10000] =	vst v63  }
0x263: {  	s9 =	sadd.s32 s9, s19;
	s16 =	sadd.s32 s14, s3;
	s3 =	sadd.s32 $0x70, s29  }
0x264: {  	p1 =	sne.s32 s0, $0x1F;
	s0 =	sadd.s32 $0x1, s0;
	s9 =	sshrl.u32 s9, $0x3  }
0x265: {  	[hbm4b:s3+s4] =	stream.linear.scatter [tilespmem:s31], [sflag:$0x3], $0x80, $0x38;
	[tilespmem:$0x10000] =	vst v63  }
0x266: {  	s29 =	sadd.s32 s2, s9;
	s9 =	sadd.s32 $0x8400, s16;
	s3 =	sadd.s32 $0x8000, s16  }
0x267: {  	[hbm4b:s29+s4] =	stream.linear.scatter [tilespmem:s3], [sflag:$0x3], $0x80, $0x38;
	[tilespmem:$0x10000] =	vst v63  }
0x268: {  	s13 =	sadd.s32 $0x10, s29;
	s3 =	smov.u32 s7  }
0x269: {  	[hbm4b:s13+s4] =	stream.linear.scatter [tilespmem:s9], [sflag:$0x3], $0x80, $0x38;
	[tilespmem:$0x10000] =	vst v63  }
0x26a: {  	s30 =	sadd.s32 $0x400, s30;
	s7 =	sadd.s32 $0x8800, s16;
	s9 =	sadd.s32 $0x20, s29  }
0x26b: {  	[hbm4b:s9+s4] =	stream.linear.scatter [tilespmem:s7], [sflag:$0x3], $0x80, $0x38;
	[tilespmem:$0x10000] =	vst v63  }
0x26c: {  	s13 =	sadd.s32 $0x9800, s16;
	s7 =	sadd.s32 $0x8C00, s16;
	s9 =	sadd.s32 $0x30, s29  }
0x26d: {  	[hbm4b:s9+s4] =	stream.linear.scatter [tilespmem:s7], [sflag:$0x3], $0x80, $0x38;
	[tilespmem:$0x10000] =	vst v63  }
.Ltmp14:
0x26e: {  	s7 =	sadd.s32 $0x9000, s16;
	s9 =	sadd.s32 $0x40, s29;
	(pc) =	sbr.rel @p1 .LBB2_18-.Ltmp14, $4  }
0x26f: {  	[hbm4b:s9+s4] =	stream.linear.scatter [tilespmem:s7], [sflag:$0x3], $0x80, $0x38;
	[tilespmem:$0x10000] =	vst v63  }
0x270: {  	s14 =	sadd.s32 $0x50, s29;
	s7 =	sshrl.u32 s17, $0x2;
	s9 =	sadd.s32 $0x9400, s16  }
0x271: {  	[hbm4b:s14+s4] =	stream.linear.scatter [tilespmem:s9], [sflag:$0x3], $0x80, $0x38;
	[tilespmem:$0x10000] =	vst v63  }
0x272: {  	s31 =	sadd.s32 $0x9C00, s16;
	s9 =	sadd.s32 s6, s7;
	s14 =	sshll.u32 s17, $0x5  }
0x273: {  	s0 =	sadd.s32 $0x60, s29;
	s7 =	smul.u32 $0xF4400, s9;
	s20 =	sor.u32 s28, s3  }
0x274: {  	[hbm4b:s0+s4] =	stream.linear.scatter [tilespmem:s13], [sflag:$0x3], $0x80, $0x38;
	[tilespmem:$0x10000] =	vst v63  }
0x275: {  	s24 =	sand.u32 $0x3FFFFF80, s14;
	s28 =	sshll.u32 s3, $0x3;
	s7 =	sadd.s32 s7, s20  }
0x276: {  	s30 =	sadd.s32 $0x70, s29;
	s0 =	sadd.s32 s24, s28;
	s7 =	sshrl.u32 s7, $0x3  }
0x277: {  	[hbm4b:s30+s4] =	stream.linear.scatter [tilespmem:s31], [sflag:$0x3], $0x80, $0x38;
	[tilespmem:$0x10000] =	vst v63  }
0x278: {  	s31 =	sadd.s32 $0x8000, s0;
	s3 =	sadd.s32 s2, s7  }
0x279: {  	[hbm4b:s3+s4] =	stream.linear.scatter [tilespmem:s31], [sflag:$0x3], $0x80, $0x38;
	[tilespmem:$0x10000] =	vst v63  }
0x27a: {  	s9 =	sadd.s32 $0x8400, s0;
	s13 =	sadd.s32 $0x10, s3  }
0x27b: {  	[hbm4b:s13+s4] =	stream.linear.scatter [tilespmem:s9], [sflag:$0x3], $0x80, $0x38;
	[tilespmem:$0x10000] =	vst v63  }
0x27c: {  	s14 =	sadd.s32 $0x8800, s0;
	s16 =	sadd.s32 $0x20, s3  }
0x27d: {  	[hbm4b:s16+s4] =	stream.linear.scatter [tilespmem:s14], [sflag:$0x3], $0x80, $0x38;
	[tilespmem:$0x10000] =	vst v63  }
0x27e: {  	s17 =	sadd.s32 $0x8C00, s0;
	s19 =	sadd.s32 $0x30, s3  }
0x27f: {  	[hbm4b:s19+s4] =	stream.linear.scatter [tilespmem:s17], [sflag:$0x3], $0x80, $0x38;
	[tilespmem:$0x10000] =	vst v63  }
0x280: {  	s20 =	sadd.s32 $0x9000, s0;
	s24 =	sadd.s32 $0x40, s3  }
0x281: {  	[hbm4b:s24+s4] =	stream.linear.scatter [tilespmem:s20], [sflag:$0x3], $0x80, $0x38;
	[tilespmem:$0x10000] =	vst v63  }
0x282: {  	s28 =	sadd.s32 $0x9400, s0;
	s29 =	sadd.s32 $0x50, s3  }
0x283: {  	[hbm4b:s29+s4] =	stream.linear.scatter [tilespmem:s28], [sflag:$0x3], $0x80, $0x38;
	[tilespmem:$0x10000] =	vst v63  }
0x284: {  	s30 =	sadd.s32 $0x9800, s0;
	s31 =	sadd.s32 $0x60, s3  }
0x285: {  	[hbm4b:s31+s4] =	stream.linear.scatter [tilespmem:s30], [sflag:$0x3], $0x80, $0x38;
	[tilespmem:$0x10000] =	vst v63  }
0x286: {  	s0 =	sadd.s32 $0x9C00, s0;
	s3 =	sadd.s32 $0x70, s3  }
0x287: {  	[hbm4b:s3+s4] =	stream.linear.scatter [tilespmem:s0], [sflag:$0x3], $0x80, $0x38;
	[tilespmem:$0x10000] =	vst v63  }
0x288: {  	_ =	swait.ge [sflag:s22], $0x400  }
0x289: {  	[sflag:s22] =	ssyncset.done $0x0  }
0x28a: {  	[sflag:s22] =	ssyncadd.s32 $0xFFFFFC00  }
0x28b: {  	_ =	swait.ge [sflag:s22], $0x400  }
0x28c: {  	[sflag:s22] =	ssyncset.done $0x0  }
0x28d: {  	[sflag:s22] =	ssyncadd.s32 $0xFFFFFC00  }
0x28e: {  	_ =	swait.ge [sflag:s22], $0x400  }
0x28f: {  	[sflag:s22] =	ssyncset.done $0x0  }
0x290: {  	[sflag:s22] =	ssyncadd.s32 $0xFFFFFC00  }
0x291: {  	_ =	swait.ge [sflag:s22], $0x400  }
0x292: {  	[sflag:s22] =	ssyncset.done $0x0  }
0x293: {  	[sflag:s22] =	ssyncadd.s32 $0xFFFFFC00  }
0x294: {  	_ =	swait.ge [sflag:s22], $0x400  }
0x295: {  	[sflag:s22] =	ssyncset.done $0x0  }
0x296: {  	[sflag:s22] =	ssyncadd.s32 $0xFFFFFC00  }
0x297: {  	_ =	swait.ge [sflag:s22], $0x400  }
0x298: {  	[sflag:s22] =	ssyncset.done $0x0  }
0x299: {  	[sflag:s22] =	ssyncadd.s32 $0xFFFFFC00  }
0x29a: {  	_ =	swait.ge [sflag:s22], $0x400  }
0x29b: {  	[sflag:s22] =	ssyncset.done $0x0  }
0x29c: {  	[sflag:s22] =	ssyncadd.s32 $0xFFFFFC00  }
0x29d: {  	_ =	swait.ge [sflag:s22], $0x400  }
0x29e: {  	[sflag:s22] =	ssyncset.done $0x0  }
0x29f: {  	[sflag:s22] =	ssyncadd.s32 $0xFFFFFC00  }
0x2a0: {  	_ =	swait.ge [sflag:s22], $0x400  }
0x2a1: {  	[sflag:s22] =	ssyncset.done $0x0  }
0x2a2: {  	[sflag:s22] =	ssyncadd.s32 $0xFFFFFC00  }
0x2a3: {  	_ =	swait.ge [sflag:s22], $0x400  }
0x2a4: {  	[sflag:s22] =	ssyncset.done $0x0  }
0x2a5: {  	[sflag:s22] =	ssyncadd.s32 $0xFFFFFC00  }
0x2a6: {  	_ =	swait.ge [sflag:s22], $0x400  }
0x2a7: {  	[sflag:s22] =	ssyncset.done $0x0  }
0x2a8: {  	[sflag:s22] =	ssyncadd.s32 $0xFFFFFC00  }
0x2a9: {  	_ =	swait.ge [sflag:s22], $0x400  }
0x2aa: {  	[sflag:s22] =	ssyncset.done $0x0  }
0x2ab: {  	[sflag:s22] =	ssyncadd.s32 $0xFFFFFC00  }
0x2ac: {  	_ =	swait.ge [sflag:s22], $0x400  }
0x2ad: {  	[sflag:s22] =	ssyncset.done $0x0  }
0x2ae: {  	[sflag:s22] =	ssyncadd.s32 $0xFFFFFC00  }
0x2af: {  	_ =	swait.ge [sflag:s22], $0x400  }
0x2b0: {  	[sflag:s22] =	ssyncset.done $0x0  }
0x2b1: {  	[sflag:s22] =	ssyncadd.s32 $0xFFFFFC00  }
0x2b2: {  	_ =	swait.ge [sflag:s22], $0x400  }
0x2b3: {  	[sflag:s22] =	ssyncset.done $0x0  }
0x2b4: {  	[sflag:s22] =	ssyncadd.s32 $0xFFFFFC00  }
0x2b5: {  	_ =	swait.ge [sflag:s22], $0x400  }
0x2b6: {  	[sflag:s22] =	ssyncset.done $0x0  }
0x2b7: {  	[sflag:s22] =	ssyncadd.s32 $0xFFFFFC00  }
0x2b8: {  	_ =	swait.ge [sflag:s22], $0x400  }
0x2b9: {  	[sflag:s22] =	ssyncset.done $0x0  }
0x2ba: {  	[sflag:s22] =	ssyncadd.s32 $0xFFFFFC00  }
0x2bb: {  	_ =	swait.ge [sflag:s22], $0x400  }
0x2bc: {  	[sflag:s22] =	ssyncset.done $0x0  }
0x2bd: {  	[sflag:s22] =	ssyncadd.s32 $0xFFFFFC00  }
0x2be: {  	_ =	swait.ge [sflag:s22], $0x400  }
0x2bf: {  	[sflag:s22] =	ssyncset.done $0x0  }
0x2c0: {  	[sflag:s22] =	ssyncadd.s32 $0xFFFFFC00  }
0x2c1: {  	_ =	swait.ge [sflag:s22], $0x400  }
0x2c2: {  	[sflag:s22] =	ssyncset.done $0x0  }
0x2c3: {  	[sflag:s22] =	ssyncadd.s32 $0xFFFFFC00  }
0x2c4: {  	_ =	swait.ge [sflag:s22], $0x400  }
0x2c5: {  	[sflag:s22] =	ssyncset.done $0x0  }
0x2c6: {  	[sflag:s22] =	ssyncadd.s32 $0xFFFFFC00  }
0x2c7: {  	_ =	swait.ge [sflag:s22], $0x400  }
0x2c8: {  	[sflag:s22] =	ssyncset.done $0x0  }
0x2c9: {  	[sflag:s22] =	ssyncadd.s32 $0xFFFFFC00  }
0x2ca: {  	_ =	swait.ge [sflag:s22], $0x400  }
0x2cb: {  	[sflag:s22] =	ssyncset.done $0x0  }
0x2cc: {  	[sflag:s22] =	ssyncadd.s32 $0xFFFFFC00  }
0x2cd: {  	_ =	swait.ge [sflag:s22], $0x400  }
0x2ce: {  	[sflag:s22] =	ssyncset.done $0x0  }
0x2cf: {  	[sflag:s22] =	ssyncadd.s32 $0xFFFFFC00  }
0x2d0: {  	_ =	swait.ge [sflag:s22], $0x400  }
0x2d1: {  	[sflag:s22] =	ssyncset.done $0x0  }
0x2d2: {  	[sflag:s22] =	ssyncadd.s32 $0xFFFFFC00  }
0x2d3: {  	_ =	swait.ge [sflag:s22], $0x400  }
0x2d4: {  	[sflag:s22] =	ssyncset.done $0x0  }
0x2d5: {  	[sflag:s22] =	ssyncadd.s32 $0xFFFFFC00  }
0x2d6: {  	_ =	swait.ge [sflag:s22], $0x400  }
0x2d7: {  	[sflag:s22] =	ssyncset.done $0x0  }
0x2d8: {  	[sflag:s22] =	ssyncadd.s32 $0xFFFFFC00  }
0x2d9: {  	_ =	swait.ge [sflag:s22], $0x400  }
0x2da: {  	[sflag:s22] =	ssyncset.done $0x0  }
0x2db: {  	[sflag:s22] =	ssyncadd.s32 $0xFFFFFC00  }
0x2dc: {  	_ =	swait.ge [sflag:s22], $0x400  }
0x2dd: {  	[sflag:s22] =	ssyncset.done $0x0  }
0x2de: {  	[sflag:s22] =	ssyncadd.s32 $0xFFFFFC00  }
0x2df: {  	_ =	swait.ge [sflag:s22], $0x400  }
0x2e0: {  	[sflag:s22] =	ssyncset.done $0x0  }
0x2e1: {  	[sflag:s22] =	ssyncadd.s32 $0xFFFFFC00  }
0x2e2: {  	_ =	swait.ge [sflag:s22], $0x400  }
.Ltmp15:
0x2e3: {  	[sflag:s22] =	ssyncset.done $0x0;
	(pc) =	sbr.rel .LBB2_20-.Ltmp15, $4  }
0x2e4: {  	[sflag:s22] =	ssyncadd.s32 $0xFFFFFC00  }
0x2e5: {  	_ =	swait.ge [sflag:s22], $0x400  }
0x2e6: {  	[sflag:s22] =	ssyncset.done $0x0  }
0x2e7: {  	[sflag:s22] =	ssyncadd.s32 $0xFFFFFC00  }
.LBB2_21:
.Ltmp16:
0x2e8: {  	(pc) =	sbr.rel @p0 .LBB2_25-.Ltmp16, $2  }
0x2e9: {  	_ =	sdelay $0x2  }
0x2ea: {  	s3 =	rddreg [dreg:$0xc]  }
0x2eb: {  	s0 =	simm.s32 $0x0;
	s3 =	rddreg [dreg:$0x8]  }
0x2ec: {  	[tilespmem:s0], [sflag:$0x1] =	stream.linear.gather [hbm4b:s3+s0], $0x2000, $0x38;
	[tilespmem:$0x10000] =	vst v63  }
0x2ed: {  	_ =	swait.ge [sflag:s21], $0x2000  }
0x2ee: {  	[sflag:s21] =	ssyncset.done $0x0  }
0x2ef: {  	s13 =	simm.s32 $0x0;
	s7 =	rddreg [dreg:$0xb];
	[sflag:s21] =	ssyncadd.s32 $0xFFFFE000  }
0x2f0: {  	[hbm4b:s7+s4] =	stream.linear.scatter [tilespmem:s13], [sflag:$0x3], $0x80, $0x38;
	[tilespmem:$0x10000] =	vst v63  }
0x2f1: {  	s14 =	simm.s32 $0x400;
	s16 =	sadd.s32 $0x10, s7  }
0x2f2: {  	[hbm4b:s16+s4] =	stream.linear.scatter [tilespmem:s14], [sflag:$0x3], $0x80, $0x38;
	[tilespmem:$0x10000] =	vst v63  }
0x2f3: {  	s17 =	simm.s32 $0x800;
	s19 =	sadd.s32 $0x20, s7  }
0x2f4: {  	[hbm4b:s19+s4] =	stream.linear.scatter [tilespmem:s17], [sflag:$0x3], $0x80, $0x38;
	[tilespmem:$0x10000] =	vst v63  }
0x2f5: {  	s20 =	simm.s32 $0xC00;
	s25 =	simm.s32 $0x1000;
	s24 =	sadd.s32 $0x30, s7  }
0x2f6: {  	[hbm4b:s24+s4] =	stream.linear.scatter [tilespmem:s20], [sflag:$0x3], $0x80, $0x38;
	[tilespmem:$0x10000] =	vst v63  }
0x2f7: {  	s28 =	simm.s32 $0x1400;
	s30 =	simm.s32 $0x1800;
	s26 =	sadd.s32 $0x40, s7  }
0x2f8: {  	[hbm4b:s26+s4] =	stream.linear.scatter [tilespmem:s25], [sflag:$0x3], $0x80, $0x38;
	[tilespmem:$0x10000] =	vst v63  }
0x2f9: {  	s9 =	simm.s32 $0x1C00;
	s0 =	simm.s32 $0x200;
	s29 =	sadd.s32 $0x50, s7  }
0x2fa: {  	[hbm4b:s29+s4] =	stream.linear.scatter [tilespmem:s28], [sflag:$0x3], $0x80, $0x38;
	[tilespmem:$0x10000] =	vst v63  }
0x2fb: {  	s31 =	sadd.s32 $0x60, s7;
	s3 =	sadd.s32 $0x1E880, s7;
	s13 =	sadd.s32 $0x70, s7  }
0x2fc: {  	[hbm4b:s31+s4] =	stream.linear.scatter [tilespmem:s30], [sflag:$0x3], $0x80, $0x38;
	[tilespmem:$0x10000] =	vst v63  }
.LBB2_23:
0x2fd: {  	[hbm4b:s13+s4] =	stream.linear.scatter [tilespmem:s9], [sflag:$0x3], $0x80, $0x38;
	[tilespmem:$0x10000] =	vst v63  }
0x2fe: {  	s7 =	sshra.s32 s0, $0x2;
	p1 =	sne.s32 s0, $0xE00;
	s0 =	sadd.s32 $0x200, s0  }
0x2ff: {  	[hbm4b:s3+s4] =	stream.linear.scatter [tilespmem:s7], [sflag:$0x3], $0x80, $0x38;
	[tilespmem:$0x10000] =	vst v63  }
0x300: {  	s13 =	sadd.s32 $0x10, s3;
	s9 =	sadd.s32 $0x400, s7  }
0x301: {  	[hbm4b:s13+s4] =	stream.linear.scatter [tilespmem:s9], [sflag:$0x3], $0x80, $0x38;
	[tilespmem:$0x10000] =	vst v63  }
0x302: {  	s9 =	sadd.s32 $0x800, s7;
	s13 =	sadd.s32 $0x20, s3  }
0x303: {  	[hbm4b:s13+s4] =	stream.linear.scatter [tilespmem:s9], [sflag:$0x3], $0x80, $0x38;
	[tilespmem:$0x10000] =	vst v63  }
0x304: {  	s9 =	sadd.s32 $0xC00, s7;
	s13 =	sadd.s32 $0x30, s3  }
0x305: {  	[hbm4b:s13+s4] =	stream.linear.scatter [tilespmem:s9], [sflag:$0x3], $0x80, $0x38;
	[tilespmem:$0x10000] =	vst v63  }
0x306: {  	s9 =	sadd.s32 $0x1000, s7;
	s13 =	sadd.s32 $0x40, s3  }
0x307: {  	[hbm4b:s13+s4] =	stream.linear.scatter [tilespmem:s9], [sflag:$0x3], $0x80, $0x38;
	[tilespmem:$0x10000] =	vst v63  }
.Ltmp17:
0x308: {  	s9 =	sadd.s32 $0x1400, s7;
	s13 =	sadd.s32 $0x50, s3;
	(pc) =	sbr.rel @p1 .LBB2_23-.Ltmp17, $4  }
0x309: {  	[hbm4b:s13+s4] =	stream.linear.scatter [tilespmem:s9], [sflag:$0x3], $0x80, $0x38;
	[tilespmem:$0x10000] =	vst v63  }
0x30a: {  	s9 =	sadd.s32 $0x1800, s7;
	s13 =	sadd.s32 $0x60, s3  }
0x30b: {  	[hbm4b:s13+s4] =	stream.linear.scatter [tilespmem:s9], [sflag:$0x3], $0x80, $0x38;
	[tilespmem:$0x10000] =	vst v63  }
0x30c: {  	s9 =	sadd.s32 $0x1C00, s7;
	s13 =	sadd.s32 $0x70, s3;
	s3 =	sadd.s32 $0x1E880, s3  }
0x30d: {  	[hbm4b:s13+s4] =	stream.linear.scatter [tilespmem:s9], [sflag:$0x3], $0x80, $0x38;
	[tilespmem:$0x10000] =	vst v63  }
0x30e: {  	_ =	swait.ge [sflag:s22], $0x400  }
0x30f: {  	[sflag:s22] =	ssyncset.done $0x0  }
0x310: {  	[sflag:s22] =	ssyncadd.s32 $0xFFFFFC00  }
0x311: {  	_ =	swait.ge [sflag:s22], $0x400  }
0x312: {  	[sflag:s22] =	ssyncset.done $0x0  }
0x313: {  	[sflag:s22] =	ssyncadd.s32 $0xFFFFFC00  }
0x314: {  	_ =	swait.ge [sflag:s22], $0x400  }
0x315: {  	[sflag:s22] =	ssyncset.done $0x0  }
0x316: {  	[sflag:s22] =	ssyncadd.s32 $0xFFFFFC00  }
0x317: {  	_ =	swait.ge [sflag:s22], $0x400  }
0x318: {  	[sflag:s22] =	ssyncset.done $0x0  }
0x319: {  	[sflag:s22] =	ssyncadd.s32 $0xFFFFFC00  }
0x31a: {  	_ =	swait.ge [sflag:s22], $0x400  }
0x31b: {  	[sflag:s22] =	ssyncset.done $0x0  }
0x31c: {  	[sflag:s22] =	ssyncadd.s32 $0xFFFFFC00  }
0x31d: {  	_ =	swait.ge [sflag:s22], $0x400  }
0x31e: {  	[sflag:s22] =	ssyncset.done $0x0  }
0x31f: {  	[sflag:s22] =	ssyncadd.s32 $0xFFFFFC00  }
0x320: {  	_ =	swait.ge [sflag:s22], $0x400  }
.Ltmp18:
0x321: {  	[sflag:s22] =	ssyncset.done $0x0;
	(pc) =	sbr.rel .LBB2_25-.Ltmp18, $4  }
0x322: {  	[sflag:s22] =	ssyncadd.s32 $0xFFFFFC00  }
0x323: {  	_ =	swait.ge [sflag:s22], $0x400  }
0x324: {  	[sflag:s22] =	ssyncset.done $0x0  }
0x325: {  	s3 =	rddreg [dreg:$0xc];
	[sflag:s22] =	ssyncadd.s32 $0xFFFFFC00  }
.LBB2_26:
0x326: {  	_ =	sfence.sel $0x180000  }
0x327: {  	[bflag:$0x0] =	sbarrier.arrive $0xFFFF  }
0x328: {  	_ =	strace $0x90000047  }
0x329: {  	s0 =	stileid.u32;
	[bflag:$0x2] =	sbarrier.arrive $0xFFFF  }
0x32a: {  	p0 =	sne.s32 s0, $0x0;
	s0 =	rddreg [dreg:$0x3]  }
0x32b: {  	s0 =	sadd.s32 @!p0 $0x100000, s0  }
0x32c: {  	[sflag:s0] =	ssyncadd.tile.s32 @!p0 $0x1;
	_ =	shalt  }
.Lfunc_end2:
_tile_overlayer_lowered:
.L_overlay_start_2:
0x32d: {  	(tag) =	ssettag $0x2  }
0x32e: {  	s0 =	rddreg [dreg:$0x0];
	s2 =	stileid.u32  }
0x32f: {  	s1 =	rddreg [dreg:$0x1];
	p0 =	sne.s32 s2, $0x0  }
0x330: {  	s3 =	rddreg [dreg:$0x2];
	[bflag:$0x3] =	sbarrier.arrive $0xFFFF;
	s2 =	simm.s32 @!p0 $0x1C04  }
0x331: {  	[timem:s3], [sflag:s2] =	dma.local @!p0 [hbm:s0], s1  }
0x332: {  	s0 =	simm.s32 @!p0 $0x4  }
0x333: {  	_ =	swait.ge @!p0 [sflag:s0], s1  }
0x334: {  	s1 =	ssub.s32 @!p0 $0x0, s1;
	[sflag:s0] =	ssyncset.done @!p0 $0x0  }
0x335: {  	[sflag:s0] =	ssyncadd.s32 @!p0 s1  }
0x336: {  	[bflag:$0x3] =	sbarrier.arrive $0xFFFF  }
0x337: {  	_ =	shalt  }

</sc_bundles>
